<compile_context>
chip_gen: v7x
topology: tpu7x:2x2x1
jax: 0.10.2.dev20260603
libtpu: 0.0.44.dev20260713+nightly
codegen_flags: <defaults>
</compile_context>

<pallas_src>
import functools

import jax
import jax.numpy as jnp
from jax import lax
from jax.experimental import pallas as pl
from jax.experimental.pallas import tpu as pltpu
from jax.experimental.pallas import tpu_sc as plsc

_LR_SCALE = 10.0
_WEIGHT_SCALE = 0.2

_NS = 16
_LANES = 16


def _sc_lookup_scale(weight):
    f_dim, c_dim = weight.shape
    rows_pw = f_dim // _NS
    per_row = c_dim // _LANES
    scale = _LR_SCALE * _WEIGHT_SCALE

    def body(w_hbm, out_hbm, v):
        wid = lax.axis_index("s")
        base = wid * rows_pw
        pltpu.sync_copy(w_hbm.at[pl.ds(base, rows_pw), :], v)
        for r in range(rows_pw):
            for k in range(per_row):
                sl = pl.ds(k * _LANES, _LANES)
                v[r, sl] = v[r, sl] * scale
        pltpu.sync_copy(v, out_hbm.at[pl.ds(base, rows_pw), :])

    mesh = plsc.VectorSubcoreMesh(
        core_axis_name="c", subcore_axis_name="s", num_cores=1
    )
    fn = functools.partial(
        pl.kernel,
        mesh=mesh,
        out_type=jax.ShapeDtypeStruct((f_dim, c_dim), jnp.float32),
        scratch_types=[pltpu.VMEM((rows_pw, c_dim), jnp.float32)],
    )(body)
    return fn(weight)


_NGRP = 8


def _tc_expand(tbl, batch, f_dim, c_dim, t_dim):
    rows = c_dim * f_dim
    cpg = c_dim // _NGRP

    def body(t_ref, out_ref, scratch_ref, sem):
        t = t_ref[...]
        copies = []
        for g in range(_NGRP):
            for c in range(g * cpg, (g + 1) * cpg):
                col = lax.slice(t, (0, c), (f_dim, c + 1))
                scratch_ref[pl.ds(c * f_dim, f_dim), :] = lax.broadcast_in_dim(
                    col, (f_dim, t_dim), (0, 1)
                )
            sl = pl.ds(g * cpg * f_dim, cpg * f_dim)
            for b in range(batch):
                cp = pltpu.make_async_copy(
                    scratch_ref.at[sl, :], out_ref.at[b, sl, :], sem
                )
                cp.start()
                copies.append(cp)
        for cp in copies:
            cp.wait()

    return pl.pallas_call(
        body,
        in_specs=[pl.BlockSpec(memory_space=pltpu.VMEM)],
        out_specs=pl.BlockSpec(memory_space=pl.ANY),
        out_shape=jax.ShapeDtypeStruct((batch, rows, t_dim), jnp.float32),
        scratch_shapes=[
            pltpu.VMEM((rows, t_dim), jnp.float32),
            pltpu.SemaphoreType.DMA,
        ],
        compiler_params=pltpu.CompilerParams(
            vmem_limit_bytes=100 * 1024 * 1024,
        ),
    )(tbl)


def kernel(input_features, weight):
    batch, c_dim, f_dim, t_dim = input_features.shape
    tbl = _sc_lookup_scale(weight)
    out3 = _tc_expand(tbl, batch, f_dim, c_dim, t_dim)
    return out3.reshape(batch, c_dim, f_dim, t_dim)

# --- scband reference (transcript-rebuilt; emitter-appended) ---
"""Pipeline reference for scband-htdemucs-scaled-frequency-embedding-62251255989093 (READ-ONLY COPY).

The authoritative reference and input builder live on the scoring server;
editing this copy changes nothing except your own understanding.
"""

import jax, jax.numpy as jnp
import numpy as np

LR_SCALE = 10.0
WEIGHT_SCALE = 0.2


def setup_inputs(seed: int = 0) -> dict:
    key = jax.random.key(seed)
    k1, k2 = jax.random.split(key)
    B, C, F, T = 4, 48, 512, 512
    input_features = jax.random.normal(k1, (B, C, F, T), dtype=jnp.float32)
    # Embedding weight initialized exactly like the torch module's __init__:
    # cumsum along frequency axis, smoothed by sqrt(1..F), divided by lr_scale.
    w = jax.random.normal(k2, (F, C), dtype=jnp.float32)
    w = jnp.cumsum(w, axis=0)
    smoothing = jnp.sqrt(jnp.arange(1, F + 1, dtype=jnp.float32))[:, None]
    w = w / smoothing
    w = w / LR_SCALE
    return {"input_features": input_features, "weight": w}


def reference(input_features, weight):
    F = input_features.shape[-2]
    frequencies = jnp.arange(F)
    # embedding lookup (gather) over all frequency bins
    embeddings = LR_SCALE * jnp.take(weight, frequencies, axis=0)  # [F, C]
    embeddings = jnp.transpose(embeddings, (1, 0))[None, :, :, None]  # [1, C, F, 1]
    embeddings = jnp.broadcast_to(embeddings, input_features.shape)  # [B, C, F, T]
    embeddings = WEIGHT_SCALE * embeddings
    return embeddings

if __name__ == "__main__":
    import jax
    _d = setup_inputs()
    print(jax.jit(kernel)(*tuple(_d.values())))

</pallas_src>

<mosaic_0001>
#map = affine_map<(d0, d1) -> (0, 0)>
module attributes {stable_mosaic.version = 14 : i64} {
  func.func @body(%arg0: i32, %arg1: i32, %arg2: memref<512x48xf32, #tpu.memory_space<hbm>>, %arg3: memref<512x48xf32, #tpu.memory_space<hbm>>, %arg4: memref<32x48xf32, #tpu.memory_space<vmem>>) attributes {dimension_semantics = [#tpu.dimension_semantics<core_parallel>, #tpu.dimension_semantics<subcore_parallel>], iteration_bounds = array<i64: 1, 16>, scalar_prefetch = 0 : i64, scratch_operands = 1 : i64, tpu.core_type = #tpu.core_type<sc_vector_subcore>, window_params = [{transform_indices = #map}, {transform_indices = #map}]} {
    %mul3A = arith.constant 32 : i32
    %mul3A_0 = arith.muli %arg1, %mul3A : i32
    "tpu.region"() ({
      %run_scoped3A = tpu.sem_alloc : memref<!tpu.dma_semaphore, #tpu.memory_space<semaphore_mem>>
      %dma_start3A = arith.constant 0 : i32
      %dma_start3A_1343 = tpu.memref_slice %arg2[%mul3A_0, %dma_start3A] : memref<512x48xf32, #tpu.memory_space<hbm>> -> memref<32x48xf32, #tpu.memory_space<hbm>>
      %dma_start3A_1344 = arith.constant 0 : i32
      %dma_start3A_1345 = tpu.memref_slice %arg2[%mul3A_0, %dma_start3A_1344] : memref<512x48xf32, #tpu.memory_space<hbm>> -> memref<32x48xf32, #tpu.memory_space<hbm>>
      tpu.enqueue_dma source(%dma_start3A_1345 : memref<32x48xf32, #tpu.memory_space<hbm>>) target(%arg4 : memref<32x48xf32, #tpu.memory_space<vmem>>) target_semaphore(%run_scoped3A : memref<!tpu.dma_semaphore, #tpu.memory_space<semaphore_mem>>)
      %dma_wait3A = arith.constant 0 : i32
      %dma_wait3A_1346 = tpu.memref_slice %arg2[%mul3A_0, %dma_wait3A] : memref<512x48xf32, #tpu.memory_space<hbm>> -> memref<32x48xf32, #tpu.memory_space<hbm>>
      %dma_wait3A_1347 = arith.constant 0 : i32
      %dma_wait3A_1348 = tpu.memref_slice %arg2[%mul3A_0, %dma_wait3A_1347] : memref<512x48xf32, #tpu.memory_space<hbm>> -> memref<32x48xf32, #tpu.memory_space<hbm>>
      tpu.wait_dma2 semaphore(%run_scoped3A : memref<!tpu.dma_semaphore, #tpu.memory_space<semaphore_mem>>) src(%dma_wait3A_1348 : memref<32x48xf32, #tpu.memory_space<hbm>>) dst(%arg4 : memref<32x48xf32, #tpu.memory_space<vmem>>)
      tpu.yield
    }) : () -> ()
    %get3A = arith.constant 0 : i32
    %get3A_1 = arith.index_cast %get3A : i32 to index
    %get3A_2 = arith.constant 0 : index
    %get3A_3 = tpu.vector_load %arg4[%get3A_1, %get3A_2] {strides = array<i32>} : memref<32x48xf32, #tpu.memory_space<vmem>>, vector<1x16xf32>,
    %get3A_4 = vector.shape_cast %get3A_3 : vector<1x16xf32> to vector<16xf32>
    %mul3A_5 = arith.constant 2.000000e+00 : f32
    %mul3A_6 = vector.broadcast %mul3A_5 : f32 to vector<16xf32>
    %mul3A_7 = arith.mulf %get3A_4, %mul3A_6 : vector<16xf32>
    %swap3A = arith.constant 0 : i32
    %swap3A_8 = arith.index_cast %swap3A : i32 to index
    %swap3A_9 = arith.constant 0 : index
    %swap3A_10 = tpu.vector_load %arg4[%swap3A_8, %swap3A_9] {strides = array<i32>} : memref<32x48xf32, #tpu.memory_space<vmem>>, vector<1x16xf32>,
    %swap3A_11 = vector.shape_cast %swap3A_10 : vector<1x16xf32> to vector<16xf32>
    %swap3A_12 = vector.shape_cast %mul3A_7 : vector<16xf32> to vector<1x16xf32>
    tpu.vector_store %arg4[%swap3A_8, %swap3A_9], %swap3A_12 {strides = array<i32>} : memref<32x48xf32, #tpu.memory_space<vmem>>, vector<1x16xf32>,
    %get3A_13 = arith.constant 0 : i32
    %get3A_14 = arith.index_cast %get3A_13 : i32 to index
    %get3A_15 = arith.constant 16 : index
    %get3A_16 = tpu.vector_load %arg4[%get3A_14, %get3A_15] {strides = array<i32>} : memref<32x48xf32, #tpu.memory_space<vmem>>, vector<1x16xf32>,
    %get3A_17 = vector.shape_cast %get3A_16 : vector<1x16xf32> to vector<16xf32>
    %mul3A_18 = arith.constant 2.000000e+00 : f32
    %mul3A_19 = vector.broadcast %mul3A_18 : f32 to vector<16xf32>
    %mul3A_20 = arith.mulf %get3A_17, %mul3A_19 : vector<16xf32>
    %swap3A_21 = arith.constant 0 : i32
    %swap3A_22 = arith.index_cast %swap3A_21 : i32 to index
    %swap3A_23 = arith.constant 16 : index
    %swap3A_24 = tpu.vector_load %arg4[%swap3A_22, %swap3A_23] {strides = array<i32>} : memref<32x48xf32, #tpu.memory_space<vmem>>, vector<1x16xf32>,
    %swap3A_25 = vector.shape_cast %swap3A_24 : vector<1x16xf32> to vector<16xf32>
    %swap3A_26 = vector.shape_cast %mul3A_20 : vector<16xf32> to vector<1x16xf32>
    tpu.vector_store %arg4[%swap3A_22, %swap3A_23], %swap3A_26 {strides = array<i32>} : memref<32x48xf32, #tpu.memory_space<vmem>>, vector<1x16xf32>,
    %get3A_27 = arith.constant 0 : i32
    %get3A_28 = arith.index_cast %get3A_27 : i32 to index
    %get3A_29 = arith.constant 32 : index
    %get3A_30 = tpu.vector_load %arg4[%get3A_28, %get3A_29] {strides = array<i32>} : memref<32x48xf32, #tpu.memory_space<vmem>>, vector<1x16xf32>,
    %get3A_31 = vector.shape_cast %get3A_30 : vector<1x16xf32> to vector<16xf32>
    %mul3A_32 = arith.constant 2.000000e+00 : f32
    %mul3A_33 = vector.broadcast %mul3A_32 : f32 to vector<16xf32>
    %mul3A_34 = arith.mulf %get3A_31, %mul3A_33 : vector<16xf32>
    %swap3A_35 = arith.constant 0 : i32
    %swap3A_36 = arith.index_cast %swap3A_35 : i32 to index
    %swap3A_37 = arith.constant 32 : index
    %swap3A_38 = tpu.vector_load %arg4[%swap3A_36, %swap3A_37] {strides = array<i32>} : memref<32x48xf32, #tpu.memory_space<vmem>>, vector<1x16xf32>,
    %swap3A_39 = vector.shape_cast %swap3A_38 : vector<1x16xf32> to vector<16xf32>
    %swap3A_40 = vector.shape_cast %mul3A_34 : vector<16xf32> to vector<1x16xf32>
    tpu.vector_store %arg4[%swap3A_36, %swap3A_37], %swap3A_40 {strides = array<i32>} : memref<32x48xf32, #tpu.memory_space<vmem>>, vector<1x16xf32>,
    %get3A_41 = arith.constant 1 : i32
    %get3A_42 = arith.index_cast %get3A_41 : i32 to index
    %get3A_43 = arith.constant 0 : index
    %get3A_44 = tpu.vector_load %arg4[%get3A_42, %get3A_43] {strides = array<i32>} : memref<32x48xf32, #tpu.memory_space<vmem>>, vector<1x16xf32>,
    %get3A_45 = vector.shape_cast %get3A_44 : vector<1x16xf32> to vector<16xf32>
    %mul3A_46 = arith.constant 2.000000e+00 : f32
    %mul3A_47 = vector.broadcast %mul3A_46 : f32 to vector<16xf32>
    %mul3A_48 = arith.mulf %get3A_45, %mul3A_47 : vector<16xf32>
    %swap3A_49 = arith.constant 1 : i32
    %swap3A_50 = arith.index_cast %swap3A_49 : i32 to index
    %swap3A_51 = arith.constant 0 : index
    %swap3A_52 = tpu.vector_load %arg4[%swap3A_50, %swap3A_51] {strides = array<i32>} : memref<32x48xf32, #tpu.memory_space<vmem>>, vector<1x16xf32>,
    %swap3A_53 = vector.shape_cast %swap3A_52 : vector<1x16xf32> to vector<16xf32>
    %swap3A_54 = vector.shape_cast %mul3A_48 : vector<16xf32> to vector<1x16xf32>
    tpu.vector_store %arg4[%swap3A_50, %swap3A_51], %swap3A_54 {strides = array<i32>} : memref<32x48xf32, #tpu.memory_space<vmem>>, vector<1x16xf32>,
    %get3A_55 = arith.constant 1 : i32
    %get3A_56 = arith.index_cast %get3A_55 : i32 to index
    %get3A_57 = arith.constant 16 : index
    %get3A_58 = tpu.vector_load %arg4[%get3A_56, %get3A_57] {strides = array<i32>} : memref<32x48xf32, #tpu.memory_space<vmem>>, vector<1x16xf32>,
    %get3A_59 = vector.shape_cast %get3A_58 : vector<1x16xf32> to vector<16xf32>
    %mul3A_60 = arith.constant 2.000000e+00 : f32
    %mul3A_61 = vector.broadcast %mul3A_60 : f32 to vector<16xf32>
    %mul3A_62 = arith.mulf %get3A_59, %mul3A_61 : vector<16xf32>
    %swap3A_63 = arith.constant 1 : i32
    %swap3A_64 = arith.index_cast %swap3A_63 : i32 to index
    %swap3A_65 = arith.constant 16 : index
    %swap3A_66 = tpu.vector_load %arg4[%swap3A_64, %swap3A_65] {strides = array<i32>} : memref<32x48xf32, #tpu.memory_space<vmem>>, vector<1x16xf32>,
    %swap3A_67 = vector.shape_cast %swap3A_66 : vector<1x16xf32> to vector<16xf32>
    %swap3A_68 = vector.shape_cast %mul3A_62 : vector<16xf32> to vector<1x16xf32>
    tpu.vector_store %arg4[%swap3A_64, %swap3A_65], %swap3A_68 {strides = array<i32>} : memref<32x48xf32, #tpu.memory_space<vmem>>, vector<1x16xf32>,
    %get3A_69 = arith.constant 1 : i32
    %get3A_70 = arith.index_cast %get3A_69 : i32 to index
    %get3A_71 = arith.constant 32 : index
    %get3A_72 = tpu.vector_load %arg4[%get3A_70, %get3A_71] {strides = array<i32>} : memref<32x48xf32, #tpu.memory_space<vmem>>, vector<1x16xf32>,
    %get3A_73 = vector.shape_cast %get3A_72 : vector<1x16xf32> to vector<16xf32>
    %mul3A_74 = arith.constant 2.000000e+00 : f32
    %mul3A_75 = vector.broadcast %mul3A_74 : f32 to vector<16xf32>
    %mul3A_76 = arith.mulf %get3A_73, %mul3A_75 : vector<16xf32>
    %swap3A_77 = arith.constant 1 : i32
    %swap3A_78 = arith.index_cast %swap3A_77 : i32 to index
    %swap3A_79 = arith.constant 32 : index
    %swap3A_80 = tpu.vector_load %arg4[%swap3A_78, %swap3A_79] {strides = array<i32>} : memref<32x48xf32, #tpu.memory_space<vmem>>, vector<1x16xf32>,
    %swap3A_81 = vector.shape_cast %swap3A_80 : vector<1x16xf32> to vector<16xf32>
    %swap3A_82 = vector.shape_cast %mul3A_76 : vector<16xf32> to vector<1x16xf32>
    tpu.vector_store %arg4[%swap3A_78, %swap3A_79], %swap3A_82 {strides = array<i32>} : memref<32x48xf32, #tpu.memory_space<vmem>>, vector<1x16xf32>,
    %get3A_83 = arith.constant 2 : i32
    %get3A_84 = arith.index_cast %get3A_83 : i32 to index
    %get3A_85 = arith.constant 0 : index
    %get3A_86 = tpu.vector_load %arg4[%get3A_84, %get3A_85] {strides = array<i32>} : memref<32x48xf32, #tpu.memory_space<vmem>>, vector<1x16xf32>,
    %get3A_87 = vector.shape_cast %get3A_86 : vector<1x16xf32> to vector<16xf32>
    %mul3A_88 = arith.constant 2.000000e+00 : f32
    %mul3A_89 = vector.broadcast %mul3A_88 : f32 to vector<16xf32>
    %mul3A_90 = arith.mulf %get3A_87, %mul3A_89 : vector<16xf32>
    %swap3A_91 = arith.constant 2 : i32
    %swap3A_92 = arith.index_cast %swap3A_91 : i32 to index
    %swap3A_93 = arith.constant 0 : index
    %swap3A_94 = tpu.vector_load %arg4[%swap3A_92, %swap3A_93] {strides = array<i32>} : memref<32x48xf32, #tpu.memory_space<vmem>>, vector<1x16xf32>,
    %swap3A_95 = vector.shape_cast %swap3A_94 : vector<1x16xf32> to vector<16xf32>
    %swap3A_96 = vector.shape_cast %mul3A_90 : vector<16xf32> to vector<1x16xf32>
    tpu.vector_store %arg4[%swap3A_92, %swap3A_93], %swap3A_96 {strides = array<i32>} : memref<32x48xf32, #tpu.memory_space<vmem>>, vector<1x16xf32>,
    %get3A_97 = arith.constant 2 : i32
    %get3A_98 = arith.index_cast %get3A_97 : i32 to index
    %get3A_99 = arith.constant 16 : index
    %get3A_100 = tpu.vector_load %arg4[%get3A_98, %get3A_99] {strides = array<i32>} : memref<32x48xf32, #tpu.memory_space<vmem>>, vector<1x16xf32>,
    %get3A_101 = vector.shape_cast %get3A_100 : vector<1x16xf32> to vector<16xf32>
    %mul3A_102 = arith.constant 2.000000e+00 : f32
    %mul3A_103 = vector.broadcast %mul3A_102 : f32 to vector<16xf32>
    %mul3A_104 = arith.mulf %get3A_101, %mul3A_103 : vector<16xf32>
    %swap3A_105 = arith.constant 2 : i32
    %swap3A_106 = arith.index_cast %swap3A_105 : i32 to index
    %swap3A_107 = arith.constant 16 : index
    %swap3A_108 = tpu.vector_load %arg4[%swap3A_106, %swap3A_107] {strides = array<i32>} : memref<32x48xf32, #tpu.memory_space<vmem>>, vector<1x16xf32>,
    %swap3A_109 = vector.shape_cast %swap3A_108 : vector<1x16xf32> to vector<16xf32>
    %swap3A_110 = vector.shape_cast %mul3A_104 : vector<16xf32> to vector<1x16xf32>
    tpu.vector_store %arg4[%swap3A_106, %swap3A_107], %swap3A_110 {strides = array<i32>} : memref<32x48xf32, #tpu.memory_space<vmem>>, vector<1x16xf32>,
    %get3A_111 = arith.constant 2 : i32
    %get3A_112 = arith.index_cast %get3A_111 : i32 to index
    %get3A_113 = arith.constant 32 : index
    %get3A_114 = tpu.vector_load %arg4[%get3A_112, %get3A_113] {strides = array<i32>} : memref<32x48xf32, #tpu.memory_space<vmem>>, vector<1x16xf32>,
    %get3A_115 = vector.shape_cast %get3A_114 : vector<1x16xf32> to vector<16xf32>
    %mul3A_116 = arith.constant 2.000000e+00 : f32
    %mul3A_117 = vector.broadcast %mul3A_116 : f32 to vector<16xf32>
    %mul3A_118 = arith.mulf %get3A_115, %mul3A_117 : vector<16xf32>
    %swap3A_119 = arith.constant 2 : i32
    %swap3A_120 = arith.index_cast %swap3A_119 : i32 to index
    %swap3A_121 = arith.constant 32 : index
    %swap3A_122 = tpu.vector_load %arg4[%swap3A_120, %swap3A_121] {strides = array<i32>} : memref<32x48xf32, #tpu.memory_space<vmem>>, vector<1x16xf32>,
    %swap3A_123 = vector.shape_cast %swap3A_122 : vector<1x16xf32> to vector<16xf32>
    %swap3A_124 = vector.shape_cast %mul3A_118 : vector<16xf32> to vector<1x16xf32>
    tpu.vector_store %arg4[%swap3A_120, %swap3A_121], %swap3A_124 {strides = array<i32>} : memref<32x48xf32, #tpu.memory_space<vmem>>, vector<1x16xf32>,
    %get3A_125 = arith.constant 3 : i32
    %get3A_126 = arith.index_cast %get3A_125 : i32 to index
    %get3A_127 = arith.constant 0 : index
    %get3A_128 = tpu.vector_load %arg4[%get3A_126, %get3A_127] {strides = array<i32>} : memref<32x48xf32, #tpu.memory_space<vmem>>, vector<1x16xf32>,
    %get3A_129 = vector.shape_cast %get3A_128 : vector<1x16xf32> to vector<16xf32>
    %mul3A_130 = arith.constant 2.000000e+00 : f32
    %mul3A_131 = vector.broadcast %mul3A_130 : f32 to vector<16xf32>
    %mul3A_132 = arith.mulf %get3A_129, %mul3A_131 : vector<16xf32>
    %swap3A_133 = arith.constant 3 : i32
    %swap3A_134 = arith.index_cast %swap3A_133 : i32 to index
    %swap3A_135 = arith.constant 0 : index
    %swap3A_136 = tpu.vector_load %arg4[%swap3A_134, %swap3A_135] {strides = array<i32>} : memref<32x48xf32, #tpu.memory_space<vmem>>, vector<1x16xf32>,
    %swap3A_137 = vector.shape_cast %swap3A_136 : vector<1x16xf32> to vector<16xf32>
    %swap3A_138 = vector.shape_cast %mul3A_132 : vector<16xf32> to vector<1x16xf32>
    tpu.vector_store %arg4[%swap3A_134, %swap3A_135], %swap3A_138 {strides = array<i32>} : memref<32x48xf32, #tpu.memory_space<vmem>>, vector<1x16xf32>,
    %get3A_139 = arith.constant 3 : i32
    %get3A_140 = arith.index_cast %get3A_139 : i32 to index
    %get3A_141 = arith.constant 16 : index
    %get3A_142 = tpu.vector_load %arg4[%get3A_140, %get3A_141] {strides = array<i32>} : memref<32x48xf32, #tpu.memory_space<vmem>>, vector<1x16xf32>,
    %get3A_143 = vector.shape_cast %get3A_142 : vector<1x16xf32> to vector<16xf32>
    %mul3A_144 = arith.constant 2.000000e+00 : f32
    %mul3A_145 = vector.broadcast %mul3A_144 : f32 to vector<16xf32>
    %mul3A_146 = arith.mulf %get3A_143, %mul3A_145 : vector<16xf32>
    %swap3A_147 = arith.constant 3 : i32
    %swap3A_148 = arith.index_cast %swap3A_147 : i32 to index
    %swap3A_149 = arith.constant 16 : index
    %swap3A_150 = tpu.vector_load %arg4[%swap3A_148, %swap3A_149] {strides = array<i32>} : memref<32x48xf32, #tpu.memory_space<vmem>>, vector<1x16xf32>,
    %swap3A_151 = vector.shape_cast %swap3A_150 : vector<1x16xf32> to vector<16xf32>
    %swap3A_152 = vector.shape_cast %mul3A_146 : vector<16xf32> to vector<1x16xf32>
    tpu.vector_store %arg4[%swap3A_148, %swap3A_149], %swap3A_152 {strides = array<i32>} : memref<32x48xf32, #tpu.memory_space<vmem>>, vector<1x16xf32>,
    %get3A_153 = arith.constant 3 : i32
    %get3A_154 = arith.index_cast %get3A_153 : i32 to index
    %get3A_155 = arith.constant 32 : index
    %get3A_156 = tpu.vector_load %arg4[%get3A_154, %get3A_155] {strides = array<i32>} : memref<32x48xf32, #tpu.memory_space<vmem>>, vector<1x16xf32>,
    %get3A_157 = vector.shape_cast %get3A_156 : vector<1x16xf32> to vector<16xf32>
    %mul3A_158 = arith.constant 2.000000e+00 : f32
    %mul3A_159 = vector.broadcast %mul3A_158 : f32 to vector<16xf32>
    %mul3A_160 = arith.mulf %get3A_157, %mul3A_159 : vector<16xf32>
    %swap3A_161 = arith.constant 3 : i32
    %swap3A_162 = arith.index_cast %swap3A_161 : i32 to index
    %swap3A_163 = arith.constant 32 : index
    %swap3A_164 = tpu.vector_load %arg4[%swap3A_162, %swap3A_163] {strides = array<i32>} : memref<32x48xf32, #tpu.memory_space<vmem>>, vector<1x16xf32>,
    %swap3A_165 = vector.shape_cast %swap3A_164 : vector<1x16xf32> to vector<16xf32>
    %swap3A_166 = vector.shape_cast %mul3A_160 : vector<16xf32> to vector<1x16xf32>
    tpu.vector_store %arg4[%swap3A_162, %swap3A_163], %swap3A_166 {strides = array<i32>} : memref<32x48xf32, #tpu.memory_space<vmem>>, vector<1x16xf32>,
    %get3A_167 = arith.constant 4 : i32
    %get3A_168 = arith.index_cast %get3A_167 : i32 to index
    %get3A_169 = arith.constant 0 : index
    %get3A_170 = tpu.vector_load %arg4[%get3A_168, %get3A_169] {strides = array<i32>} : memref<32x48xf32, #tpu.memory_space<vmem>>, vector<1x16xf32>,
    %get3A_171 = vector.shape_cast %get3A_170 : vector<1x16xf32> to vector<16xf32>
    %mul3A_172 = arith.constant 2.000000e+00 : f32
    %mul3A_173 = vector.broadcast %mul3A_172 : f32 to vector<16xf32>
    %mul3A_174 = arith.mulf %get3A_171, %mul3A_173 : vector<16xf32>
    %swap3A_175 = arith.constant 4 : i32
    %swap3A_176 = arith.index_cast %swap3A_175 : i32 to index
    %swap3A_177 = arith.constant 0 : index
    %swap3A_178 = tpu.vector_load %arg4[%swap3A_176, %swap3A_177] {strides = array<i32>} : memref<32x48xf32, #tpu.memory_space<vmem>>, vector<1x16xf32>,
    %swap3A_179 = vector.shape_cast %swap3A_178 : vector<1x16xf32> to vector<16xf32>
    %swap3A_180 = vector.shape_cast %mul3A_174 : vector<16xf32> to vector<1x16xf32>
    tpu.vector_store %arg4[%swap3A_176, %swap3A_177], %swap3A_180 {strides = array<i32>} : memref<32x48xf32, #tpu.memory_space<vmem>>, vector<1x16xf32>,
    %get3A_181 = arith.constant 4 : i32
    %get3A_182 = arith.index_cast %get3A_181 : i32 to index
    %get3A_183 = arith.constant 16 : index
    %get3A_184 = tpu.vector_load %arg4[%get3A_182, %get3A_183] {strides = array<i32>} : memref<32x48xf32, #tpu.memory_space<vmem>>, vector<1x16xf32>,
    %get3A_185 = vector.shape_cast %get3A_184 : vector<1x16xf32> to vector<16xf32>
    %mul3A_186 = arith.constant 2.000000e+00 : f32
    %mul3A_187 = vector.broadcast %mul3A_186 : f32 to vector<16xf32>
    %mul3A_188 = arith.mulf %get3A_185, %mul3A_187 : vector<16xf32>
    %swap3A_189 = arith.constant 4 : i32
    %swap3A_190 = arith.index_cast %swap3A_189 : i32 to index
    %swap3A_191 = arith.constant 16 : index
    %swap3A_192 = tpu.vector_load %arg4[%swap3A_190, %swap3A_191] {strides = array<i32>} : memref<32x48xf32, #tpu.memory_space<vmem>>, vector<1x16xf32>,
    %swap3A_193 = vector.shape_cast %swap3A_192 : vector<1x16xf32> to vector<16xf32>
    %swap3A_194 = vector.shape_cast %mul3A_188 : vector<16xf32> to vector<1x16xf32>
    tpu.vector_store %arg4[%swap3A_190, %swap3A_191], %swap3A_194 {strides = array<i32>} : memref<32x48xf32, #tpu.memory_space<vmem>>, vector<1x16xf32>,
    %get3A_195 = arith.constant 4 : i32
    %get3A_196 = arith.index_cast %get3A_195 : i32 to index
    %get3A_197 = arith.constant 32 : index
    %get3A_198 = tpu.vector_load %arg4[%get3A_196, %get3A_197] {strides = array<i32>} : memref<32x48xf32, #tpu.memory_space<vmem>>, vector<1x16xf32>,
    %get3A_199 = vector.shape_cast %get3A_198 : vector<1x16xf32> to vector<16xf32>
    %mul3A_200 = arith.constant 2.000000e+00 : f32
    %mul3A_201 = vector.broadcast %mul3A_200 : f32 to vector<16xf32>
    %mul3A_202 = arith.mulf %get3A_199, %mul3A_201 : vector<16xf32>
    %swap3A_203 = arith.constant 4 : i32
    %swap3A_204 = arith.index_cast %swap3A_203 : i32 to index
    %swap3A_205 = arith.constant 32 : index
    %swap3A_206 = tpu.vector_load %arg4[%swap3A_204, %swap3A_205] {strides = array<i32>} : memref<32x48xf32, #tpu.memory_space<vmem>>, vector<1x16xf32>,
    %swap3A_207 = vector.shape_cast %swap3A_206 : vector<1x16xf32> to vector<16xf32>
    %swap3A_208 = vector.shape_cast %mul3A_202 : vector<16xf32> to vector<1x16xf32>
    tpu.vector_store %arg4[%swap3A_204, %swap3A_205], %swap3A_208 {strides = array<i32>} : memref<32x48xf32, #tpu.memory_space<vmem>>, vector<1x16xf32>,
    %get3A_209 = arith.constant 5 : i32
    %get3A_210 = arith.index_cast %get3A_209 : i32 to index
    %get3A_211 = arith.constant 0 : index
    %get3A_212 = tpu.vector_load %arg4[%get3A_210, %get3A_211] {strides = array<i32>} : memref<32x48xf32, #tpu.memory_space<vmem>>, vector<1x16xf32>,
    %get3A_213 = vector.shape_cast %get3A_212 : vector<1x16xf32> to vector<16xf32>
    %mul3A_214 = arith.constant 2.000000e+00 : f32
    %mul3A_215 = vector.broadcast %mul3A_214 : f32 to vector<16xf32>
    %mul3A_216 = arith.mulf %get3A_213, %mul3A_215 : vector<16xf32>
    %swap3A_217 = arith.constant 5 : i32
    %swap3A_218 = arith.index_cast %swap3A_217 : i32 to index
    %swap3A_219 = arith.constant 0 : index
    %swap3A_220 = tpu.vector_load %arg4[%swap3A_218, %swap3A_219] {strides = array<i32>} : memref<32x48xf32, #tpu.memory_space<vmem>>, vector<1x16xf32>,
    %swap3A_221 = vector.shape_cast %swap3A_220 : vector<1x16xf32> to vector<16xf32>
    %swap3A_222 = vector.shape_cast %mul3A_216 : vector<16xf32> to vector<1x16xf32>
    tpu.vector_store %arg4[%swap3A_218, %swap3A_219], %swap3A_222 {strides = array<i32>} : memref<32x48xf32, #tpu.memory_space<vmem>>, vector<1x16xf32>,
    %get3A_223 = arith.constant 5 : i32
    %get3A_224 = arith.index_cast %get3A_223 : i32 to index
    %get3A_225 = arith.constant 16 : index
    %get3A_226 = tpu.vector_load %arg4[%get3A_224, %get3A_225] {strides = array<i32>} : memref<32x48xf32, #tpu.memory_space<vmem>>, vector<1x16xf32>,
    %get3A_227 = vector.shape_cast %get3A_226 : vector<1x16xf32> to vector<16xf32>
    %mul3A_228 = arith.constant 2.000000e+00 : f32
    %mul3A_229 = vector.broadcast %mul3A_228 : f32 to vector<16xf32>
    %mul3A_230 = arith.mulf %get3A_227, %mul3A_229 : vector<16xf32>
    %swap3A_231 = arith.constant 5 : i32
    %swap3A_232 = arith.index_cast %swap3A_231 : i32 to index
    %swap3A_233 = arith.constant 16 : index
    %swap3A_234 = tpu.vector_load %arg4[%swap3A_232, %swap3A_233] {strides = array<i32>} : memref<32x48xf32, #tpu.memory_space<vmem>>, vector<1x16xf32>,
    %swap3A_235 = vector.shape_cast %swap3A_234 : vector<1x16xf32> to vector<16xf32>
    %swap3A_236 = vector.shape_cast %mul3A_230 : vector<16xf32> to vector<1x16xf32>
    tpu.vector_store %arg4[%swap3A_232, %swap3A_233], %swap3A_236 {strides = array<i32>} : memref<32x48xf32, #tpu.memory_space<vmem>>, vector<1x16xf32>,
    %get3A_237 = arith.constant 5 : i32
    %get3A_238 = arith.index_cast %get3A_237 : i32 to index
    %get3A_239 = arith.constant 32 : index
    %get3A_240 = tpu.vector_load %arg4[%get3A_238, %get3A_239] {strides = array<i32>} : memref<32x48xf32, #tpu.memory_space<vmem>>, vector<1x16xf32>,
    %get3A_241 = vector.shape_cast %get3A_240 : vector<1x16xf32> to vector<16xf32>
    %mul3A_242 = arith.constant 2.000000e+00 : f32
    %mul3A_243 = vector.broadcast %mul3A_242 : f32 to vector<16xf32>
    %mul3A_244 = arith.mulf %get3A_241, %mul3A_243 : vector<16xf32>
    %swap3A_245 = arith.constant 5 : i32
    %swap3A_246 = arith.index_cast %swap3A_245 : i32 to index
    %swap3A_247 = arith.constant 32 : index
    %swap3A_248 = tpu.vector_load %arg4[%swap3A_246, %swap3A_247] {strides = array<i32>} : memref<32x48xf32, #tpu.memory_space<vmem>>, vector<1x16xf32>,
    %swap3A_249 = vector.shape_cast %swap3A_248 : vector<1x16xf32> to vector<16xf32>
    %swap3A_250 = vector.shape_cast %mul3A_244 : vector<16xf32> to vector<1x16xf32>
    tpu.vector_store %arg4[%swap3A_246, %swap3A_247], %swap3A_250 {strides = array<i32>} : memref<32x48xf32, #tpu.memory_space<vmem>>, vector<1x16xf32>,
    %get3A_251 = arith.constant 6 : i32
    %get3A_252 = arith.index_cast %get3A_251 : i32 to index
    %get3A_253 = arith.constant 0 : index
    %get3A_254 = tpu.vector_load %arg4[%get3A_252, %get3A_253] {strides = array<i32>} : memref<32x48xf32, #tpu.memory_space<vmem>>, vector<1x16xf32>,
    %get3A_255 = vector.shape_cast %get3A_254 : vector<1x16xf32> to vector<16xf32>
    %mul3A_256 = arith.constant 2.000000e+00 : f32
    %mul3A_257 = vector.broadcast %mul3A_256 : f32 to vector<16xf32>
    %mul3A_258 = arith.mulf %get3A_255, %mul3A_257 : vector<16xf32>
    %swap3A_259 = arith.constant 6 : i32
    %swap3A_260 = arith.index_cast %swap3A_259 : i32 to index
    %swap3A_261 = arith.constant 0 : index
    %swap3A_262 = tpu.vector_load %arg4[%swap3A_260, %swap3A_261] {strides = array<i32>} : memref<32x48xf32, #tpu.memory_space<vmem>>, vector<1x16xf32>,
    %swap3A_263 = vector.shape_cast %swap3A_262 : vector<1x16xf32> to vector<16xf32>
    %swap3A_264 = vector.shape_cast %mul3A_258 : vector<16xf32> to vector<1x16xf32>
    tpu.vector_store %arg4[%swap3A_260, %swap3A_261], %swap3A_264 {strides = array<i32>} : memref<32x48xf32, #tpu.memory_space<vmem>>, vector<1x16xf32>,
    %get3A_265 = arith.constant 6 : i32
    %get3A_266 = arith.index_cast %get3A_265 : i32 to index
    %get3A_267 = arith.constant 16 : index
    %get3A_268 = tpu.vector_load %arg4[%get3A_266, %get3A_267] {strides = array<i32>} : memref<32x48xf32, #tpu.memory_space<vmem>>, vector<1x16xf32>,
    %get3A_269 = vector.shape_cast %get3A_268 : vector<1x16xf32> to vector<16xf32>
    %mul3A_270 = arith.constant 2.000000e+00 : f32
    %mul3A_271 = vector.broadcast %mul3A_270 : f32 to vector<16xf32>
    %mul3A_272 = arith.mulf %get3A_269, %mul3A_271 : vector<16xf32>
    %swap3A_273 = arith.constant 6 : i32
    %swap3A_274 = arith.index_cast %swap3A_273 : i32 to index
    %swap3A_275 = arith.constant 16 : index
    %swap3A_276 = tpu.vector_load %arg4[%swap3A_274, %swap3A_275] {strides = array<i32>} : memref<32x48xf32, #tpu.memory_space<vmem>>, vector<1x16xf32>,
    %swap3A_277 = vector.shape_cast %swap3A_276 : vector<1x16xf32> to vector<16xf32>
    %swap3A_278 = vector.shape_cast %mul3A_272 : vector<16xf32> to vector<1x16xf32>
    tpu.vector_store %arg4[%swap3A_274, %swap3A_275], %swap3A_278 {strides = array<i32>} : memref<32x48xf32, #tpu.memory_space<vmem>>, vector<1x16xf32>,
    %get3A_279 = arith.constant 6 : i32
    %get3A_280 = arith.index_cast %get3A_279 : i32 to index
    %get3A_281 = arith.constant 32 : index
    %get3A_282 = tpu.vector_load %arg4[%get3A_280, %get3A_281] {strides = array<i32>} : memref<32x48xf32, #tpu.memory_space<vmem>>, vector<1x16xf32>,
    %get3A_283 = vector.shape_cast %get3A_282 : vector<1x16xf32> to vector<16xf32>
    %mul3A_284 = arith.constant 2.000000e+00 : f32
    %mul3A_285 = vector.broadcast %mul3A_284 : f32 to vector<16xf32>
    %mul3A_286 = arith.mulf %get3A_283, %mul3A_285 : vector<16xf32>
    %swap3A_287 = arith.constant 6 : i32
    %swap3A_288 = arith.index_cast %swap3A_287 : i32 to index
    %swap3A_289 = arith.constant 32 : index
    %swap3A_290 = tpu.vector_load %arg4[%swap3A_288, %swap3A_289] {strides = array<i32>} : memref<32x48xf32, #tpu.memory_space<vmem>>, vector<1x16xf32>,
    %swap3A_291 = vector.shape_cast %swap3A_290 : vector<1x16xf32> to vector<16xf32>
    %swap3A_292 = vector.shape_cast %mul3A_286 : vector<16xf32> to vector<1x16xf32>
    tpu.vector_store %arg4[%swap3A_288, %swap3A_289], %swap3A_292 {strides = array<i32>} : memref<32x48xf32, #tpu.memory_space<vmem>>, vector<1x16xf32>,
    %get3A_293 = arith.constant 7 : i32
    %get3A_294 = arith.index_cast %get3A_293 : i32 to index
    %get3A_295 = arith.constant 0 : index
    %get3A_296 = tpu.vector_load %arg4[%get3A_294, %get3A_295] {strides = array<i32>} : memref<32x48xf32, #tpu.memory_space<vmem>>, vector<1x16xf32>,
    %get3A_297 = vector.shape_cast %get3A_296 : vector<1x16xf32> to vector<16xf32>
    %mul3A_298 = arith.constant 2.000000e+00 : f32
    %mul3A_299 = vector.broadcast %mul3A_298 : f32 to vector<16xf32>
    %mul3A_300 = arith.mulf %get3A_297, %mul3A_299 : vector<16xf32>
    %swap3A_301 = arith.constant 7 : i32
    %swap3A_302 = arith.index_cast %swap3A_301 : i32 to index
    %swap3A_303 = arith.constant 0 : index
    %swap3A_304 = tpu.vector_load %arg4[%swap3A_302, %swap3A_303] {strides = array<i32>} : memref<32x48xf32, #tpu.memory_space<vmem>>, vector<1x16xf32>,
    %swap3A_305 = vector.shape_cast %swap3A_304 : vector<1x16xf32> to vector<16xf32>
    %swap3A_306 = vector.shape_cast %mul3A_300 : vector<16xf32> to vector<1x16xf32>
    tpu.vector_store %arg4[%swap3A_302, %swap3A_303], %swap3A_306 {strides = array<i32>} : memref<32x48xf32, #tpu.memory_space<vmem>>, vector<1x16xf32>,
    %get3A_307 = arith.constant 7 : i32
    %get3A_308 = arith.index_cast %get3A_307 : i32 to index
    %get3A_309 = arith.constant 16 : index
    %get3A_310 = tpu.vector_load %arg4[%get3A_308, %get3A_309] {strides = array<i32>} : memref<32x48xf32, #tpu.memory_space<vmem>>, vector<1x16xf32>,
    %get3A_311 = vector.shape_cast %get3A_310 : vector<1x16xf32> to vector<16xf32>
    %mul3A_312 = arith.constant 2.000000e+00 : f32
    %mul3A_313 = vector.broadcast %mul3A_312 : f32 to vector<16xf32>
    %mul3A_314 = arith.mulf %get3A_311, %mul3A_313 : vector<16xf32>
    %swap3A_315 = arith.constant 7 : i32
    %swap3A_316 = arith.index_cast %swap3A_315 : i32 to index
    %swap3A_317 = arith.constant 16 : index
    %swap3A_318 = tpu.vector_load %arg4[%swap3A_316, %swap3A_317] {strides = array<i32>} : memref<32x48xf32, #tpu.memory_space<vmem>>, vector<1x16xf32>,
    %swap3A_319 = vector.shape_cast %swap3A_318 : vector<1x16xf32> to vector<16xf32>
    %swap3A_320 = vector.shape_cast %mul3A_314 : vector<16xf32> to vector<1x16xf32>
    tpu.vector_store %arg4[%swap3A_316, %swap3A_317], %swap3A_320 {strides = array<i32>} : memref<32x48xf32, #tpu.memory_space<vmem>>, vector<1x16xf32>,
    %get3A_321 = arith.constant 7 : i32
    %get3A_322 = arith.index_cast %get3A_321 : i32 to index
    %get3A_323 = arith.constant 32 : index
    %get3A_324 = tpu.vector_load %arg4[%get3A_322, %get3A_323] {strides = array<i32>} : memref<32x48xf32, #tpu.memory_space<vmem>>, vector<1x16xf32>,
    %get3A_325 = vector.shape_cast %get3A_324 : vector<1x16xf32> to vector<16xf32>
    %mul3A_326 = arith.constant 2.000000e+00 : f32
    %mul3A_327 = vector.broadcast %mul3A_326 : f32 to vector<16xf32>
    %mul3A_328 = arith.mulf %get3A_325, %mul3A_327 : vector<16xf32>
    %swap3A_329 = arith.constant 7 : i32
    %swap3A_330 = arith.index_cast %swap3A_329 : i32 to index
    %swap3A_331 = arith.constant 32 : index
    %swap3A_332 = tpu.vector_load %arg4[%swap3A_330, %swap3A_331] {strides = array<i32>} : memref<32x48xf32, #tpu.memory_space<vmem>>, vector<1x16xf32>,
    %swap3A_333 = vector.shape_cast %swap3A_332 : vector<1x16xf32> to vector<16xf32>
    %swap3A_334 = vector.shape_cast %mul3A_328 : vector<16xf32> to vector<1x16xf32>
    tpu.vector_store %arg4[%swap3A_330, %swap3A_331], %swap3A_334 {strides = array<i32>} : memref<32x48xf32, #tpu.memory_space<vmem>>, vector<1x16xf32>,
    %get3A_335 = arith.constant 8 : i32
    %get3A_336 = arith.index_cast %get3A_335 : i32 to index
    %get3A_337 = arith.constant 0 : index
    %get3A_338 = tpu.vector_load %arg4[%get3A_336, %get3A_337] {strides = array<i32>} : memref<32x48xf32, #tpu.memory_space<vmem>>, vector<1x16xf32>,
    %get3A_339 = vector.shape_cast %get3A_338 : vector<1x16xf32> to vector<16xf32>
    %mul3A_340 = arith.constant 2.000000e+00 : f32
    %mul3A_341 = vector.broadcast %mul3A_340 : f32 to vector<16xf32>
    %mul3A_342 = arith.mulf %get3A_339, %mul3A_341 : vector<16xf32>
    %swap3A_343 = arith.constant 8 : i32
    %swap3A_344 = arith.index_cast %swap3A_343 : i32 to index
    %swap3A_345 = arith.constant 0 : index
    %swap3A_346 = tpu.vector_load %arg4[%swap3A_344, %swap3A_345] {strides = array<i32>} : memref<32x48xf32, #tpu.memory_space<vmem>>, vector<1x16xf32>,
    %swap3A_347 = vector.shape_cast %swap3A_346 : vector<1x16xf32> to vector<16xf32>
    %swap3A_348 = vector.shape_cast %mul3A_342 : vector<16xf32> to vector<1x16xf32>
    tpu.vector_store %arg4[%swap3A_344, %swap3A_345], %swap3A_348 {strides = array<i32>} : memref<32x48xf32, #tpu.memory_space<vmem>>, vector<1x16xf32>,
    %get3A_349 = arith.constant 8 : i32
    %get3A_350 = arith.index_cast %get3A_349 : i32 to index
    %get3A_351 = arith.constant 16 : index
    %get3A_352 = tpu.vector_load %arg4[%get3A_350, %get3A_351] {strides = array<i32>} : memref<32x48xf32, #tpu.memory_space<vmem>>, vector<1x16xf32>,
    %get3A_353 = vector.shape_cast %get3A_352 : vector<1x16xf32> to vector<16xf32>
    %mul3A_354 = arith.constant 2.000000e+00 : f32
    %mul3A_355 = vector.broadcast %mul3A_354 : f32 to vector<16xf32>
    %mul3A_356 = arith.mulf %get3A_353, %mul3A_355 : vector<16xf32>
    %swap3A_357 = arith.constant 8 : i32
    %swap3A_358 = arith.index_cast %swap3A_357 : i32 to index
    %swap3A_359 = arith.constant 16 : index
    %swap3A_360 = tpu.vector_load %arg4[%swap3A_358, %swap3A_359] {strides = array<i32>} : memref<32x48xf32, #tpu.memory_space<vmem>>, vector<1x16xf32>,
    %swap3A_361 = vector.shape_cast %swap3A_360 : vector<1x16xf32> to vector<16xf32>
    %swap3A_362 = vector.shape_cast %mul3A_356 : vector<16xf32> to vector<1x16xf32>
    tpu.vector_store %arg4[%swap3A_358, %swap3A_359], %swap3A_362 {strides = array<i32>} : memref<32x48xf32, #tpu.memory_space<vmem>>, vector<1x16xf32>,
    %get3A_363 = arith.constant 8 : i32
    %get3A_364 = arith.index_cast %get3A_363 : i32 to index
    %get3A_365 = arith.constant 32 : index
    %get3A_366 = tpu.vector_load %arg4[%get3A_364, %get3A_365] {strides = array<i32>} : memref<32x48xf32, #tpu.memory_space<vmem>>, vector<1x16xf32>,
    %get3A_367 = vector.shape_cast %get3A_366 : vector<1x16xf32> to vector<16xf32>
    %mul3A_368 = arith.constant 2.000000e+00 : f32
    %mul3A_369 = vector.broadcast %mul3A_368 : f32 to vector<16xf32>
    %mul3A_370 = arith.mulf %get3A_367, %mul3A_369 : vector<16xf32>
    %swap3A_371 = arith.constant 8 : i32
    %swap3A_372 = arith.index_cast %swap3A_371 : i32 to index
    %swap3A_373 = arith.constant 32 : index
    %swap3A_374 = tpu.vector_load %arg4[%swap3A_372, %swap3A_373] {strides = array<i32>} : memref<32x48xf32, #tpu.memory_space<vmem>>, vector<1x16xf32>,
    %swap3A_375 = vector.shape_cast %swap3A_374 : vector<1x16xf32> to vector<16xf32>
    %swap3A_376 = vector.shape_cast %mul3A_370 : vector<16xf32> to vector<1x16xf32>
    tpu.vector_store %arg4[%swap3A_372, %swap3A_373], %swap3A_376 {strides = array<i32>} : memref<32x48xf32, #tpu.memory_space<vmem>>, vector<1x16xf32>,
    %get3A_377 = arith.constant 9 : i32
    %get3A_378 = arith.index_cast %get3A_377 : i32 to index
    %get3A_379 = arith.constant 0 : index
    %get3A_380 = tpu.vector_load %arg4[%get3A_378, %get3A_379] {strides = array<i32>} : memref<32x48xf32, #tpu.memory_space<vmem>>, vector<1x16xf32>,
    %get3A_381 = vector.shape_cast %get3A_380 : vector<1x16xf32> to vector<16xf32>
    %mul3A_382 = arith.constant 2.000000e+00 : f32
    %mul3A_383 = vector.broadcast %mul3A_382 : f32 to vector<16xf32>
    %mul3A_384 = arith.mulf %get3A_381, %mul3A_383 : vector<16xf32>
    %swap3A_385 = arith.constant 9 : i32
    %swap3A_386 = arith.index_cast %swap3A_385 : i32 to index
    %swap3A_387 = arith.constant 0 : index
    %swap3A_388 = tpu.vector_load %arg4[%swap3A_386, %swap3A_387] {strides = array<i32>} : memref<32x48xf32, #tpu.memory_space<vmem>>, vector<1x16xf32>,
    %swap3A_389 = vector.shape_cast %swap3A_388 : vector<1x16xf32> to vector<16xf32>
    %swap3A_390 = vector.shape_cast %mul3A_384 : vector<16xf32> to vector<1x16xf32>
    tpu.vector_store %arg4[%swap3A_386, %swap3A_387], %swap3A_390 {strides = array<i32>} : memref<32x48xf32, #tpu.memory_space<vmem>>, vector<1x16xf32>,
    %get3A_391 = arith.constant 9 : i32
    %get3A_392 = arith.index_cast %get3A_391 : i32 to index
    %get3A_393 = arith.constant 16 : index
    %get3A_394 = tpu.vector_load %arg4[%get3A_392, %get3A_393] {strides = array<i32>} : memref<32x48xf32, #tpu.memory_space<vmem>>, vector<1x16xf32>,
    %get3A_395 = vector.shape_cast %get3A_394 : vector<1x16xf32> to vector<16xf32>
    %mul3A_396 = arith.constant 2.000000e+00 : f32
    %mul3A_397 = vector.broadcast %mul3A_396 : f32 to vector<16xf32>
    %mul3A_398 = arith.mulf %get3A_395, %mul3A_397 : vector<16xf32>
    %swap3A_399 = arith.constant 9 : i32
    %swap3A_400 = arith.index_cast %swap3A_399 : i32 to index
    %swap3A_401 = arith.constant 16 : index
    %swap3A_402 = tpu.vector_load %arg4[%swap3A_400, %swap3A_401] {strides = array<i32>} : memref<32x48xf32, #tpu.memory_space<vmem>>, vector<1x16xf32>,
    %swap3A_403 = vector.shape_cast %swap3A_402 : vector<1x16xf32> to vector<16xf32>
    %swap3A_404 = vector.shape_cast %mul3A_398 : vector<16xf32> to vector<1x16xf32>
    tpu.vector_store %arg4[%swap3A_400, %swap3A_401], %swap3A_404 {strides = array<i32>} : memref<32x48xf32, #tpu.memory_space<vmem>>, vector<1x16xf32>,
    %get3A_405 = arith.constant 9 : i32
    %get3A_406 = arith.index_cast %get3A_405 : i32 to index
    %get3A_407 = arith.constant 32 : index
    %get3A_408 = tpu.vector_load %arg4[%get3A_406, %get3A_407] {strides = array<i32>} : memref<32x48xf32, #tpu.memory_space<vmem>>, vector<1x16xf32>,
    %get3A_409 = vector.shape_cast %get3A_408 : vector<1x16xf32> to vector<16xf32>
    %mul3A_410 = arith.constant 2.000000e+00 : f32
    %mul3A_411 = vector.broadcast %mul3A_410 : f32 to vector<16xf32>
    %mul3A_412 = arith.mulf %get3A_409, %mul3A_411 : vector<16xf32>
    %swap3A_413 = arith.constant 9 : i32
    %swap3A_414 = arith.index_cast %swap3A_413 : i32 to index
    %swap3A_415 = arith.constant 32 : index
    %swap3A_416 = tpu.vector_load %arg4[%swap3A_414, %swap3A_415] {strides = array<i32>} : memref<32x48xf32, #tpu.memory_space<vmem>>, vector<1x16xf32>,
    %swap3A_417 = vector.shape_cast %swap3A_416 : vector<1x16xf32> to vector<16xf32>
    %swap3A_418 = vector.shape_cast %mul3A_412 : vector<16xf32> to vector<1x16xf32>
    tpu.vector_store %arg4[%swap3A_414, %swap3A_415], %swap3A_418 {strides = array<i32>} : memref<32x48xf32, #tpu.memory_space<vmem>>, vector<1x16xf32>,
    %get3A_419 = arith.constant 10 : i32
    %get3A_420 = arith.index_cast %get3A_419 : i32 to index
    %get3A_421 = arith.constant 0 : index
    %get3A_422 = tpu.vector_load %arg4[%get3A_420, %get3A_421] {strides = array<i32>} : memref<32x48xf32, #tpu.memory_space<vmem>>, vector<1x16xf32>,
    %get3A_423 = vector.shape_cast %get3A_422 : vector<1x16xf32> to vector<16xf32>
    %mul3A_424 = arith.constant 2.000000e+00 : f32
    %mul3A_425 = vector.broadcast %mul3A_424 : f32 to vector<16xf32>
    %mul3A_426 = arith.mulf %get3A_423, %mul3A_425 : vector<16xf32>
    %swap3A_427 = arith.constant 10 : i32
    %swap3A_428 = arith.index_cast %swap3A_427 : i32 to index
    %swap3A_429 = arith.constant 0 : index
    %swap3A_430 = tpu.vector_load %arg4[%swap3A_428, %swap3A_429] {strides = array<i32>} : memref<32x48xf32, #tpu.memory_space<vmem>>, vector<1x16xf32>,
    %swap3A_431 = vector.shape_cast %swap3A_430 : vector<1x16xf32> to vector<16xf32>
    %swap3A_432 = vector.shape_cast %mul3A_426 : vector<16xf32> to vector<1x16xf32>
    tpu.vector_store %arg4[%swap3A_428, %swap3A_429], %swap3A_432 {strides = array<i32>} : memref<32x48xf32, #tpu.memory_space<vmem>>, vector<1x16xf32>,
    %get3A_433 = arith.constant 10 : i32
    %get3A_434 = arith.index_cast %get3A_433 : i32 to index
    %get3A_435 = arith.constant 16 : index
    %get3A_436 = tpu.vector_load %arg4[%get3A_434, %get3A_435] {strides = array<i32>} : memref<32x48xf32, #tpu.memory_space<vmem>>, vector<1x16xf32>,
    %get3A_437 = vector.shape_cast %get3A_436 : vector<1x16xf32> to vector<16xf32>
    %mul3A_438 = arith.constant 2.000000e+00 : f32
    %mul3A_439 = vector.broadcast %mul3A_438 : f32 to vector<16xf32>
    %mul3A_440 = arith.mulf %get3A_437, %mul3A_439 : vector<16xf32>
    %swap3A_441 = arith.constant 10 : i32
    %swap3A_442 = arith.index_cast %swap3A_441 : i32 to index
    %swap3A_443 = arith.constant 16 : index
    %swap3A_444 = tpu.vector_load %arg4[%swap3A_442, %swap3A_443] {strides = array<i32>} : memref<32x48xf32, #tpu.memory_space<vmem>>, vector<1x16xf32>,
    %swap3A_445 = vector.shape_cast %swap3A_444 : vector<1x16xf32> to vector<16xf32>
    %swap3A_446 = vector.shape_cast %mul3A_440 : vector<16xf32> to vector<1x16xf32>
    tpu.vector_store %arg4[%swap3A_442, %swap3A_443], %swap3A_446 {strides = array<i32>} : memref<32x48xf32, #tpu.memory_space<vmem>>, vector<1x16xf32>,
    %get3A_447 = arith.constant 10 : i32
    %get3A_448 = arith.index_cast %get3A_447 : i32 to index
    %get3A_449 = arith.constant 32 : index
    %get3A_450 = tpu.vector_load %arg4[%get3A_448, %get3A_449] {strides = array<i32>} : memref<32x48xf32, #tpu.memory_space<vmem>>, vector<1x16xf32>,
    %get3A_451 = vector.shape_cast %get3A_450 : vector<1x16xf32> to vector<16xf32>
    %mul3A_452 = arith.constant 2.000000e+00 : f32
    %mul3A_453 = vector.broadcast %mul3A_452 : f32 to vector<16xf32>
    %mul3A_454 = arith.mulf %get3A_451, %mul3A_453 : vector<16xf32>
    %swap3A_455 = arith.constant 10 : i32
    %swap3A_456 = arith.index_cast %swap3A_455 : i32 to index
    %swap3A_457 = arith.constant 32 : index
    %swap3A_458 = tpu.vector_load %arg4[%swap3A_456, %swap3A_457] {strides = array<i32>} : memref<32x48xf32, #tpu.memory_space<vmem>>, vector<1x16xf32>,
    %swap3A_459 = vector.shape_cast %swap3A_458 : vector<1x16xf32> to vector<16xf32>
    %swap3A_460 = vector.shape_cast %mul3A_454 : vector<16xf32> to vector<1x16xf32>
    tpu.vector_store %arg4[%swap3A_456, %swap3A_457], %swap3A_460 {strides = array<i32>} : memref<32x48xf32, #tpu.memory_space<vmem>>, vector<1x16xf32>,
    %get3A_461 = arith.constant 11 : i32
    %get3A_462 = arith.index_cast %get3A_461 : i32 to index
    %get3A_463 = arith.constant 0 : index
    %get3A_464 = tpu.vector_load %arg4[%get3A_462, %get3A_463] {strides = array<i32>} : memref<32x48xf32, #tpu.memory_space<vmem>>, vector<1x16xf32>,
    %get3A_465 = vector.shape_cast %get3A_464 : vector<1x16xf32> to vector<16xf32>
    %mul3A_466 = arith.constant 2.000000e+00 : f32
    %mul3A_467 = vector.broadcast %mul3A_466 : f32 to vector<16xf32>
    %mul3A_468 = arith.mulf %get3A_465, %mul3A_467 : vector<16xf32>
    %swap3A_469 = arith.constant 11 : i32
    %swap3A_470 = arith.index_cast %swap3A_469 : i32 to index
    %swap3A_471 = arith.constant 0 : index
    %swap3A_472 = tpu.vector_load %arg4[%swap3A_470, %swap3A_471] {strides = array<i32>} : memref<32x48xf32, #tpu.memory_space<vmem>>, vector<1x16xf32>,
    %swap3A_473 = vector.shape_cast %swap3A_472 : vector<1x16xf32> to vector<16xf32>
    %swap3A_474 = vector.shape_cast %mul3A_468 : vector<16xf32> to vector<1x16xf32>
    tpu.vector_store %arg4[%swap3A_470, %swap3A_471], %swap3A_474 {strides = array<i32>} : memref<32x48xf32, #tpu.memory_space<vmem>>, vector<1x16xf32>,
    %get3A_475 = arith.constant 11 : i32
    %get3A_476 = arith.index_cast %get3A_475 : i32 to index
    %get3A_477 = arith.constant 16 : index
    %get3A_478 = tpu.vector_load %arg4[%get3A_476, %get3A_477] {strides = array<i32>} : memref<32x48xf32, #tpu.memory_space<vmem>>, vector<1x16xf32>,
    %get3A_479 = vector.shape_cast %get3A_478 : vector<1x16xf32> to vector<16xf32>
    %mul3A_480 = arith.constant 2.000000e+00 : f32
    %mul3A_481 = vector.broadcast %mul3A_480 : f32 to vector<16xf32>
    %mul3A_482 = arith.mulf %get3A_479, %mul3A_481 : vector<16xf32>
    %swap3A_483 = arith.constant 11 : i32
    %swap3A_484 = arith.index_cast %swap3A_483 : i32 to index
    %swap3A_485 = arith.constant 16 : index
    %swap3A_486 = tpu.vector_load %arg4[%swap3A_484, %swap3A_485] {strides = array<i32>} : memref<32x48xf32, #tpu.memory_space<vmem>>, vector<1x16xf32>,
    %swap3A_487 = vector.shape_cast %swap3A_486 : vector<1x16xf32> to vector<16xf32>
    %swap3A_488 = vector.shape_cast %mul3A_482 : vector<16xf32> to vector<1x16xf32>
    tpu.vector_store %arg4[%swap3A_484, %swap3A_485], %swap3A_488 {strides = array<i32>} : memref<32x48xf32, #tpu.memory_space<vmem>>, vector<1x16xf32>,
    %get3A_489 = arith.constant 11 : i32
    %get3A_490 = arith.index_cast %get3A_489 : i32 to index
    %get3A_491 = arith.constant 32 : index
    %get3A_492 = tpu.vector_load %arg4[%get3A_490, %get3A_491] {strides = array<i32>} : memref<32x48xf32, #tpu.memory_space<vmem>>, vector<1x16xf32>,
    %get3A_493 = vector.shape_cast %get3A_492 : vector<1x16xf32> to vector<16xf32>
    %mul3A_494 = arith.constant 2.000000e+00 : f32
    %mul3A_495 = vector.broadcast %mul3A_494 : f32 to vector<16xf32>
    %mul3A_496 = arith.mulf %get3A_493, %mul3A_495 : vector<16xf32>
    %swap3A_497 = arith.constant 11 : i32
    %swap3A_498 = arith.index_cast %swap3A_497 : i32 to index
    %swap3A_499 = arith.constant 32 : index
    %swap3A_500 = tpu.vector_load %arg4[%swap3A_498, %swap3A_499] {strides = array<i32>} : memref<32x48xf32, #tpu.memory_space<vmem>>, vector<1x16xf32>,
    %swap3A_501 = vector.shape_cast %swap3A_500 : vector<1x16xf32> to vector<16xf32>
    %swap3A_502 = vector.shape_cast %mul3A_496 : vector<16xf32> to vector<1x16xf32>
    tpu.vector_store %arg4[%swap3A_498, %swap3A_499], %swap3A_502 {strides = array<i32>} : memref<32x48xf32, #tpu.memory_space<vmem>>, vector<1x16xf32>,
    %get3A_503 = arith.constant 12 : i32
    %get3A_504 = arith.index_cast %get3A_503 : i32 to index
    %get3A_505 = arith.constant 0 : index
    %get3A_506 = tpu.vector_load %arg4[%get3A_504, %get3A_505] {strides = array<i32>} : memref<32x48xf32, #tpu.memory_space<vmem>>, vector<1x16xf32>,
    %get3A_507 = vector.shape_cast %get3A_506 : vector<1x16xf32> to vector<16xf32>
    %mul3A_508 = arith.constant 2.000000e+00 : f32
    %mul3A_509 = vector.broadcast %mul3A_508 : f32 to vector<16xf32>
    %mul3A_510 = arith.mulf %get3A_507, %mul3A_509 : vector<16xf32>
    %swap3A_511 = arith.constant 12 : i32
    %swap3A_512 = arith.index_cast %swap3A_511 : i32 to index
    %swap3A_513 = arith.constant 0 : index
    %swap3A_514 = tpu.vector_load %arg4[%swap3A_512, %swap3A_513] {strides = array<i32>} : memref<32x48xf32, #tpu.memory_space<vmem>>, vector<1x16xf32>,
    %swap3A_515 = vector.shape_cast %swap3A_514 : vector<1x16xf32> to vector<16xf32>
    %swap3A_516 = vector.shape_cast %mul3A_510 : vector<16xf32> to vector<1x16xf32>
    tpu.vector_store %arg4[%swap3A_512, %swap3A_513], %swap3A_516 {strides = array<i32>} : memref<32x48xf32, #tpu.memory_space<vmem>>, vector<1x16xf32>,
    %get3A_517 = arith.constant 12 : i32
    %get3A_518 = arith.index_cast %get3A_517 : i32 to index
    %get3A_519 = arith.constant 16 : index
    %get3A_520 = tpu.vector_load %arg4[%get3A_518, %get3A_519] {strides = array<i32>} : memref<32x48xf32, #tpu.memory_space<vmem>>, vector<1x16xf32>,
    %get3A_521 = vector.shape_cast %get3A_520 : vector<1x16xf32> to vector<16xf32>
    %mul3A_522 = arith.constant 2.000000e+00 : f32
    %mul3A_523 = vector.broadcast %mul3A_522 : f32 to vector<16xf32>
    %mul3A_524 = arith.mulf %get3A_521, %mul3A_523 : vector<16xf32>
    %swap3A_525 = arith.constant 12 : i32
    %swap3A_526 = arith.index_cast %swap3A_525 : i32 to index
    %swap3A_527 = arith.constant 16 : index
    %swap3A_528 = tpu.vector_load %arg4[%swap3A_526, %swap3A_527] {strides = array<i32>} : memref<32x48xf32, #tpu.memory_space<vmem>>, vector<1x16xf32>,
    %swap3A_529 = vector.shape_cast %swap3A_528 : vector<1x16xf32> to vector<16xf32>
    %swap3A_530 = vector.shape_cast %mul3A_524 : vector<16xf32> to vector<1x16xf32>
    tpu.vector_store %arg4[%swap3A_526, %swap3A_527], %swap3A_530 {strides = array<i32>} : memref<32x48xf32, #tpu.memory_space<vmem>>, vector<1x16xf32>,
    %get3A_531 = arith.constant 12 : i32
    %get3A_532 = arith.index_cast %get3A_531 : i32 to index
    %get3A_533 = arith.constant 32 : index
    %get3A_534 = tpu.vector_load %arg4[%get3A_532, %get3A_533] {strides = array<i32>} : memref<32x48xf32, #tpu.memory_space<vmem>>, vector<1x16xf32>,
    %get3A_535 = vector.shape_cast %get3A_534 : vector<1x16xf32> to vector<16xf32>
    %mul3A_536 = arith.constant 2.000000e+00 : f32
    %mul3A_537 = vector.broadcast %mul3A_536 : f32 to vector<16xf32>
    %mul3A_538 = arith.mulf %get3A_535, %mul3A_537 : vector<16xf32>
    %swap3A_539 = arith.constant 12 : i32
    %swap3A_540 = arith.index_cast %swap3A_539 : i32 to index
    %swap3A_541 = arith.constant 32 : index
    %swap3A_542 = tpu.vector_load %arg4[%swap3A_540, %swap3A_541] {strides = array<i32>} : memref<32x48xf32, #tpu.memory_space<vmem>>, vector<1x16xf32>,
    %swap3A_543 = vector.shape_cast %swap3A_542 : vector<1x16xf32> to vector<16xf32>
    %swap3A_544 = vector.shape_cast %mul3A_538 : vector<16xf32> to vector<1x16xf32>
    tpu.vector_store %arg4[%swap3A_540, %swap3A_541], %swap3A_544 {strides = array<i32>} : memref<32x48xf32, #tpu.memory_space<vmem>>, vector<1x16xf32>,
    %get3A_545 = arith.constant 13 : i32
    %get3A_546 = arith.index_cast %get3A_545 : i32 to index
    %get3A_547 = arith.constant 0 : index
    %get3A_548 = tpu.vector_load %arg4[%get3A_546, %get3A_547] {strides = array<i32>} : memref<32x48xf32, #tpu.memory_space<vmem>>, vector<1x16xf32>,
    %get3A_549 = vector.shape_cast %get3A_548 : vector<1x16xf32> to vector<16xf32>
    %mul3A_550 = arith.constant 2.000000e+00 : f32
    %mul3A_551 = vector.broadcast %mul3A_550 : f32 to vector<16xf32>
    %mul3A_552 = arith.mulf %get3A_549, %mul3A_551 : vector<16xf32>
    %swap3A_553 = arith.constant 13 : i32
    %swap3A_554 = arith.index_cast %swap3A_553 : i32 to index
    %swap3A_555 = arith.constant 0 : index
    %swap3A_556 = tpu.vector_load %arg4[%swap3A_554, %swap3A_555] {strides = array<i32>} : memref<32x48xf32, #tpu.memory_space<vmem>>, vector<1x16xf32>,
    %swap3A_557 = vector.shape_cast %swap3A_556 : vector<1x16xf32> to vector<16xf32>
    %swap3A_558 = vector.shape_cast %mul3A_552 : vector<16xf32> to vector<1x16xf32>
    tpu.vector_store %arg4[%swap3A_554, %swap3A_555], %swap3A_558 {strides = array<i32>} : memref<32x48xf32, #tpu.memory_space<vmem>>, vector<1x16xf32>,
    %get3A_559 = arith.constant 13 : i32
    %get3A_560 = arith.index_cast %get3A_559 : i32 to index
    %get3A_561 = arith.constant 16 : index
    %get3A_562 = tpu.vector_load %arg4[%get3A_560, %get3A_561] {strides = array<i32>} : memref<32x48xf32, #tpu.memory_space<vmem>>, vector<1x16xf32>,
    %get3A_563 = vector.shape_cast %get3A_562 : vector<1x16xf32> to vector<16xf32>
    %mul3A_564 = arith.constant 2.000000e+00 : f32
    %mul3A_565 = vector.broadcast %mul3A_564 : f32 to vector<16xf32>
    %mul3A_566 = arith.mulf %get3A_563, %mul3A_565 : vector<16xf32>
    %swap3A_567 = arith.constant 13 : i32
    %swap3A_568 = arith.index_cast %swap3A_567 : i32 to index
    %swap3A_569 = arith.constant 16 : index
    %swap3A_570 = tpu.vector_load %arg4[%swap3A_568, %swap3A_569] {strides = array<i32>} : memref<32x48xf32, #tpu.memory_space<vmem>>, vector<1x16xf32>,
    %swap3A_571 = vector.shape_cast %swap3A_570 : vector<1x16xf32> to vector<16xf32>
    %swap3A_572 = vector.shape_cast %mul3A_566 : vector<16xf32> to vector<1x16xf32>
    tpu.vector_store %arg4[%swap3A_568, %swap3A_569], %swap3A_572 {strides = array<i32>} : memref<32x48xf32, #tpu.memory_space<vmem>>, vector<1x16xf32>,
    %get3A_573 = arith.constant 13 : i32
    %get3A_574 = arith.index_cast %get3A_573 : i32 to index
    %get3A_575 = arith.constant 32 : index
    %get3A_576 = tpu.vector_load %arg4[%get3A_574, %get3A_575] {strides = array<i32>} : memref<32x48xf32, #tpu.memory_space<vmem>>, vector<1x16xf32>,
    %get3A_577 = vector.shape_cast %get3A_576 : vector<1x16xf32> to vector<16xf32>
    %mul3A_578 = arith.constant 2.000000e+00 : f32
    %mul3A_579 = vector.broadcast %mul3A_578 : f32 to vector<16xf32>
    %mul3A_580 = arith.mulf %get3A_577, %mul3A_579 : vector<16xf32>
    %swap3A_581 = arith.constant 13 : i32
    %swap3A_582 = arith.index_cast %swap3A_581 : i32 to index
    %swap3A_583 = arith.constant 32 : index
    %swap3A_584 = tpu.vector_load %arg4[%swap3A_582, %swap3A_583] {strides = array<i32>} : memref<32x48xf32, #tpu.memory_space<vmem>>, vector<1x16xf32>,
    %swap3A_585 = vector.shape_cast %swap3A_584 : vector<1x16xf32> to vector<16xf32>
    %swap3A_586 = vector.shape_cast %mul3A_580 : vector<16xf32> to vector<1x16xf32>
    tpu.vector_store %arg4[%swap3A_582, %swap3A_583], %swap3A_586 {strides = array<i32>} : memref<32x48xf32, #tpu.memory_space<vmem>>, vector<1x16xf32>,
    %get3A_587 = arith.constant 14 : i32
    %get3A_588 = arith.index_cast %get3A_587 : i32 to index
    %get3A_589 = arith.constant 0 : index
    %get3A_590 = tpu.vector_load %arg4[%get3A_588, %get3A_589] {strides = array<i32>} : memref<32x48xf32, #tpu.memory_space<vmem>>, vector<1x16xf32>,
    %get3A_591 = vector.shape_cast %get3A_590 : vector<1x16xf32> to vector<16xf32>
    %mul3A_592 = arith.constant 2.000000e+00 : f32
    %mul3A_593 = vector.broadcast %mul3A_592 : f32 to vector<16xf32>
    %mul3A_594 = arith.mulf %get3A_591, %mul3A_593 : vector<16xf32>
    %swap3A_595 = arith.constant 14 : i32
    %swap3A_596 = arith.index_cast %swap3A_595 : i32 to index
    %swap3A_597 = arith.constant 0 : index
    %swap3A_598 = tpu.vector_load %arg4[%swap3A_596, %swap3A_597] {strides = array<i32>} : memref<32x48xf32, #tpu.memory_space<vmem>>, vector<1x16xf32>,
    %swap3A_599 = vector.shape_cast %swap3A_598 : vector<1x16xf32> to vector<16xf32>
    %swap3A_600 = vector.shape_cast %mul3A_594 : vector<16xf32> to vector<1x16xf32>
    tpu.vector_store %arg4[%swap3A_596, %swap3A_597], %swap3A_600 {strides = array<i32>} : memref<32x48xf32, #tpu.memory_space<vmem>>, vector<1x16xf32>,
    %get3A_601 = arith.constant 14 : i32
    %get3A_602 = arith.index_cast %get3A_601 : i32 to index
    %get3A_603 = arith.constant 16 : index
    %get3A_604 = tpu.vector_load %arg4[%get3A_602, %get3A_603] {strides = array<i32>} : memref<32x48xf32, #tpu.memory_space<vmem>>, vector<1x16xf32>,
    %get3A_605 = vector.shape_cast %get3A_604 : vector<1x16xf32> to vector<16xf32>
    %mul3A_606 = arith.constant 2.000000e+00 : f32
    %mul3A_607 = vector.broadcast %mul3A_606 : f32 to vector<16xf32>
    %mul3A_608 = arith.mulf %get3A_605, %mul3A_607 : vector<16xf32>
    %swap3A_609 = arith.constant 14 : i32
    %swap3A_610 = arith.index_cast %swap3A_609 : i32 to index
    %swap3A_611 = arith.constant 16 : index
    %swap3A_612 = tpu.vector_load %arg4[%swap3A_610, %swap3A_611] {strides = array<i32>} : memref<32x48xf32, #tpu.memory_space<vmem>>, vector<1x16xf32>,
    %swap3A_613 = vector.shape_cast %swap3A_612 : vector<1x16xf32> to vector<16xf32>
    %swap3A_614 = vector.shape_cast %mul3A_608 : vector<16xf32> to vector<1x16xf32>
    tpu.vector_store %arg4[%swap3A_610, %swap3A_611], %swap3A_614 {strides = array<i32>} : memref<32x48xf32, #tpu.memory_space<vmem>>, vector<1x16xf32>,
    %get3A_615 = arith.constant 14 : i32
    %get3A_616 = arith.index_cast %get3A_615 : i32 to index
    %get3A_617 = arith.constant 32 : index
    %get3A_618 = tpu.vector_load %arg4[%get3A_616, %get3A_617] {strides = array<i32>} : memref<32x48xf32, #tpu.memory_space<vmem>>, vector<1x16xf32>,
    %get3A_619 = vector.shape_cast %get3A_618 : vector<1x16xf32> to vector<16xf32>
    %mul3A_620 = arith.constant 2.000000e+00 : f32
    %mul3A_621 = vector.broadcast %mul3A_620 : f32 to vector<16xf32>
    %mul3A_622 = arith.mulf %get3A_619, %mul3A_621 : vector<16xf32>
    %swap3A_623 = arith.constant 14 : i32
    %swap3A_624 = arith.index_cast %swap3A_623 : i32 to index
    %swap3A_625 = arith.constant 32 : index
    %swap3A_626 = tpu.vector_load %arg4[%swap3A_624, %swap3A_625] {strides = array<i32>} : memref<32x48xf32, #tpu.memory_space<vmem>>, vector<1x16xf32>,
    %swap3A_627 = vector.shape_cast %swap3A_626 : vector<1x16xf32> to vector<16xf32>
    %swap3A_628 = vector.shape_cast %mul3A_622 : vector<16xf32> to vector<1x16xf32>
    tpu.vector_store %arg4[%swap3A_624, %swap3A_625], %swap3A_628 {strides = array<i32>} : memref<32x48xf32, #tpu.memory_space<vmem>>, vector<1x16xf32>,
    %get3A_629 = arith.constant 15 : i32
    %get3A_630 = arith.index_cast %get3A_629 : i32 to index
    %get3A_631 = arith.constant 0 : index
    %get3A_632 = tpu.vector_load %arg4[%get3A_630, %get3A_631] {strides = array<i32>} : memref<32x48xf32, #tpu.memory_space<vmem>>, vector<1x16xf32>,
    %get3A_633 = vector.shape_cast %get3A_632 : vector<1x16xf32> to vector<16xf32>
    %mul3A_634 = arith.constant 2.000000e+00 : f32
    %mul3A_635 = vector.broadcast %mul3A_634 : f32 to vector<16xf32>
    %mul3A_636 = arith.mulf %get3A_633, %mul3A_635 : vector<16xf32>
    %swap3A_637 = arith.constant 15 : i32
    %swap3A_638 = arith.index_cast %swap3A_637 : i32 to index
    %swap3A_639 = arith.constant 0 : index
    %swap3A_640 = tpu.vector_load %arg4[%swap3A_638, %swap3A_639] {strides = array<i32>} : memref<32x48xf32, #tpu.memory_space<vmem>>, vector<1x16xf32>,
    %swap3A_641 = vector.shape_cast %swap3A_640 : vector<1x16xf32> to vector<16xf32>
    %swap3A_642 = vector.shape_cast %mul3A_636 : vector<16xf32> to vector<1x16xf32>
    tpu.vector_store %arg4[%swap3A_638, %swap3A_639], %swap3A_642 {strides = array<i32>} : memref<32x48xf32, #tpu.memory_space<vmem>>, vector<1x16xf32>,
    %get3A_643 = arith.constant 15 : i32
    %get3A_644 = arith.index_cast %get3A_643 : i32 to index
    %get3A_645 = arith.constant 16 : index
    %get3A_646 = tpu.vector_load %arg4[%get3A_644, %get3A_645] {strides = array<i32>} : memref<32x48xf32, #tpu.memory_space<vmem>>, vector<1x16xf32>,
    %get3A_647 = vector.shape_cast %get3A_646 : vector<1x16xf32> to vector<16xf32>
    %mul3A_648 = arith.constant 2.000000e+00 : f32
    %mul3A_649 = vector.broadcast %mul3A_648 : f32 to vector<16xf32>
    %mul3A_650 = arith.mulf %get3A_647, %mul3A_649 : vector<16xf32>
    %swap3A_651 = arith.constant 15 : i32
    %swap3A_652 = arith.index_cast %swap3A_651 : i32 to index
    %swap3A_653 = arith.constant 16 : index
    %swap3A_654 = tpu.vector_load %arg4[%swap3A_652, %swap3A_653] {strides = array<i32>} : memref<32x48xf32, #tpu.memory_space<vmem>>, vector<1x16xf32>,
    %swap3A_655 = vector.shape_cast %swap3A_654 : vector<1x16xf32> to vector<16xf32>
    %swap3A_656 = vector.shape_cast %mul3A_650 : vector<16xf32> to vector<1x16xf32>
    tpu.vector_store %arg4[%swap3A_652, %swap3A_653], %swap3A_656 {strides = array<i32>} : memref<32x48xf32, #tpu.memory_space<vmem>>, vector<1x16xf32>,
    %get3A_657 = arith.constant 15 : i32
    %get3A_658 = arith.index_cast %get3A_657 : i32 to index
    %get3A_659 = arith.constant 32 : index
    %get3A_660 = tpu.vector_load %arg4[%get3A_658, %get3A_659] {strides = array<i32>} : memref<32x48xf32, #tpu.memory_space<vmem>>, vector<1x16xf32>,
    %get3A_661 = vector.shape_cast %get3A_660 : vector<1x16xf32> to vector<16xf32>
    %mul3A_662 = arith.constant 2.000000e+00 : f32
    %mul3A_663 = vector.broadcast %mul3A_662 : f32 to vector<16xf32>
    %mul3A_664 = arith.mulf %get3A_661, %mul3A_663 : vector<16xf32>
    %swap3A_665 = arith.constant 15 : i32
    %swap3A_666 = arith.index_cast %swap3A_665 : i32 to index
    %swap3A_667 = arith.constant 32 : index
    %swap3A_668 = tpu.vector_load %arg4[%swap3A_666, %swap3A_667] {strides = array<i32>} : memref<32x48xf32, #tpu.memory_space<vmem>>, vector<1x16xf32>,
    %swap3A_669 = vector.shape_cast %swap3A_668 : vector<1x16xf32> to vector<16xf32>
    %swap3A_670 = vector.shape_cast %mul3A_664 : vector<16xf32> to vector<1x16xf32>
    tpu.vector_store %arg4[%swap3A_666, %swap3A_667], %swap3A_670 {strides = array<i32>} : memref<32x48xf32, #tpu.memory_space<vmem>>, vector<1x16xf32>,
    %get3A_671 = arith.constant 16 : i32
    %get3A_672 = arith.index_cast %get3A_671 : i32 to index
    %get3A_673 = arith.constant 0 : index
    %get3A_674 = tpu.vector_load %arg4[%get3A_672, %get3A_673] {strides = array<i32>} : memref<32x48xf32, #tpu.memory_space<vmem>>, vector<1x16xf32>,
    %get3A_675 = vector.shape_cast %get3A_674 : vector<1x16xf32> to vector<16xf32>
    %mul3A_676 = arith.constant 2.000000e+00 : f32
    %mul3A_677 = vector.broadcast %mul3A_676 : f32 to vector<16xf32>
    %mul3A_678 = arith.mulf %get3A_675, %mul3A_677 : vector<16xf32>
    %swap3A_679 = arith.constant 16 : i32
    %swap3A_680 = arith.index_cast %swap3A_679 : i32 to index
    %swap3A_681 = arith.constant 0 : index
    %swap3A_682 = tpu.vector_load %arg4[%swap3A_680, %swap3A_681] {strides = array<i32>} : memref<32x48xf32, #tpu.memory_space<vmem>>, vector<1x16xf32>,
    %swap3A_683 = vector.shape_cast %swap3A_682 : vector<1x16xf32> to vector<16xf32>
    %swap3A_684 = vector.shape_cast %mul3A_678 : vector<16xf32> to vector<1x16xf32>
    tpu.vector_store %arg4[%swap3A_680, %swap3A_681], %swap3A_684 {strides = array<i32>} : memref<32x48xf32, #tpu.memory_space<vmem>>, vector<1x16xf32>,
    %get3A_685 = arith.constant 16 : i32
    %get3A_686 = arith.index_cast %get3A_685 : i32 to index
    %get3A_687 = arith.constant 16 : index
    %get3A_688 = tpu.vector_load %arg4[%get3A_686, %get3A_687] {strides = array<i32>} : memref<32x48xf32, #tpu.memory_space<vmem>>, vector<1x16xf32>,
    %get3A_689 = vector.shape_cast %get3A_688 : vector<1x16xf32> to vector<16xf32>
    %mul3A_690 = arith.constant 2.000000e+00 : f32
    %mul3A_691 = vector.broadcast %mul3A_690 : f32 to vector<16xf32>
    %mul3A_692 = arith.mulf %get3A_689, %mul3A_691 : vector<16xf32>
    %swap3A_693 = arith.constant 16 : i32
    %swap3A_694 = arith.index_cast %swap3A_693 : i32 to index
    %swap3A_695 = arith.constant 16 : index
    %swap3A_696 = tpu.vector_load %arg4[%swap3A_694, %swap3A_695] {strides = array<i32>} : memref<32x48xf32, #tpu.memory_space<vmem>>, vector<1x16xf32>,
    %swap3A_697 = vector.shape_cast %swap3A_696 : vector<1x16xf32> to vector<16xf32>
    %swap3A_698 = vector.shape_cast %mul3A_692 : vector<16xf32> to vector<1x16xf32>
    tpu.vector_store %arg4[%swap3A_694, %swap3A_695], %swap3A_698 {strides = array<i32>} : memref<32x48xf32, #tpu.memory_space<vmem>>, vector<1x16xf32>,
    %get3A_699 = arith.constant 16 : i32
    %get3A_700 = arith.index_cast %get3A_699 : i32 to index
    %get3A_701 = arith.constant 32 : index
    %get3A_702 = tpu.vector_load %arg4[%get3A_700, %get3A_701] {strides = array<i32>} : memref<32x48xf32, #tpu.memory_space<vmem>>, vector<1x16xf32>,
    %get3A_703 = vector.shape_cast %get3A_702 : vector<1x16xf32> to vector<16xf32>
    %mul3A_704 = arith.constant 2.000000e+00 : f32
    %mul3A_705 = vector.broadcast %mul3A_704 : f32 to vector<16xf32>
    %mul3A_706 = arith.mulf %get3A_703, %mul3A_705 : vector<16xf32>
    %swap3A_707 = arith.constant 16 : i32
    %swap3A_708 = arith.index_cast %swap3A_707 : i32 to index
    %swap3A_709 = arith.constant 32 : index
    %swap3A_710 = tpu.vector_load %arg4[%swap3A_708, %swap3A_709] {strides = array<i32>} : memref<32x48xf32, #tpu.memory_space<vmem>>, vector<1x16xf32>,
    %swap3A_711 = vector.shape_cast %swap3A_710 : vector<1x16xf32> to vector<16xf32>
    %swap3A_712 = vector.shape_cast %mul3A_706 : vector<16xf32> to vector<1x16xf32>
    tpu.vector_store %arg4[%swap3A_708, %swap3A_709], %swap3A_712 {strides = array<i32>} : memref<32x48xf32, #tpu.memory_space<vmem>>, vector<1x16xf32>,
    %get3A_713 = arith.constant 17 : i32
    %get3A_714 = arith.index_cast %get3A_713 : i32 to index
    %get3A_715 = arith.constant 0 : index
    %get3A_716 = tpu.vector_load %arg4[%get3A_714, %get3A_715] {strides = array<i32>} : memref<32x48xf32, #tpu.memory_space<vmem>>, vector<1x16xf32>,
    %get3A_717 = vector.shape_cast %get3A_716 : vector<1x16xf32> to vector<16xf32>
    %mul3A_718 = arith.constant 2.000000e+00 : f32
    %mul3A_719 = vector.broadcast %mul3A_718 : f32 to vector<16xf32>
    %mul3A_720 = arith.mulf %get3A_717, %mul3A_719 : vector<16xf32>
    %swap3A_721 = arith.constant 17 : i32
    %swap3A_722 = arith.index_cast %swap3A_721 : i32 to index
    %swap3A_723 = arith.constant 0 : index
    %swap3A_724 = tpu.vector_load %arg4[%swap3A_722, %swap3A_723] {strides = array<i32>} : memref<32x48xf32, #tpu.memory_space<vmem>>, vector<1x16xf32>,
    %swap3A_725 = vector.shape_cast %swap3A_724 : vector<1x16xf32> to vector<16xf32>
    %swap3A_726 = vector.shape_cast %mul3A_720 : vector<16xf32> to vector<1x16xf32>
    tpu.vector_store %arg4[%swap3A_722, %swap3A_723], %swap3A_726 {strides = array<i32>} : memref<32x48xf32, #tpu.memory_space<vmem>>, vector<1x16xf32>,
    %get3A_727 = arith.constant 17 : i32
    %get3A_728 = arith.index_cast %get3A_727 : i32 to index
    %get3A_729 = arith.constant 16 : index
    %get3A_730 = tpu.vector_load %arg4[%get3A_728, %get3A_729] {strides = array<i32>} : memref<32x48xf32, #tpu.memory_space<vmem>>, vector<1x16xf32>,
    %get3A_731 = vector.shape_cast %get3A_730 : vector<1x16xf32> to vector<16xf32>
    %mul3A_732 = arith.constant 2.000000e+00 : f32
    %mul3A_733 = vector.broadcast %mul3A_732 : f32 to vector<16xf32>
    %mul3A_734 = arith.mulf %get3A_731, %mul3A_733 : vector<16xf32>
    %swap3A_735 = arith.constant 17 : i32
    %swap3A_736 = arith.index_cast %swap3A_735 : i32 to index
    %swap3A_737 = arith.constant 16 : index
    %swap3A_738 = tpu.vector_load %arg4[%swap3A_736, %swap3A_737] {strides = array<i32>} : memref<32x48xf32, #tpu.memory_space<vmem>>, vector<1x16xf32>,
    %swap3A_739 = vector.shape_cast %swap3A_738 : vector<1x16xf32> to vector<16xf32>
    %swap3A_740 = vector.shape_cast %mul3A_734 : vector<16xf32> to vector<1x16xf32>
    tpu.vector_store %arg4[%swap3A_736, %swap3A_737], %swap3A_740 {strides = array<i32>} : memref<32x48xf32, #tpu.memory_space<vmem>>, vector<1x16xf32>,
    %get3A_741 = arith.constant 17 : i32
    %get3A_742 = arith.index_cast %get3A_741 : i32 to index
    %get3A_743 = arith.constant 32 : index
    %get3A_744 = tpu.vector_load %arg4[%get3A_742, %get3A_743] {strides = array<i32>} : memref<32x48xf32, #tpu.memory_space<vmem>>, vector<1x16xf32>,
    %get3A_745 = vector.shape_cast %get3A_744 : vector<1x16xf32> to vector<16xf32>
    %mul3A_746 = arith.constant 2.000000e+00 : f32
    %mul3A_747 = vector.broadcast %mul3A_746 : f32 to vector<16xf32>
    %mul3A_748 = arith.mulf %get3A_745, %mul3A_747 : vector<16xf32>
    %swap3A_749 = arith.constant 17 : i32
    %swap3A_750 = arith.index_cast %swap3A_749 : i32 to index
    %swap3A_751 = arith.constant 32 : index
    %swap3A_752 = tpu.vector_load %arg4[%swap3A_750, %swap3A_751] {strides = array<i32>} : memref<32x48xf32, #tpu.memory_space<vmem>>, vector<1x16xf32>,
    %swap3A_753 = vector.shape_cast %swap3A_752 : vector<1x16xf32> to vector<16xf32>
    %swap3A_754 = vector.shape_cast %mul3A_748 : vector<16xf32> to vector<1x16xf32>
    tpu.vector_store %arg4[%swap3A_750, %swap3A_751], %swap3A_754 {strides = array<i32>} : memref<32x48xf32, #tpu.memory_space<vmem>>, vector<1x16xf32>,
    %get3A_755 = arith.constant 18 : i32
    %get3A_756 = arith.index_cast %get3A_755 : i32 to index
    %get3A_757 = arith.constant 0 : index
    %get3A_758 = tpu.vector_load %arg4[%get3A_756, %get3A_757] {strides = array<i32>} : memref<32x48xf32, #tpu.memory_space<vmem>>, vector<1x16xf32>,
    %get3A_759 = vector.shape_cast %get3A_758 : vector<1x16xf32> to vector<16xf32>
    %mul3A_760 = arith.constant 2.000000e+00 : f32
    %mul3A_761 = vector.broadcast %mul3A_760 : f32 to vector<16xf32>
    %mul3A_762 = arith.mulf %get3A_759, %mul3A_761 : vector<16xf32>
    %swap3A_763 = arith.constant 18 : i32
    %swap3A_764 = arith.index_cast %swap3A_763 : i32 to index
    %swap3A_765 = arith.constant 0 : index
    %swap3A_766 = tpu.vector_load %arg4[%swap3A_764, %swap3A_765] {strides = array<i32>} : memref<32x48xf32, #tpu.memory_space<vmem>>, vector<1x16xf32>,
    %swap3A_767 = vector.shape_cast %swap3A_766 : vector<1x16xf32> to vector<16xf32>
    %swap3A_768 = vector.shape_cast %mul3A_762 : vector<16xf32> to vector<1x16xf32>
    tpu.vector_store %arg4[%swap3A_764, %swap3A_765], %swap3A_768 {strides = array<i32>} : memref<32x48xf32, #tpu.memory_space<vmem>>, vector<1x16xf32>,
    %get3A_769 = arith.constant 18 : i32
    %get3A_770 = arith.index_cast %get3A_769 : i32 to index
    %get3A_771 = arith.constant 16 : index
    %get3A_772 = tpu.vector_load %arg4[%get3A_770, %get3A_771] {strides = array<i32>} : memref<32x48xf32, #tpu.memory_space<vmem>>, vector<1x16xf32>,
    %get3A_773 = vector.shape_cast %get3A_772 : vector<1x16xf32> to vector<16xf32>
    %mul3A_774 = arith.constant 2.000000e+00 : f32
    %mul3A_775 = vector.broadcast %mul3A_774 : f32 to vector<16xf32>
    %mul3A_776 = arith.mulf %get3A_773, %mul3A_775 : vector<16xf32>
    %swap3A_777 = arith.constant 18 : i32
    %swap3A_778 = arith.index_cast %swap3A_777 : i32 to index
    %swap3A_779 = arith.constant 16 : index
    %swap3A_780 = tpu.vector_load %arg4[%swap3A_778, %swap3A_779] {strides = array<i32>} : memref<32x48xf32, #tpu.memory_space<vmem>>, vector<1x16xf32>,
    %swap3A_781 = vector.shape_cast %swap3A_780 : vector<1x16xf32> to vector<16xf32>
    %swap3A_782 = vector.shape_cast %mul3A_776 : vector<16xf32> to vector<1x16xf32>
    tpu.vector_store %arg4[%swap3A_778, %swap3A_779], %swap3A_782 {strides = array<i32>} : memref<32x48xf32, #tpu.memory_space<vmem>>, vector<1x16xf32>,
    %get3A_783 = arith.constant 18 : i32
    %get3A_784 = arith.index_cast %get3A_783 : i32 to index
    %get3A_785 = arith.constant 32 : index
    %get3A_786 = tpu.vector_load %arg4[%get3A_784, %get3A_785] {strides = array<i32>} : memref<32x48xf32, #tpu.memory_space<vmem>>, vector<1x16xf32>,
    %get3A_787 = vector.shape_cast %get3A_786 : vector<1x16xf32> to vector<16xf32>
    %mul3A_788 = arith.constant 2.000000e+00 : f32
    %mul3A_789 = vector.broadcast %mul3A_788 : f32 to vector<16xf32>
    %mul3A_790 = arith.mulf %get3A_787, %mul3A_789 : vector<16xf32>
    %swap3A_791 = arith.constant 18 : i32
    %swap3A_792 = arith.index_cast %swap3A_791 : i32 to index
    %swap3A_793 = arith.constant 32 : index
    %swap3A_794 = tpu.vector_load %arg4[%swap3A_792, %swap3A_793] {strides = array<i32>} : memref<32x48xf32, #tpu.memory_space<vmem>>, vector<1x16xf32>,
    %swap3A_795 = vector.shape_cast %swap3A_794 : vector<1x16xf32> to vector<16xf32>
    %swap3A_796 = vector.shape_cast %mul3A_790 : vector<16xf32> to vector<1x16xf32>
    tpu.vector_store %arg4[%swap3A_792, %swap3A_793], %swap3A_796 {strides = array<i32>} : memref<32x48xf32, #tpu.memory_space<vmem>>, vector<1x16xf32>,
    %get3A_797 = arith.constant 19 : i32
    %get3A_798 = arith.index_cast %get3A_797 : i32 to index
    %get3A_799 = arith.constant 0 : index
    %get3A_800 = tpu.vector_load %arg4[%get3A_798, %get3A_799] {strides = array<i32>} : memref<32x48xf32, #tpu.memory_space<vmem>>, vector<1x16xf32>,
    %get3A_801 = vector.shape_cast %get3A_800 : vector<1x16xf32> to vector<16xf32>
    %mul3A_802 = arith.constant 2.000000e+00 : f32
    %mul3A_803 = vector.broadcast %mul3A_802 : f32 to vector<16xf32>
    %mul3A_804 = arith.mulf %get3A_801, %mul3A_803 : vector<16xf32>
    %swap3A_805 = arith.constant 19 : i32
    %swap3A_806 = arith.index_cast %swap3A_805 : i32 to index
    %swap3A_807 = arith.constant 0 : index
    %swap3A_808 = tpu.vector_load %arg4[%swap3A_806, %swap3A_807] {strides = array<i32>} : memref<32x48xf32, #tpu.memory_space<vmem>>, vector<1x16xf32>,
    %swap3A_809 = vector.shape_cast %swap3A_808 : vector<1x16xf32> to vector<16xf32>
    %swap3A_810 = vector.shape_cast %mul3A_804 : vector<16xf32> to vector<1x16xf32>
    tpu.vector_store %arg4[%swap3A_806, %swap3A_807], %swap3A_810 {strides = array<i32>} : memref<32x48xf32, #tpu.memory_space<vmem>>, vector<1x16xf32>,
    %get3A_811 = arith.constant 19 : i32
    %get3A_812 = arith.index_cast %get3A_811 : i32 to index
    %get3A_813 = arith.constant 16 : index
    %get3A_814 = tpu.vector_load %arg4[%get3A_812, %get3A_813] {strides = array<i32>} : memref<32x48xf32, #tpu.memory_space<vmem>>, vector<1x16xf32>,
    %get3A_815 = vector.shape_cast %get3A_814 : vector<1x16xf32> to vector<16xf32>
    %mul3A_816 = arith.constant 2.000000e+00 : f32
    %mul3A_817 = vector.broadcast %mul3A_816 : f32 to vector<16xf32>
    %mul3A_818 = arith.mulf %get3A_815, %mul3A_817 : vector<16xf32>
    %swap3A_819 = arith.constant 19 : i32
    %swap3A_820 = arith.index_cast %swap3A_819 : i32 to index
    %swap3A_821 = arith.constant 16 : index
    %swap3A_822 = tpu.vector_load %arg4[%swap3A_820, %swap3A_821] {strides = array<i32>} : memref<32x48xf32, #tpu.memory_space<vmem>>, vector<1x16xf32>,
    %swap3A_823 = vector.shape_cast %swap3A_822 : vector<1x16xf32> to vector<16xf32>
    %swap3A_824 = vector.shape_cast %mul3A_818 : vector<16xf32> to vector<1x16xf32>
    tpu.vector_store %arg4[%swap3A_820, %swap3A_821], %swap3A_824 {strides = array<i32>} : memref<32x48xf32, #tpu.memory_space<vmem>>, vector<1x16xf32>,
    %get3A_825 = arith.constant 19 : i32
    %get3A_826 = arith.index_cast %get3A_825 : i32 to index
    %get3A_827 = arith.constant 32 : index
    %get3A_828 = tpu.vector_load %arg4[%get3A_826, %get3A_827] {strides = array<i32>} : memref<32x48xf32, #tpu.memory_space<vmem>>, vector<1x16xf32>,
    %get3A_829 = vector.shape_cast %get3A_828 : vector<1x16xf32> to vector<16xf32>
    %mul3A_830 = arith.constant 2.000000e+00 : f32
    %mul3A_831 = vector.broadcast %mul3A_830 : f32 to vector<16xf32>
    %mul3A_832 = arith.mulf %get3A_829, %mul3A_831 : vector<16xf32>
    %swap3A_833 = arith.constant 19 : i32
    %swap3A_834 = arith.index_cast %swap3A_833 : i32 to index
    %swap3A_835 = arith.constant 32 : index
    %swap3A_836 = tpu.vector_load %arg4[%swap3A_834, %swap3A_835] {strides = array<i32>} : memref<32x48xf32, #tpu.memory_space<vmem>>, vector<1x16xf32>,
    %swap3A_837 = vector.shape_cast %swap3A_836 : vector<1x16xf32> to vector<16xf32>
    %swap3A_838 = vector.shape_cast %mul3A_832 : vector<16xf32> to vector<1x16xf32>
    tpu.vector_store %arg4[%swap3A_834, %swap3A_835], %swap3A_838 {strides = array<i32>} : memref<32x48xf32, #tpu.memory_space<vmem>>, vector<1x16xf32>,
    %get3A_839 = arith.constant 20 : i32
    %get3A_840 = arith.index_cast %get3A_839 : i32 to index
    %get3A_841 = arith.constant 0 : index
    %get3A_842 = tpu.vector_load %arg4[%get3A_840, %get3A_841] {strides = array<i32>} : memref<32x48xf32, #tpu.memory_space<vmem>>, vector<1x16xf32>,
    %get3A_843 = vector.shape_cast %get3A_842 : vector<1x16xf32> to vector<16xf32>
    %mul3A_844 = arith.constant 2.000000e+00 : f32
    %mul3A_845 = vector.broadcast %mul3A_844 : f32 to vector<16xf32>
    %mul3A_846 = arith.mulf %get3A_843, %mul3A_845 : vector<16xf32>
    %swap3A_847 = arith.constant 20 : i32
    %swap3A_848 = arith.index_cast %swap3A_847 : i32 to index
    %swap3A_849 = arith.constant 0 : index
    %swap3A_850 = tpu.vector_load %arg4[%swap3A_848, %swap3A_849] {strides = array<i32>} : memref<32x48xf32, #tpu.memory_space<vmem>>, vector<1x16xf32>,
    %swap3A_851 = vector.shape_cast %swap3A_850 : vector<1x16xf32> to vector<16xf32>
    %swap3A_852 = vector.shape_cast %mul3A_846 : vector<16xf32> to vector<1x16xf32>
    tpu.vector_store %arg4[%swap3A_848, %swap3A_849], %swap3A_852 {strides = array<i32>} : memref<32x48xf32, #tpu.memory_space<vmem>>, vector<1x16xf32>,
    %get3A_853 = arith.constant 20 : i32
    %get3A_854 = arith.index_cast %get3A_853 : i32 to index
    %get3A_855 = arith.constant 16 : index
    %get3A_856 = tpu.vector_load %arg4[%get3A_854, %get3A_855] {strides = array<i32>} : memref<32x48xf32, #tpu.memory_space<vmem>>, vector<1x16xf32>,
    %get3A_857 = vector.shape_cast %get3A_856 : vector<1x16xf32> to vector<16xf32>
    %mul3A_858 = arith.constant 2.000000e+00 : f32
    %mul3A_859 = vector.broadcast %mul3A_858 : f32 to vector<16xf32>
    %mul3A_860 = arith.mulf %get3A_857, %mul3A_859 : vector<16xf32>
    %swap3A_861 = arith.constant 20 : i32
    %swap3A_862 = arith.index_cast %swap3A_861 : i32 to index
    %swap3A_863 = arith.constant 16 : index
    %swap3A_864 = tpu.vector_load %arg4[%swap3A_862, %swap3A_863] {strides = array<i32>} : memref<32x48xf32, #tpu.memory_space<vmem>>, vector<1x16xf32>,
    %swap3A_865 = vector.shape_cast %swap3A_864 : vector<1x16xf32> to vector<16xf32>
    %swap3A_866 = vector.shape_cast %mul3A_860 : vector<16xf32> to vector<1x16xf32>
    tpu.vector_store %arg4[%swap3A_862, %swap3A_863], %swap3A_866 {strides = array<i32>} : memref<32x48xf32, #tpu.memory_space<vmem>>, vector<1x16xf32>,
    %get3A_867 = arith.constant 20 : i32
    %get3A_868 = arith.index_cast %get3A_867 : i32 to index
    %get3A_869 = arith.constant 32 : index
    %get3A_870 = tpu.vector_load %arg4[%get3A_868, %get3A_869] {strides = array<i32>} : memref<32x48xf32, #tpu.memory_space<vmem>>, vector<1x16xf32>,
    %get3A_871 = vector.shape_cast %get3A_870 : vector<1x16xf32> to vector<16xf32>
    %mul3A_872 = arith.constant 2.000000e+00 : f32
    %mul3A_873 = vector.broadcast %mul3A_872 : f32 to vector<16xf32>
    %mul3A_874 = arith.mulf %get3A_871, %mul3A_873 : vector<16xf32>
    %swap3A_875 = arith.constant 20 : i32
    %swap3A_876 = arith.index_cast %swap3A_875 : i32 to index
    %swap3A_877 = arith.constant 32 : index
    %swap3A_878 = tpu.vector_load %arg4[%swap3A_876, %swap3A_877] {strides = array<i32>} : memref<32x48xf32, #tpu.memory_space<vmem>>, vector<1x16xf32>,
    %swap3A_879 = vector.shape_cast %swap3A_878 : vector<1x16xf32> to vector<16xf32>
    %swap3A_880 = vector.shape_cast %mul3A_874 : vector<16xf32> to vector<1x16xf32>
    tpu.vector_store %arg4[%swap3A_876, %swap3A_877], %swap3A_880 {strides = array<i32>} : memref<32x48xf32, #tpu.memory_space<vmem>>, vector<1x16xf32>,
    %get3A_881 = arith.constant 21 : i32
    %get3A_882 = arith.index_cast %get3A_881 : i32 to index
    %get3A_883 = arith.constant 0 : index
    %get3A_884 = tpu.vector_load %arg4[%get3A_882, %get3A_883] {strides = array<i32>} : memref<32x48xf32, #tpu.memory_space<vmem>>, vector<1x16xf32>,
    %get3A_885 = vector.shape_cast %get3A_884 : vector<1x16xf32> to vector<16xf32>
    %mul3A_886 = arith.constant 2.000000e+00 : f32
    %mul3A_887 = vector.broadcast %mul3A_886 : f32 to vector<16xf32>
    %mul3A_888 = arith.mulf %get3A_885, %mul3A_887 : vector<16xf32>
    %swap3A_889 = arith.constant 21 : i32
    %swap3A_890 = arith.index_cast %swap3A_889 : i32 to index
    %swap3A_891 = arith.constant 0 : index
    %swap3A_892 = tpu.vector_load %arg4[%swap3A_890, %swap3A_891] {strides = array<i32>} : memref<32x48xf32, #tpu.memory_space<vmem>>, vector<1x16xf32>,
    %swap3A_893 = vector.shape_cast %swap3A_892 : vector<1x16xf32> to vector<16xf32>
    %swap3A_894 = vector.shape_cast %mul3A_888 : vector<16xf32> to vector<1x16xf32>
    tpu.vector_store %arg4[%swap3A_890, %swap3A_891], %swap3A_894 {strides = array<i32>} : memref<32x48xf32, #tpu.memory_space<vmem>>, vector<1x16xf32>,
    %get3A_895 = arith.constant 21 : i32
    %get3A_896 = arith.index_cast %get3A_895 : i32 to index
    %get3A_897 = arith.constant 16 : index
    %get3A_898 = tpu.vector_load %arg4[%get3A_896, %get3A_897] {strides = array<i32>} : memref<32x48xf32, #tpu.memory_space<vmem>>, vector<1x16xf32>,
    %get3A_899 = vector.shape_cast %get3A_898 : vector<1x16xf32> to vector<16xf32>
    %mul3A_900 = arith.constant 2.000000e+00 : f32
    %mul3A_901 = vector.broadcast %mul3A_900 : f32 to vector<16xf32>
    %mul3A_902 = arith.mulf %get3A_899, %mul3A_901 : vector<16xf32>
    %swap3A_903 = arith.constant 21 : i32
    %swap3A_904 = arith.index_cast %swap3A_903 : i32 to index
    %swap3A_905 = arith.constant 16 : index
    %swap3A_906 = tpu.vector_load %arg4[%swap3A_904, %swap3A_905] {strides = array<i32>} : memref<32x48xf32, #tpu.memory_space<vmem>>, vector<1x16xf32>,
    %swap3A_907 = vector.shape_cast %swap3A_906 : vector<1x16xf32> to vector<16xf32>
    %swap3A_908 = vector.shape_cast %mul3A_902 : vector<16xf32> to vector<1x16xf32>
    tpu.vector_store %arg4[%swap3A_904, %swap3A_905], %swap3A_908 {strides = array<i32>} : memref<32x48xf32, #tpu.memory_space<vmem>>, vector<1x16xf32>,
    %get3A_909 = arith.constant 21 : i32
    %get3A_910 = arith.index_cast %get3A_909 : i32 to index
    %get3A_911 = arith.constant 32 : index
    %get3A_912 = tpu.vector_load %arg4[%get3A_910, %get3A_911] {strides = array<i32>} : memref<32x48xf32, #tpu.memory_space<vmem>>, vector<1x16xf32>,
    %get3A_913 = vector.shape_cast %get3A_912 : vector<1x16xf32> to vector<16xf32>
    %mul3A_914 = arith.constant 2.000000e+00 : f32
    %mul3A_915 = vector.broadcast %mul3A_914 : f32 to vector<16xf32>
    %mul3A_916 = arith.mulf %get3A_913, %mul3A_915 : vector<16xf32>
    %swap3A_917 = arith.constant 21 : i32
    %swap3A_918 = arith.index_cast %swap3A_917 : i32 to index
    %swap3A_919 = arith.constant 32 : index
    %swap3A_920 = tpu.vector_load %arg4[%swap3A_918, %swap3A_919] {strides = array<i32>} : memref<32x48xf32, #tpu.memory_space<vmem>>, vector<1x16xf32>,
    %swap3A_921 = vector.shape_cast %swap3A_920 : vector<1x16xf32> to vector<16xf32>
    %swap3A_922 = vector.shape_cast %mul3A_916 : vector<16xf32> to vector<1x16xf32>
    tpu.vector_store %arg4[%swap3A_918, %swap3A_919], %swap3A_922 {strides = array<i32>} : memref<32x48xf32, #tpu.memory_space<vmem>>, vector<1x16xf32>,
    %get3A_923 = arith.constant 22 : i32
    %get3A_924 = arith.index_cast %get3A_923 : i32 to index
    %get3A_925 = arith.constant 0 : index
    %get3A_926 = tpu.vector_load %arg4[%get3A_924, %get3A_925] {strides = array<i32>} : memref<32x48xf32, #tpu.memory_space<vmem>>, vector<1x16xf32>,
    %get3A_927 = vector.shape_cast %get3A_926 : vector<1x16xf32> to vector<16xf32>
    %mul3A_928 = arith.constant 2.000000e+00 : f32
    %mul3A_929 = vector.broadcast %mul3A_928 : f32 to vector<16xf32>
    %mul3A_930 = arith.mulf %get3A_927, %mul3A_929 : vector<16xf32>
    %swap3A_931 = arith.constant 22 : i32
    %swap3A_932 = arith.index_cast %swap3A_931 : i32 to index
    %swap3A_933 = arith.constant 0 : index
    %swap3A_934 = tpu.vector_load %arg4[%swap3A_932, %swap3A_933] {strides = array<i32>} : memref<32x48xf32, #tpu.memory_space<vmem>>, vector<1x16xf32>,
    %swap3A_935 = vector.shape_cast %swap3A_934 : vector<1x16xf32> to vector<16xf32>
    %swap3A_936 = vector.shape_cast %mul3A_930 : vector<16xf32> to vector<1x16xf32>
    tpu.vector_store %arg4[%swap3A_932, %swap3A_933], %swap3A_936 {strides = array<i32>} : memref<32x48xf32, #tpu.memory_space<vmem>>, vector<1x16xf32>,
    %get3A_937 = arith.constant 22 : i32
    %get3A_938 = arith.index_cast %get3A_937 : i32 to index
    %get3A_939 = arith.constant 16 : index
    %get3A_940 = tpu.vector_load %arg4[%get3A_938, %get3A_939] {strides = array<i32>} : memref<32x48xf32, #tpu.memory_space<vmem>>, vector<1x16xf32>,
    %get3A_941 = vector.shape_cast %get3A_940 : vector<1x16xf32> to vector<16xf32>
    %mul3A_942 = arith.constant 2.000000e+00 : f32
    %mul3A_943 = vector.broadcast %mul3A_942 : f32 to vector<16xf32>
    %mul3A_944 = arith.mulf %get3A_941, %mul3A_943 : vector<16xf32>
    %swap3A_945 = arith.constant 22 : i32
    %swap3A_946 = arith.index_cast %swap3A_945 : i32 to index
    %swap3A_947 = arith.constant 16 : index
    %swap3A_948 = tpu.vector_load %arg4[%swap3A_946, %swap3A_947] {strides = array<i32>} : memref<32x48xf32, #tpu.memory_space<vmem>>, vector<1x16xf32>,
    %swap3A_949 = vector.shape_cast %swap3A_948 : vector<1x16xf32> to vector<16xf32>
    %swap3A_950 = vector.shape_cast %mul3A_944 : vector<16xf32> to vector<1x16xf32>
    tpu.vector_store %arg4[%swap3A_946, %swap3A_947], %swap3A_950 {strides = array<i32>} : memref<32x48xf32, #tpu.memory_space<vmem>>, vector<1x16xf32>,
    %get3A_951 = arith.constant 22 : i32
    %get3A_952 = arith.index_cast %get3A_951 : i32 to index
    %get3A_953 = arith.constant 32 : index
    %get3A_954 = tpu.vector_load %arg4[%get3A_952, %get3A_953] {strides = array<i32>} : memref<32x48xf32, #tpu.memory_space<vmem>>, vector<1x16xf32>,
    %get3A_955 = vector.shape_cast %get3A_954 : vector<1x16xf32> to vector<16xf32>
    %mul3A_956 = arith.constant 2.000000e+00 : f32
    %mul3A_957 = vector.broadcast %mul3A_956 : f32 to vector<16xf32>
    %mul3A_958 = arith.mulf %get3A_955, %mul3A_957 : vector<16xf32>
    %swap3A_959 = arith.constant 22 : i32
    %swap3A_960 = arith.index_cast %swap3A_959 : i32 to index
    %swap3A_961 = arith.constant 32 : index
    %swap3A_962 = tpu.vector_load %arg4[%swap3A_960, %swap3A_961] {strides = array<i32>} : memref<32x48xf32, #tpu.memory_space<vmem>>, vector<1x16xf32>,
    %swap3A_963 = vector.shape_cast %swap3A_962 : vector<1x16xf32> to vector<16xf32>
    %swap3A_964 = vector.shape_cast %mul3A_958 : vector<16xf32> to vector<1x16xf32>
    tpu.vector_store %arg4[%swap3A_960, %swap3A_961], %swap3A_964 {strides = array<i32>} : memref<32x48xf32, #tpu.memory_space<vmem>>, vector<1x16xf32>,
    %get3A_965 = arith.constant 23 : i32
    %get3A_966 = arith.index_cast %get3A_965 : i32 to index
    %get3A_967 = arith.constant 0 : index
    %get3A_968 = tpu.vector_load %arg4[%get3A_966, %get3A_967] {strides = array<i32>} : memref<32x48xf32, #tpu.memory_space<vmem>>, vector<1x16xf32>,
    %get3A_969 = vector.shape_cast %get3A_968 : vector<1x16xf32> to vector<16xf32>
    %mul3A_970 = arith.constant 2.000000e+00 : f32
    %mul3A_971 = vector.broadcast %mul3A_970 : f32 to vector<16xf32>
    %mul3A_972 = arith.mulf %get3A_969, %mul3A_971 : vector<16xf32>
    %swap3A_973 = arith.constant 23 : i32
    %swap3A_974 = arith.index_cast %swap3A_973 : i32 to index
    %swap3A_975 = arith.constant 0 : index
    %swap3A_976 = tpu.vector_load %arg4[%swap3A_974, %swap3A_975] {strides = array<i32>} : memref<32x48xf32, #tpu.memory_space<vmem>>, vector<1x16xf32>,
    %swap3A_977 = vector.shape_cast %swap3A_976 : vector<1x16xf32> to vector<16xf32>
    %swap3A_978 = vector.shape_cast %mul3A_972 : vector<16xf32> to vector<1x16xf32>
    tpu.vector_store %arg4[%swap3A_974, %swap3A_975], %swap3A_978 {strides = array<i32>} : memref<32x48xf32, #tpu.memory_space<vmem>>, vector<1x16xf32>,
    %get3A_979 = arith.constant 23 : i32
    %get3A_980 = arith.index_cast %get3A_979 : i32 to index
    %get3A_981 = arith.constant 16 : index
    %get3A_982 = tpu.vector_load %arg4[%get3A_980, %get3A_981] {strides = array<i32>} : memref<32x48xf32, #tpu.memory_space<vmem>>, vector<1x16xf32>,
    %get3A_983 = vector.shape_cast %get3A_982 : vector<1x16xf32> to vector<16xf32>
    %mul3A_984 = arith.constant 2.000000e+00 : f32
    %mul3A_985 = vector.broadcast %mul3A_984 : f32 to vector<16xf32>
    %mul3A_986 = arith.mulf %get3A_983, %mul3A_985 : vector<16xf32>
    %swap3A_987 = arith.constant 23 : i32
    %swap3A_988 = arith.index_cast %swap3A_987 : i32 to index
    %swap3A_989 = arith.constant 16 : index
    %swap3A_990 = tpu.vector_load %arg4[%swap3A_988, %swap3A_989] {strides = array<i32>} : memref<32x48xf32, #tpu.memory_space<vmem>>, vector<1x16xf32>,
    %swap3A_991 = vector.shape_cast %swap3A_990 : vector<1x16xf32> to vector<16xf32>
    %swap3A_992 = vector.shape_cast %mul3A_986 : vector<16xf32> to vector<1x16xf32>
    tpu.vector_store %arg4[%swap3A_988, %swap3A_989], %swap3A_992 {strides = array<i32>} : memref<32x48xf32, #tpu.memory_space<vmem>>, vector<1x16xf32>,
    %get3A_993 = arith.constant 23 : i32
    %get3A_994 = arith.index_cast %get3A_993 : i32 to index
    %get3A_995 = arith.constant 32 : index
    %get3A_996 = tpu.vector_load %arg4[%get3A_994, %get3A_995] {strides = array<i32>} : memref<32x48xf32, #tpu.memory_space<vmem>>, vector<1x16xf32>,
    %get3A_997 = vector.shape_cast %get3A_996 : vector<1x16xf32> to vector<16xf32>
    %mul3A_998 = arith.constant 2.000000e+00 : f32
    %mul3A_999 = vector.broadcast %mul3A_998 : f32 to vector<16xf32>
    %mul3A_1000 = arith.mulf %get3A_997, %mul3A_999 : vector<16xf32>
    %swap3A_1001 = arith.constant 23 : i32
    %swap3A_1002 = arith.index_cast %swap3A_1001 : i32 to index
    %swap3A_1003 = arith.constant 32 : index
    %swap3A_1004 = tpu.vector_load %arg4[%swap3A_1002, %swap3A_1003] {strides = array<i32>} : memref<32x48xf32, #tpu.memory_space<vmem>>, vector<1x16xf32>,
    %swap3A_1005 = vector.shape_cast %swap3A_1004 : vector<1x16xf32> to vector<16xf32>
    %swap3A_1006 = vector.shape_cast %mul3A_1000 : vector<16xf32> to vector<1x16xf32>
    tpu.vector_store %arg4[%swap3A_1002, %swap3A_1003], %swap3A_1006 {strides = array<i32>} : memref<32x48xf32, #tpu.memory_space<vmem>>, vector<1x16xf32>,
    %get3A_1007 = arith.constant 24 : i32
    %get3A_1008 = arith.index_cast %get3A_1007 : i32 to index
    %get3A_1009 = arith.constant 0 : index
    %get3A_1010 = tpu.vector_load %arg4[%get3A_1008, %get3A_1009] {strides = array<i32>} : memref<32x48xf32, #tpu.memory_space<vmem>>, vector<1x16xf32>,
    %get3A_1011 = vector.shape_cast %get3A_1010 : vector<1x16xf32> to vector<16xf32>
    %mul3A_1012 = arith.constant 2.000000e+00 : f32
    %mul3A_1013 = vector.broadcast %mul3A_1012 : f32 to vector<16xf32>
    %mul3A_1014 = arith.mulf %get3A_1011, %mul3A_1013 : vector<16xf32>
    %swap3A_1015 = arith.constant 24 : i32
    %swap3A_1016 = arith.index_cast %swap3A_1015 : i32 to index
    %swap3A_1017 = arith.constant 0 : index
    %swap3A_1018 = tpu.vector_load %arg4[%swap3A_1016, %swap3A_1017] {strides = array<i32>} : memref<32x48xf32, #tpu.memory_space<vmem>>, vector<1x16xf32>,
    %swap3A_1019 = vector.shape_cast %swap3A_1018 : vector<1x16xf32> to vector<16xf32>
    %swap3A_1020 = vector.shape_cast %mul3A_1014 : vector<16xf32> to vector<1x16xf32>
    tpu.vector_store %arg4[%swap3A_1016, %swap3A_1017], %swap3A_1020 {strides = array<i32>} : memref<32x48xf32, #tpu.memory_space<vmem>>, vector<1x16xf32>,
    %get3A_1021 = arith.constant 24 : i32
    %get3A_1022 = arith.index_cast %get3A_1021 : i32 to index
    %get3A_1023 = arith.constant 16 : index
    %get3A_1024 = tpu.vector_load %arg4[%get3A_1022, %get3A_1023] {strides = array<i32>} : memref<32x48xf32, #tpu.memory_space<vmem>>, vector<1x16xf32>,
    %get3A_1025 = vector.shape_cast %get3A_1024 : vector<1x16xf32> to vector<16xf32>
    %mul3A_1026 = arith.constant 2.000000e+00 : f32
    %mul3A_1027 = vector.broadcast %mul3A_1026 : f32 to vector<16xf32>
    %mul3A_1028 = arith.mulf %get3A_1025, %mul3A_1027 : vector<16xf32>
    %swap3A_1029 = arith.constant 24 : i32
    %swap3A_1030 = arith.index_cast %swap3A_1029 : i32 to index
    %swap3A_1031 = arith.constant 16 : index
    %swap3A_1032 = tpu.vector_load %arg4[%swap3A_1030, %swap3A_1031] {strides = array<i32>} : memref<32x48xf32, #tpu.memory_space<vmem>>, vector<1x16xf32>,
    %swap3A_1033 = vector.shape_cast %swap3A_1032 : vector<1x16xf32> to vector<16xf32>
    %swap3A_1034 = vector.shape_cast %mul3A_1028 : vector<16xf32> to vector<1x16xf32>
    tpu.vector_store %arg4[%swap3A_1030, %swap3A_1031], %swap3A_1034 {strides = array<i32>} : memref<32x48xf32, #tpu.memory_space<vmem>>, vector<1x16xf32>,
    %get3A_1035 = arith.constant 24 : i32
    %get3A_1036 = arith.index_cast %get3A_1035 : i32 to index
    %get3A_1037 = arith.constant 32 : index
    %get3A_1038 = tpu.vector_load %arg4[%get3A_1036, %get3A_1037] {strides = array<i32>} : memref<32x48xf32, #tpu.memory_space<vmem>>, vector<1x16xf32>,
    %get3A_1039 = vector.shape_cast %get3A_1038 : vector<1x16xf32> to vector<16xf32>
    %mul3A_1040 = arith.constant 2.000000e+00 : f32
    %mul3A_1041 = vector.broadcast %mul3A_1040 : f32 to vector<16xf32>
    %mul3A_1042 = arith.mulf %get3A_1039, %mul3A_1041 : vector<16xf32>
    %swap3A_1043 = arith.constant 24 : i32
    %swap3A_1044 = arith.index_cast %swap3A_1043 : i32 to index
    %swap3A_1045 = arith.constant 32 : index
    %swap3A_1046 = tpu.vector_load %arg4[%swap3A_1044, %swap3A_1045] {strides = array<i32>} : memref<32x48xf32, #tpu.memory_space<vmem>>, vector<1x16xf32>,
    %swap3A_1047 = vector.shape_cast %swap3A_1046 : vector<1x16xf32> to vector<16xf32>
    %swap3A_1048 = vector.shape_cast %mul3A_1042 : vector<16xf32> to vector<1x16xf32>
    tpu.vector_store %arg4[%swap3A_1044, %swap3A_1045], %swap3A_1048 {strides = array<i32>} : memref<32x48xf32, #tpu.memory_space<vmem>>, vector<1x16xf32>,
    %get3A_1049 = arith.constant 25 : i32
    %get3A_1050 = arith.index_cast %get3A_1049 : i32 to index
    %get3A_1051 = arith.constant 0 : index
    %get3A_1052 = tpu.vector_load %arg4[%get3A_1050, %get3A_1051] {strides = array<i32>} : memref<32x48xf32, #tpu.memory_space<vmem>>, vector<1x16xf32>,
    %get3A_1053 = vector.shape_cast %get3A_1052 : vector<1x16xf32> to vector<16xf32>
    %mul3A_1054 = arith.constant 2.000000e+00 : f32
    %mul3A_1055 = vector.broadcast %mul3A_1054 : f32 to vector<16xf32>
    %mul3A_1056 = arith.mulf %get3A_1053, %mul3A_1055 : vector<16xf32>
    %swap3A_1057 = arith.constant 25 : i32
    %swap3A_1058 = arith.index_cast %swap3A_1057 : i32 to index
    %swap3A_1059 = arith.constant 0 : index
    %swap3A_1060 = tpu.vector_load %arg4[%swap3A_1058, %swap3A_1059] {strides = array<i32>} : memref<32x48xf32, #tpu.memory_space<vmem>>, vector<1x16xf32>,
    %swap3A_1061 = vector.shape_cast %swap3A_1060 : vector<1x16xf32> to vector<16xf32>
    %swap3A_1062 = vector.shape_cast %mul3A_1056 : vector<16xf32> to vector<1x16xf32>
    tpu.vector_store %arg4[%swap3A_1058, %swap3A_1059], %swap3A_1062 {strides = array<i32>} : memref<32x48xf32, #tpu.memory_space<vmem>>, vector<1x16xf32>,
    %get3A_1063 = arith.constant 25 : i32
    %get3A_1064 = arith.index_cast %get3A_1063 : i32 to index
    %get3A_1065 = arith.constant 16 : index
    %get3A_1066 = tpu.vector_load %arg4[%get3A_1064, %get3A_1065] {strides = array<i32>} : memref<32x48xf32, #tpu.memory_space<vmem>>, vector<1x16xf32>,
    %get3A_1067 = vector.shape_cast %get3A_1066 : vector<1x16xf32> to vector<16xf32>
    %mul3A_1068 = arith.constant 2.000000e+00 : f32
    %mul3A_1069 = vector.broadcast %mul3A_1068 : f32 to vector<16xf32>
    %mul3A_1070 = arith.mulf %get3A_1067, %mul3A_1069 : vector<16xf32>
    %swap3A_1071 = arith.constant 25 : i32
    %swap3A_1072 = arith.index_cast %swap3A_1071 : i32 to index
    %swap3A_1073 = arith.constant 16 : index
    %swap3A_1074 = tpu.vector_load %arg4[%swap3A_1072, %swap3A_1073] {strides = array<i32>} : memref<32x48xf32, #tpu.memory_space<vmem>>, vector<1x16xf32>,
    %swap3A_1075 = vector.shape_cast %swap3A_1074 : vector<1x16xf32> to vector<16xf32>
    %swap3A_1076 = vector.shape_cast %mul3A_1070 : vector<16xf32> to vector<1x16xf32>
    tpu.vector_store %arg4[%swap3A_1072, %swap3A_1073], %swap3A_1076 {strides = array<i32>} : memref<32x48xf32, #tpu.memory_space<vmem>>, vector<1x16xf32>,
    %get3A_1077 = arith.constant 25 : i32
    %get3A_1078 = arith.index_cast %get3A_1077 : i32 to index
    %get3A_1079 = arith.constant 32 : index
    %get3A_1080 = tpu.vector_load %arg4[%get3A_1078, %get3A_1079] {strides = array<i32>} : memref<32x48xf32, #tpu.memory_space<vmem>>, vector<1x16xf32>,
    %get3A_1081 = vector.shape_cast %get3A_1080 : vector<1x16xf32> to vector<16xf32>
    %mul3A_1082 = arith.constant 2.000000e+00 : f32
    %mul3A_1083 = vector.broadcast %mul3A_1082 : f32 to vector<16xf32>
    %mul3A_1084 = arith.mulf %get3A_1081, %mul3A_1083 : vector<16xf32>
    %swap3A_1085 = arith.constant 25 : i32
    %swap3A_1086 = arith.index_cast %swap3A_1085 : i32 to index
    %swap3A_1087 = arith.constant 32 : index
    %swap3A_1088 = tpu.vector_load %arg4[%swap3A_1086, %swap3A_1087] {strides = array<i32>} : memref<32x48xf32, #tpu.memory_space<vmem>>, vector<1x16xf32>,
    %swap3A_1089 = vector.shape_cast %swap3A_1088 : vector<1x16xf32> to vector<16xf32>
    %swap3A_1090 = vector.shape_cast %mul3A_1084 : vector<16xf32> to vector<1x16xf32>
    tpu.vector_store %arg4[%swap3A_1086, %swap3A_1087], %swap3A_1090 {strides = array<i32>} : memref<32x48xf32, #tpu.memory_space<vmem>>, vector<1x16xf32>,
    %get3A_1091 = arith.constant 26 : i32
    %get3A_1092 = arith.index_cast %get3A_1091 : i32 to index
    %get3A_1093 = arith.constant 0 : index
    %get3A_1094 = tpu.vector_load %arg4[%get3A_1092, %get3A_1093] {strides = array<i32>} : memref<32x48xf32, #tpu.memory_space<vmem>>, vector<1x16xf32>,
    %get3A_1095 = vector.shape_cast %get3A_1094 : vector<1x16xf32> to vector<16xf32>
    %mul3A_1096 = arith.constant 2.000000e+00 : f32
    %mul3A_1097 = vector.broadcast %mul3A_1096 : f32 to vector<16xf32>
    %mul3A_1098 = arith.mulf %get3A_1095, %mul3A_1097 : vector<16xf32>
    %swap3A_1099 = arith.constant 26 : i32
    %swap3A_1100 = arith.index_cast %swap3A_1099 : i32 to index
    %swap3A_1101 = arith.constant 0 : index
    %swap3A_1102 = tpu.vector_load %arg4[%swap3A_1100, %swap3A_1101] {strides = array<i32>} : memref<32x48xf32, #tpu.memory_space<vmem>>, vector<1x16xf32>,
    %swap3A_1103 = vector.shape_cast %swap3A_1102 : vector<1x16xf32> to vector<16xf32>
    %swap3A_1104 = vector.shape_cast %mul3A_1098 : vector<16xf32> to vector<1x16xf32>
    tpu.vector_store %arg4[%swap3A_1100, %swap3A_1101], %swap3A_1104 {strides = array<i32>} : memref<32x48xf32, #tpu.memory_space<vmem>>, vector<1x16xf32>,
    %get3A_1105 = arith.constant 26 : i32
    %get3A_1106 = arith.index_cast %get3A_1105 : i32 to index
    %get3A_1107 = arith.constant 16 : index
    %get3A_1108 = tpu.vector_load %arg4[%get3A_1106, %get3A_1107] {strides = array<i32>} : memref<32x48xf32, #tpu.memory_space<vmem>>, vector<1x16xf32>,
    %get3A_1109 = vector.shape_cast %get3A_1108 : vector<1x16xf32> to vector<16xf32>
    %mul3A_1110 = arith.constant 2.000000e+00 : f32
    %mul3A_1111 = vector.broadcast %mul3A_1110 : f32 to vector<16xf32>
    %mul3A_1112 = arith.mulf %get3A_1109, %mul3A_1111 : vector<16xf32>
    %swap3A_1113 = arith.constant 26 : i32
    %swap3A_1114 = arith.index_cast %swap3A_1113 : i32 to index
    %swap3A_1115 = arith.constant 16 : index
    %swap3A_1116 = tpu.vector_load %arg4[%swap3A_1114, %swap3A_1115] {strides = array<i32>} : memref<32x48xf32, #tpu.memory_space<vmem>>, vector<1x16xf32>,
    %swap3A_1117 = vector.shape_cast %swap3A_1116 : vector<1x16xf32> to vector<16xf32>
    %swap3A_1118 = vector.shape_cast %mul3A_1112 : vector<16xf32> to vector<1x16xf32>
    tpu.vector_store %arg4[%swap3A_1114, %swap3A_1115], %swap3A_1118 {strides = array<i32>} : memref<32x48xf32, #tpu.memory_space<vmem>>, vector<1x16xf32>,
    %get3A_1119 = arith.constant 26 : i32
    %get3A_1120 = arith.index_cast %get3A_1119 : i32 to index
    %get3A_1121 = arith.constant 32 : index
    %get3A_1122 = tpu.vector_load %arg4[%get3A_1120, %get3A_1121] {strides = array<i32>} : memref<32x48xf32, #tpu.memory_space<vmem>>, vector<1x16xf32>,
    %get3A_1123 = vector.shape_cast %get3A_1122 : vector<1x16xf32> to vector<16xf32>
    %mul3A_1124 = arith.constant 2.000000e+00 : f32
    %mul3A_1125 = vector.broadcast %mul3A_1124 : f32 to vector<16xf32>
    %mul3A_1126 = arith.mulf %get3A_1123, %mul3A_1125 : vector<16xf32>
    %swap3A_1127 = arith.constant 26 : i32
    %swap3A_1128 = arith.index_cast %swap3A_1127 : i32 to index
    %swap3A_1129 = arith.constant 32 : index
    %swap3A_1130 = tpu.vector_load %arg4[%swap3A_1128, %swap3A_1129] {strides = array<i32>} : memref<32x48xf32, #tpu.memory_space<vmem>>, vector<1x16xf32>,
    %swap3A_1131 = vector.shape_cast %swap3A_1130 : vector<1x16xf32> to vector<16xf32>
    %swap3A_1132 = vector.shape_cast %mul3A_1126 : vector<16xf32> to vector<1x16xf32>
    tpu.vector_store %arg4[%swap3A_1128, %swap3A_1129], %swap3A_1132 {strides = array<i32>} : memref<32x48xf32, #tpu.memory_space<vmem>>, vector<1x16xf32>,
    %get3A_1133 = arith.constant 27 : i32
    %get3A_1134 = arith.index_cast %get3A_1133 : i32 to index
    %get3A_1135 = arith.constant 0 : index
    %get3A_1136 = tpu.vector_load %arg4[%get3A_1134, %get3A_1135] {strides = array<i32>} : memref<32x48xf32, #tpu.memory_space<vmem>>, vector<1x16xf32>,
    %get3A_1137 = vector.shape_cast %get3A_1136 : vector<1x16xf32> to vector<16xf32>
    %mul3A_1138 = arith.constant 2.000000e+00 : f32
    %mul3A_1139 = vector.broadcast %mul3A_1138 : f32 to vector<16xf32>
    %mul3A_1140 = arith.mulf %get3A_1137, %mul3A_1139 : vector<16xf32>
    %swap3A_1141 = arith.constant 27 : i32
    %swap3A_1142 = arith.index_cast %swap3A_1141 : i32 to index
    %swap3A_1143 = arith.constant 0 : index
    %swap3A_1144 = tpu.vector_load %arg4[%swap3A_1142, %swap3A_1143] {strides = array<i32>} : memref<32x48xf32, #tpu.memory_space<vmem>>, vector<1x16xf32>,
    %swap3A_1145 = vector.shape_cast %swap3A_1144 : vector<1x16xf32> to vector<16xf32>
    %swap3A_1146 = vector.shape_cast %mul3A_1140 : vector<16xf32> to vector<1x16xf32>
    tpu.vector_store %arg4[%swap3A_1142, %swap3A_1143], %swap3A_1146 {strides = array<i32>} : memref<32x48xf32, #tpu.memory_space<vmem>>, vector<1x16xf32>,
    %get3A_1147 = arith.constant 27 : i32
    %get3A_1148 = arith.index_cast %get3A_1147 : i32 to index
    %get3A_1149 = arith.constant 16 : index
    %get3A_1150 = tpu.vector_load %arg4[%get3A_1148, %get3A_1149] {strides = array<i32>} : memref<32x48xf32, #tpu.memory_space<vmem>>, vector<1x16xf32>,
    %get3A_1151 = vector.shape_cast %get3A_1150 : vector<1x16xf32> to vector<16xf32>
    %mul3A_1152 = arith.constant 2.000000e+00 : f32
    %mul3A_1153 = vector.broadcast %mul3A_1152 : f32 to vector<16xf32>
    %mul3A_1154 = arith.mulf %get3A_1151, %mul3A_1153 : vector<16xf32>
    %swap3A_1155 = arith.constant 27 : i32
    %swap3A_1156 = arith.index_cast %swap3A_1155 : i32 to index
    %swap3A_1157 = arith.constant 16 : index
    %swap3A_1158 = tpu.vector_load %arg4[%swap3A_1156, %swap3A_1157] {strides = array<i32>} : memref<32x48xf32, #tpu.memory_space<vmem>>, vector<1x16xf32>,
    %swap3A_1159 = vector.shape_cast %swap3A_1158 : vector<1x16xf32> to vector<16xf32>
    %swap3A_1160 = vector.shape_cast %mul3A_1154 : vector<16xf32> to vector<1x16xf32>
    tpu.vector_store %arg4[%swap3A_1156, %swap3A_1157], %swap3A_1160 {strides = array<i32>} : memref<32x48xf32, #tpu.memory_space<vmem>>, vector<1x16xf32>,
    %get3A_1161 = arith.constant 27 : i32
    %get3A_1162 = arith.index_cast %get3A_1161 : i32 to index
    %get3A_1163 = arith.constant 32 : index
    %get3A_1164 = tpu.vector_load %arg4[%get3A_1162, %get3A_1163] {strides = array<i32>} : memref<32x48xf32, #tpu.memory_space<vmem>>, vector<1x16xf32>,
    %get3A_1165 = vector.shape_cast %get3A_1164 : vector<1x16xf32> to vector<16xf32>
    %mul3A_1166 = arith.constant 2.000000e+00 : f32
    %mul3A_1167 = vector.broadcast %mul3A_1166 : f32 to vector<16xf32>
    %mul3A_1168 = arith.mulf %get3A_1165, %mul3A_1167 : vector<16xf32>
    %swap3A_1169 = arith.constant 27 : i32
    %swap3A_1170 = arith.index_cast %swap3A_1169 : i32 to index
    %swap3A_1171 = arith.constant 32 : index
    %swap3A_1172 = tpu.vector_load %arg4[%swap3A_1170, %swap3A_1171] {strides = array<i32>} : memref<32x48xf32, #tpu.memory_space<vmem>>, vector<1x16xf32>,
    %swap3A_1173 = vector.shape_cast %swap3A_1172 : vector<1x16xf32> to vector<16xf32>
    %swap3A_1174 = vector.shape_cast %mul3A_1168 : vector<16xf32> to vector<1x16xf32>
    tpu.vector_store %arg4[%swap3A_1170, %swap3A_1171], %swap3A_1174 {strides = array<i32>} : memref<32x48xf32, #tpu.memory_space<vmem>>, vector<1x16xf32>,
    %get3A_1175 = arith.constant 28 : i32
    %get3A_1176 = arith.index_cast %get3A_1175 : i32 to index
    %get3A_1177 = arith.constant 0 : index
    %get3A_1178 = tpu.vector_load %arg4[%get3A_1176, %get3A_1177] {strides = array<i32>} : memref<32x48xf32, #tpu.memory_space<vmem>>, vector<1x16xf32>,
    %get3A_1179 = vector.shape_cast %get3A_1178 : vector<1x16xf32> to vector<16xf32>
    %mul3A_1180 = arith.constant 2.000000e+00 : f32
    %mul3A_1181 = vector.broadcast %mul3A_1180 : f32 to vector<16xf32>
    %mul3A_1182 = arith.mulf %get3A_1179, %mul3A_1181 : vector<16xf32>
    %swap3A_1183 = arith.constant 28 : i32
    %swap3A_1184 = arith.index_cast %swap3A_1183 : i32 to index
    %swap3A_1185 = arith.constant 0 : index
    %swap3A_1186 = tpu.vector_load %arg4[%swap3A_1184, %swap3A_1185] {strides = array<i32>} : memref<32x48xf32, #tpu.memory_space<vmem>>, vector<1x16xf32>,
    %swap3A_1187 = vector.shape_cast %swap3A_1186 : vector<1x16xf32> to vector<16xf32>
    %swap3A_1188 = vector.shape_cast %mul3A_1182 : vector<16xf32> to vector<1x16xf32>
    tpu.vector_store %arg4[%swap3A_1184, %swap3A_1185], %swap3A_1188 {strides = array<i32>} : memref<32x48xf32, #tpu.memory_space<vmem>>, vector<1x16xf32>,
    %get3A_1189 = arith.constant 28 : i32
    %get3A_1190 = arith.index_cast %get3A_1189 : i32 to index
    %get3A_1191 = arith.constant 16 : index
    %get3A_1192 = tpu.vector_load %arg4[%get3A_1190, %get3A_1191] {strides = array<i32>} : memref<32x48xf32, #tpu.memory_space<vmem>>, vector<1x16xf32>,
    %get3A_1193 = vector.shape_cast %get3A_1192 : vector<1x16xf32> to vector<16xf32>
    %mul3A_1194 = arith.constant 2.000000e+00 : f32
    %mul3A_1195 = vector.broadcast %mul3A_1194 : f32 to vector<16xf32>
    %mul3A_1196 = arith.mulf %get3A_1193, %mul3A_1195 : vector<16xf32>
    %swap3A_1197 = arith.constant 28 : i32
    %swap3A_1198 = arith.index_cast %swap3A_1197 : i32 to index
    %swap3A_1199 = arith.constant 16 : index
    %swap3A_1200 = tpu.vector_load %arg4[%swap3A_1198, %swap3A_1199] {strides = array<i32>} : memref<32x48xf32, #tpu.memory_space<vmem>>, vector<1x16xf32>,
    %swap3A_1201 = vector.shape_cast %swap3A_1200 : vector<1x16xf32> to vector<16xf32>
    %swap3A_1202 = vector.shape_cast %mul3A_1196 : vector<16xf32> to vector<1x16xf32>
    tpu.vector_store %arg4[%swap3A_1198, %swap3A_1199], %swap3A_1202 {strides = array<i32>} : memref<32x48xf32, #tpu.memory_space<vmem>>, vector<1x16xf32>,
    %get3A_1203 = arith.constant 28 : i32
    %get3A_1204 = arith.index_cast %get3A_1203 : i32 to index
    %get3A_1205 = arith.constant 32 : index
    %get3A_1206 = tpu.vector_load %arg4[%get3A_1204, %get3A_1205] {strides = array<i32>} : memref<32x48xf32, #tpu.memory_space<vmem>>, vector<1x16xf32>,
    %get3A_1207 = vector.shape_cast %get3A_1206 : vector<1x16xf32> to vector<16xf32>
    %mul3A_1208 = arith.constant 2.000000e+00 : f32
    %mul3A_1209 = vector.broadcast %mul3A_1208 : f32 to vector<16xf32>
    %mul3A_1210 = arith.mulf %get3A_1207, %mul3A_1209 : vector<16xf32>
    %swap3A_1211 = arith.constant 28 : i32
    %swap3A_1212 = arith.index_cast %swap3A_1211 : i32 to index
    %swap3A_1213 = arith.constant 32 : index
    %swap3A_1214 = tpu.vector_load %arg4[%swap3A_1212, %swap3A_1213] {strides = array<i32>} : memref<32x48xf32, #tpu.memory_space<vmem>>, vector<1x16xf32>,
    %swap3A_1215 = vector.shape_cast %swap3A_1214 : vector<1x16xf32> to vector<16xf32>
    %swap3A_1216 = vector.shape_cast %mul3A_1210 : vector<16xf32> to vector<1x16xf32>
    tpu.vector_store %arg4[%swap3A_1212, %swap3A_1213], %swap3A_1216 {strides = array<i32>} : memref<32x48xf32, #tpu.memory_space<vmem>>, vector<1x16xf32>,
    %get3A_1217 = arith.constant 29 : i32
    %get3A_1218 = arith.index_cast %get3A_1217 : i32 to index
    %get3A_1219 = arith.constant 0 : index
    %get3A_1220 = tpu.vector_load %arg4[%get3A_1218, %get3A_1219] {strides = array<i32>} : memref<32x48xf32, #tpu.memory_space<vmem>>, vector<1x16xf32>,
    %get3A_1221 = vector.shape_cast %get3A_1220 : vector<1x16xf32> to vector<16xf32>
    %mul3A_1222 = arith.constant 2.000000e+00 : f32
    %mul3A_1223 = vector.broadcast %mul3A_1222 : f32 to vector<16xf32>
    %mul3A_1224 = arith.mulf %get3A_1221, %mul3A_1223 : vector<16xf32>
    %swap3A_1225 = arith.constant 29 : i32
    %swap3A_1226 = arith.index_cast %swap3A_1225 : i32 to index
    %swap3A_1227 = arith.constant 0 : index
    %swap3A_1228 = tpu.vector_load %arg4[%swap3A_1226, %swap3A_1227] {strides = array<i32>} : memref<32x48xf32, #tpu.memory_space<vmem>>, vector<1x16xf32>,
    %swap3A_1229 = vector.shape_cast %swap3A_1228 : vector<1x16xf32> to vector<16xf32>
    %swap3A_1230 = vector.shape_cast %mul3A_1224 : vector<16xf32> to vector<1x16xf32>
    tpu.vector_store %arg4[%swap3A_1226, %swap3A_1227], %swap3A_1230 {strides = array<i32>} : memref<32x48xf32, #tpu.memory_space<vmem>>, vector<1x16xf32>,
    %get3A_1231 = arith.constant 29 : i32
    %get3A_1232 = arith.index_cast %get3A_1231 : i32 to index
    %get3A_1233 = arith.constant 16 : index
    %get3A_1234 = tpu.vector_load %arg4[%get3A_1232, %get3A_1233] {strides = array<i32>} : memref<32x48xf32, #tpu.memory_space<vmem>>, vector<1x16xf32>,
    %get3A_1235 = vector.shape_cast %get3A_1234 : vector<1x16xf32> to vector<16xf32>
    %mul3A_1236 = arith.constant 2.000000e+00 : f32
    %mul3A_1237 = vector.broadcast %mul3A_1236 : f32 to vector<16xf32>
    %mul3A_1238 = arith.mulf %get3A_1235, %mul3A_1237 : vector<16xf32>
    %swap3A_1239 = arith.constant 29 : i32
    %swap3A_1240 = arith.index_cast %swap3A_1239 : i32 to index
    %swap3A_1241 = arith.constant 16 : index
    %swap3A_1242 = tpu.vector_load %arg4[%swap3A_1240, %swap3A_1241] {strides = array<i32>} : memref<32x48xf32, #tpu.memory_space<vmem>>, vector<1x16xf32>,
    %swap3A_1243 = vector.shape_cast %swap3A_1242 : vector<1x16xf32> to vector<16xf32>
    %swap3A_1244 = vector.shape_cast %mul3A_1238 : vector<16xf32> to vector<1x16xf32>
    tpu.vector_store %arg4[%swap3A_1240, %swap3A_1241], %swap3A_1244 {strides = array<i32>} : memref<32x48xf32, #tpu.memory_space<vmem>>, vector<1x16xf32>,
    %get3A_1245 = arith.constant 29 : i32
    %get3A_1246 = arith.index_cast %get3A_1245 : i32 to index
    %get3A_1247 = arith.constant 32 : index
    %get3A_1248 = tpu.vector_load %arg4[%get3A_1246, %get3A_1247] {strides = array<i32>} : memref<32x48xf32, #tpu.memory_space<vmem>>, vector<1x16xf32>,
    %get3A_1249 = vector.shape_cast %get3A_1248 : vector<1x16xf32> to vector<16xf32>
    %mul3A_1250 = arith.constant 2.000000e+00 : f32
    %mul3A_1251 = vector.broadcast %mul3A_1250 : f32 to vector<16xf32>
    %mul3A_1252 = arith.mulf %get3A_1249, %mul3A_1251 : vector<16xf32>
    %swap3A_1253 = arith.constant 29 : i32
    %swap3A_1254 = arith.index_cast %swap3A_1253 : i32 to index
    %swap3A_1255 = arith.constant 32 : index
    %swap3A_1256 = tpu.vector_load %arg4[%swap3A_1254, %swap3A_1255] {strides = array<i32>} : memref<32x48xf32, #tpu.memory_space<vmem>>, vector<1x16xf32>,
    %swap3A_1257 = vector.shape_cast %swap3A_1256 : vector<1x16xf32> to vector<16xf32>
    %swap3A_1258 = vector.shape_cast %mul3A_1252 : vector<16xf32> to vector<1x16xf32>
    tpu.vector_store %arg4[%swap3A_1254, %swap3A_1255], %swap3A_1258 {strides = array<i32>} : memref<32x48xf32, #tpu.memory_space<vmem>>, vector<1x16xf32>,
    %get3A_1259 = arith.constant 30 : i32
    %get3A_1260 = arith.index_cast %get3A_1259 : i32 to index
    %get3A_1261 = arith.constant 0 : index
    %get3A_1262 = tpu.vector_load %arg4[%get3A_1260, %get3A_1261] {strides = array<i32>} : memref<32x48xf32, #tpu.memory_space<vmem>>, vector<1x16xf32>,
    %get3A_1263 = vector.shape_cast %get3A_1262 : vector<1x16xf32> to vector<16xf32>
    %mul3A_1264 = arith.constant 2.000000e+00 : f32
    %mul3A_1265 = vector.broadcast %mul3A_1264 : f32 to vector<16xf32>
    %mul3A_1266 = arith.mulf %get3A_1263, %mul3A_1265 : vector<16xf32>
    %swap3A_1267 = arith.constant 30 : i32
    %swap3A_1268 = arith.index_cast %swap3A_1267 : i32 to index
    %swap3A_1269 = arith.constant 0 : index
    %swap3A_1270 = tpu.vector_load %arg4[%swap3A_1268, %swap3A_1269] {strides = array<i32>} : memref<32x48xf32, #tpu.memory_space<vmem>>, vector<1x16xf32>,
    %swap3A_1271 = vector.shape_cast %swap3A_1270 : vector<1x16xf32> to vector<16xf32>
    %swap3A_1272 = vector.shape_cast %mul3A_1266 : vector<16xf32> to vector<1x16xf32>
    tpu.vector_store %arg4[%swap3A_1268, %swap3A_1269], %swap3A_1272 {strides = array<i32>} : memref<32x48xf32, #tpu.memory_space<vmem>>, vector<1x16xf32>,
    %get3A_1273 = arith.constant 30 : i32
    %get3A_1274 = arith.index_cast %get3A_1273 : i32 to index
    %get3A_1275 = arith.constant 16 : index
    %get3A_1276 = tpu.vector_load %arg4[%get3A_1274, %get3A_1275] {strides = array<i32>} : memref<32x48xf32, #tpu.memory_space<vmem>>, vector<1x16xf32>,
    %get3A_1277 = vector.shape_cast %get3A_1276 : vector<1x16xf32> to vector<16xf32>
    %mul3A_1278 = arith.constant 2.000000e+00 : f32
    %mul3A_1279 = vector.broadcast %mul3A_1278 : f32 to vector<16xf32>
    %mul3A_1280 = arith.mulf %get3A_1277, %mul3A_1279 : vector<16xf32>
    %swap3A_1281 = arith.constant 30 : i32
    %swap3A_1282 = arith.index_cast %swap3A_1281 : i32 to index
    %swap3A_1283 = arith.constant 16 : index
    %swap3A_1284 = tpu.vector_load %arg4[%swap3A_1282, %swap3A_1283] {strides = array<i32>} : memref<32x48xf32, #tpu.memory_space<vmem>>, vector<1x16xf32>,
    %swap3A_1285 = vector.shape_cast %swap3A_1284 : vector<1x16xf32> to vector<16xf32>
    %swap3A_1286 = vector.shape_cast %mul3A_1280 : vector<16xf32> to vector<1x16xf32>
    tpu.vector_store %arg4[%swap3A_1282, %swap3A_1283], %swap3A_1286 {strides = array<i32>} : memref<32x48xf32, #tpu.memory_space<vmem>>, vector<1x16xf32>,
    %get3A_1287 = arith.constant 30 : i32
    %get3A_1288 = arith.index_cast %get3A_1287 : i32 to index
    %get3A_1289 = arith.constant 32 : index
    %get3A_1290 = tpu.vector_load %arg4[%get3A_1288, %get3A_1289] {strides = array<i32>} : memref<32x48xf32, #tpu.memory_space<vmem>>, vector<1x16xf32>,
    %get3A_1291 = vector.shape_cast %get3A_1290 : vector<1x16xf32> to vector<16xf32>
    %mul3A_1292 = arith.constant 2.000000e+00 : f32
    %mul3A_1293 = vector.broadcast %mul3A_1292 : f32 to vector<16xf32>
    %mul3A_1294 = arith.mulf %get3A_1291, %mul3A_1293 : vector<16xf32>
    %swap3A_1295 = arith.constant 30 : i32
    %swap3A_1296 = arith.index_cast %swap3A_1295 : i32 to index
    %swap3A_1297 = arith.constant 32 : index
    %swap3A_1298 = tpu.vector_load %arg4[%swap3A_1296, %swap3A_1297] {strides = array<i32>} : memref<32x48xf32, #tpu.memory_space<vmem>>, vector<1x16xf32>,
    %swap3A_1299 = vector.shape_cast %swap3A_1298 : vector<1x16xf32> to vector<16xf32>
    %swap3A_1300 = vector.shape_cast %mul3A_1294 : vector<16xf32> to vector<1x16xf32>
    tpu.vector_store %arg4[%swap3A_1296, %swap3A_1297], %swap3A_1300 {strides = array<i32>} : memref<32x48xf32, #tpu.memory_space<vmem>>, vector<1x16xf32>,
    %get3A_1301 = arith.constant 31 : i32
    %get3A_1302 = arith.index_cast %get3A_1301 : i32 to index
    %get3A_1303 = arith.constant 0 : index
    %get3A_1304 = tpu.vector_load %arg4[%get3A_1302, %get3A_1303] {strides = array<i32>} : memref<32x48xf32, #tpu.memory_space<vmem>>, vector<1x16xf32>,
    %get3A_1305 = vector.shape_cast %get3A_1304 : vector<1x16xf32> to vector<16xf32>
    %mul3A_1306 = arith.constant 2.000000e+00 : f32
    %mul3A_1307 = vector.broadcast %mul3A_1306 : f32 to vector<16xf32>
    %mul3A_1308 = arith.mulf %get3A_1305, %mul3A_1307 : vector<16xf32>
    %swap3A_1309 = arith.constant 31 : i32
    %swap3A_1310 = arith.index_cast %swap3A_1309 : i32 to index
    %swap3A_1311 = arith.constant 0 : index
    %swap3A_1312 = tpu.vector_load %arg4[%swap3A_1310, %swap3A_1311] {strides = array<i32>} : memref<32x48xf32, #tpu.memory_space<vmem>>, vector<1x16xf32>,
    %swap3A_1313 = vector.shape_cast %swap3A_1312 : vector<1x16xf32> to vector<16xf32>
    %swap3A_1314 = vector.shape_cast %mul3A_1308 : vector<16xf32> to vector<1x16xf32>
    tpu.vector_store %arg4[%swap3A_1310, %swap3A_1311], %swap3A_1314 {strides = array<i32>} : memref<32x48xf32, #tpu.memory_space<vmem>>, vector<1x16xf32>,
    %get3A_1315 = arith.constant 31 : i32
    %get3A_1316 = arith.index_cast %get3A_1315 : i32 to index
    %get3A_1317 = arith.constant 16 : index
    %get3A_1318 = tpu.vector_load %arg4[%get3A_1316, %get3A_1317] {strides = array<i32>} : memref<32x48xf32, #tpu.memory_space<vmem>>, vector<1x16xf32>,
    %get3A_1319 = vector.shape_cast %get3A_1318 : vector<1x16xf32> to vector<16xf32>
    %mul3A_1320 = arith.constant 2.000000e+00 : f32
    %mul3A_1321 = vector.broadcast %mul3A_1320 : f32 to vector<16xf32>
    %mul3A_1322 = arith.mulf %get3A_1319, %mul3A_1321 : vector<16xf32>
    %swap3A_1323 = arith.constant 31 : i32
    %swap3A_1324 = arith.index_cast %swap3A_1323 : i32 to index
    %swap3A_1325 = arith.constant 16 : index
    %swap3A_1326 = tpu.vector_load %arg4[%swap3A_1324, %swap3A_1325] {strides = array<i32>} : memref<32x48xf32, #tpu.memory_space<vmem>>, vector<1x16xf32>,
    %swap3A_1327 = vector.shape_cast %swap3A_1326 : vector<1x16xf32> to vector<16xf32>
    %swap3A_1328 = vector.shape_cast %mul3A_1322 : vector<16xf32> to vector<1x16xf32>
    tpu.vector_store %arg4[%swap3A_1324, %swap3A_1325], %swap3A_1328 {strides = array<i32>} : memref<32x48xf32, #tpu.memory_space<vmem>>, vector<1x16xf32>,
    %get3A_1329 = arith.constant 31 : i32
    %get3A_1330 = arith.index_cast %get3A_1329 : i32 to index
    %get3A_1331 = arith.constant 32 : index
    %get3A_1332 = tpu.vector_load %arg4[%get3A_1330, %get3A_1331] {strides = array<i32>} : memref<32x48xf32, #tpu.memory_space<vmem>>, vector<1x16xf32>,
    %get3A_1333 = vector.shape_cast %get3A_1332 : vector<1x16xf32> to vector<16xf32>
    %mul3A_1334 = arith.constant 2.000000e+00 : f32
    %mul3A_1335 = vector.broadcast %mul3A_1334 : f32 to vector<16xf32>
    %mul3A_1336 = arith.mulf %get3A_1333, %mul3A_1335 : vector<16xf32>
    %swap3A_1337 = arith.constant 31 : i32
    %swap3A_1338 = arith.index_cast %swap3A_1337 : i32 to index
    %swap3A_1339 = arith.constant 32 : index
    %swap3A_1340 = tpu.vector_load %arg4[%swap3A_1338, %swap3A_1339] {strides = array<i32>} : memref<32x48xf32, #tpu.memory_space<vmem>>, vector<1x16xf32>,
    %swap3A_1341 = vector.shape_cast %swap3A_1340 : vector<1x16xf32> to vector<16xf32>
    %swap3A_1342 = vector.shape_cast %mul3A_1336 : vector<16xf32> to vector<1x16xf32>
    tpu.vector_store %arg4[%swap3A_1338, %swap3A_1339], %swap3A_1342 {strides = array<i32>} : memref<32x48xf32, #tpu.memory_space<vmem>>, vector<1x16xf32>,
    "tpu.region"() ({
      %run_scoped3A = tpu.sem_alloc : memref<!tpu.dma_semaphore, #tpu.memory_space<semaphore_mem>>
      %dma_start3A = arith.constant 0 : i32
      %dma_start3A_1343 = tpu.memref_slice %arg3[%mul3A_0, %dma_start3A] : memref<512x48xf32, #tpu.memory_space<hbm>> -> memref<32x48xf32, #tpu.memory_space<hbm>>
      %dma_start3A_1344 = arith.constant 0 : i32
      %dma_start3A_1345 = tpu.memref_slice %arg3[%mul3A_0, %dma_start3A_1344] : memref<512x48xf32, #tpu.memory_space<hbm>> -> memref<32x48xf32, #tpu.memory_space<hbm>>
      tpu.enqueue_dma source(%arg4 : memref<32x48xf32, #tpu.memory_space<vmem>>) target(%dma_start3A_1345 : memref<32x48xf32, #tpu.memory_space<hbm>>) target_semaphore(%run_scoped3A : memref<!tpu.dma_semaphore, #tpu.memory_space<semaphore_mem>>)
      %dma_wait3A = arith.constant 0 : i32
      %dma_wait3A_1346 = tpu.memref_slice %arg3[%mul3A_0, %dma_wait3A] : memref<512x48xf32, #tpu.memory_space<hbm>> -> memref<32x48xf32, #tpu.memory_space<hbm>>
      %dma_wait3A_1347 = arith.constant 0 : i32
      %dma_wait3A_1348 = tpu.memref_slice %arg3[%mul3A_0, %dma_wait3A_1347] : memref<512x48xf32, #tpu.memory_space<hbm>> -> memref<32x48xf32, #tpu.memory_space<hbm>>
      tpu.wait_dma2 semaphore(%run_scoped3A : memref<!tpu.dma_semaphore, #tpu.memory_space<semaphore_mem>>) src(%arg4 : memref<32x48xf32, #tpu.memory_space<vmem>>) dst(%dma_wait3A_1348 : memref<32x48xf32, #tpu.memory_space<hbm>>)
      tpu.yield
    }) : () -> ()
    return
  }
}

module attributes {stable_mosaic.version = 14 : i64} {
  func.func @body(%arg0: memref<512x48xf32, #tpu.memory_space<vmem>>, %arg1: memref<4x24576x512xf32, #tpu.memory_space<any>>, %arg2: memref<24576x512xf32, #tpu.memory_space<vmem>>, %arg3: memref<!tpu.dma_semaphore, #tpu.memory_space<semaphore_mem>>) attributes {dimension_semantics = [], scalar_prefetch = 0 : i64, scratch_operands = 2 : i64, tpu.core_type = #tpu.core_type<tc>} {
    %get3A = arith.constant 0 : index
    %get3A_0 = arith.constant 0 : index
    %get3A_1 = vector.load %arg0[%get3A, %get3A_0] : memref<512x48xf32, #tpu.memory_space<vmem>>, vector<512x48xf32>
    %slice3A = vector.extract_strided_slice %get3A_1 {offsets = [0, 0], sizes = [512, 1], strides = [1, 1]} : vector<512x48xf32> to vector<512x1xf32>
    %broadcast_in_dim3A = vector.shape_cast %slice3A : vector<512x1xf32> to vector<512x1xf32>
    %broadcast_in_dim3A_2 = vector.broadcast %broadcast_in_dim3A : vector<512x1xf32> to vector<512x512xf32>
    %swap3A = arith.constant 0 : index
    %swap3A_3 = arith.constant 0 : index
    %swap3A_4 = vector.load %arg2[%swap3A, %swap3A_3] : memref<24576x512xf32, #tpu.memory_space<vmem>>, vector<512x512xf32>
    tpu.vector_store %arg2[%swap3A, %swap3A_3], %broadcast_in_dim3A_2 {strides = array<i32>} : memref<24576x512xf32, #tpu.memory_space<vmem>>, vector<512x512xf32>,
    %slice3A_5 = vector.extract_strided_slice %get3A_1 {offsets = [0, 1], sizes = [512, 1], strides = [1, 1]} : vector<512x48xf32> to vector<512x1xf32>
    %broadcast_in_dim3A_6 = vector.shape_cast %slice3A_5 : vector<512x1xf32> to vector<512x1xf32>
    %broadcast_in_dim3A_7 = vector.broadcast %broadcast_in_dim3A_6 : vector<512x1xf32> to vector<512x512xf32>
    %swap3A_8 = arith.constant 512 : index
    %swap3A_9 = arith.constant 0 : index
    %swap3A_10 = vector.load %arg2[%swap3A_8, %swap3A_9] : memref<24576x512xf32, #tpu.memory_space<vmem>>, vector<512x512xf32>
    tpu.vector_store %arg2[%swap3A_8, %swap3A_9], %broadcast_in_dim3A_7 {strides = array<i32>} : memref<24576x512xf32, #tpu.memory_space<vmem>>, vector<512x512xf32>,
    %slice3A_11 = vector.extract_strided_slice %get3A_1 {offsets = [0, 2], sizes = [512, 1], strides = [1, 1]} : vector<512x48xf32> to vector<512x1xf32>
    %broadcast_in_dim3A_12 = vector.shape_cast %slice3A_11 : vector<512x1xf32> to vector<512x1xf32>
    %broadcast_in_dim3A_13 = vector.broadcast %broadcast_in_dim3A_12 : vector<512x1xf32> to vector<512x512xf32>
    %swap3A_14 = arith.constant 1024 : index
    %swap3A_15 = arith.constant 0 : index
    %swap3A_16 = vector.load %arg2[%swap3A_14, %swap3A_15] : memref<24576x512xf32, #tpu.memory_space<vmem>>, vector<512x512xf32>
    tpu.vector_store %arg2[%swap3A_14, %swap3A_15], %broadcast_in_dim3A_13 {strides = array<i32>} : memref<24576x512xf32, #tpu.memory_space<vmem>>, vector<512x512xf32>,
    %slice3A_17 = vector.extract_strided_slice %get3A_1 {offsets = [0, 3], sizes = [512, 1], strides = [1, 1]} : vector<512x48xf32> to vector<512x1xf32>
    %broadcast_in_dim3A_18 = vector.shape_cast %slice3A_17 : vector<512x1xf32> to vector<512x1xf32>
    %broadcast_in_dim3A_19 = vector.broadcast %broadcast_in_dim3A_18 : vector<512x1xf32> to vector<512x512xf32>
    %swap3A_20 = arith.constant 1536 : index
    %swap3A_21 = arith.constant 0 : index
    %swap3A_22 = vector.load %arg2[%swap3A_20, %swap3A_21] : memref<24576x512xf32, #tpu.memory_space<vmem>>, vector<512x512xf32>
    tpu.vector_store %arg2[%swap3A_20, %swap3A_21], %broadcast_in_dim3A_19 {strides = array<i32>} : memref<24576x512xf32, #tpu.memory_space<vmem>>, vector<512x512xf32>,
    %slice3A_23 = vector.extract_strided_slice %get3A_1 {offsets = [0, 4], sizes = [512, 1], strides = [1, 1]} : vector<512x48xf32> to vector<512x1xf32>
    %broadcast_in_dim3A_24 = vector.shape_cast %slice3A_23 : vector<512x1xf32> to vector<512x1xf32>
    %broadcast_in_dim3A_25 = vector.broadcast %broadcast_in_dim3A_24 : vector<512x1xf32> to vector<512x512xf32>
    %swap3A_26 = arith.constant 2048 : index
    %swap3A_27 = arith.constant 0 : index
    %swap3A_28 = vector.load %arg2[%swap3A_26, %swap3A_27] : memref<24576x512xf32, #tpu.memory_space<vmem>>, vector<512x512xf32>
    tpu.vector_store %arg2[%swap3A_26, %swap3A_27], %broadcast_in_dim3A_25 {strides = array<i32>} : memref<24576x512xf32, #tpu.memory_space<vmem>>, vector<512x512xf32>,
    %slice3A_29 = vector.extract_strided_slice %get3A_1 {offsets = [0, 5], sizes = [512, 1], strides = [1, 1]} : vector<512x48xf32> to vector<512x1xf32>
    %broadcast_in_dim3A_30 = vector.shape_cast %slice3A_29 : vector<512x1xf32> to vector<512x1xf32>
    %broadcast_in_dim3A_31 = vector.broadcast %broadcast_in_dim3A_30 : vector<512x1xf32> to vector<512x512xf32>
    %swap3A_32 = arith.constant 2560 : index
    %swap3A_33 = arith.constant 0 : index
    %swap3A_34 = vector.load %arg2[%swap3A_32, %swap3A_33] : memref<24576x512xf32, #tpu.memory_space<vmem>>, vector<512x512xf32>
    tpu.vector_store %arg2[%swap3A_32, %swap3A_33], %broadcast_in_dim3A_31 {strides = array<i32>} : memref<24576x512xf32, #tpu.memory_space<vmem>>, vector<512x512xf32>,
    %dma_start3A = arith.constant 0 : i32
    %dma_start3A_35 = arith.constant 0 : i32
    %dma_start3A_36 = arith.constant 0 : i32
    %dma_start3A_37 = tpu.memref_slice %arg1[%dma_start3A, %dma_start3A_35, %dma_start3A_36] : memref<4x24576x512xf32, #tpu.memory_space<any>> -> memref<1x3072x512xf32, #tpu.memory_space<any>>
    %dma_start3A_38 = tpu.memref_squeeze %dma_start3A_37 : memref<1x3072x512xf32, #tpu.memory_space<any>> -> memref<3072x512xf32, #tpu.memory_space<any>>
    %dma_start3A_39 = arith.constant 0 : i32
    %dma_start3A_40 = arith.constant 0 : i32
    %dma_start3A_41 = tpu.memref_slice %arg2[%dma_start3A_39, %dma_start3A_40] : memref<24576x512xf32, #tpu.memory_space<vmem>> -> memref<3072x512xf32, #tpu.memory_space<vmem>>
    tpu.enqueue_dma source(%dma_start3A_41 : memref<3072x512xf32, #tpu.memory_space<vmem>>) target(%dma_start3A_38 : memref<3072x512xf32, #tpu.memory_space<any>>) target_semaphore(%arg3 : memref<!tpu.dma_semaphore, #tpu.memory_space<semaphore_mem>>)
    %dma_start3A_42 = arith.constant 1 : i32
    %dma_start3A_43 = arith.constant 0 : i32
    %dma_start3A_44 = arith.constant 0 : i32
    %dma_start3A_45 = tpu.memref_slice %arg1[%dma_start3A_42, %dma_start3A_43, %dma_start3A_44] : memref<4x24576x512xf32, #tpu.memory_space<any>> -> memref<1x3072x512xf32, #tpu.memory_space<any>>
    %dma_start3A_46 = tpu.memref_squeeze %dma_start3A_45 : memref<1x3072x512xf32, #tpu.memory_space<any>> -> memref<3072x512xf32, #tpu.memory_space<any>>
    %dma_start3A_47 = arith.constant 0 : i32
    %dma_start3A_48 = arith.constant 0 : i32
    %dma_start3A_49 = tpu.memref_slice %arg2[%dma_start3A_47, %dma_start3A_48] : memref<24576x512xf32, #tpu.memory_space<vmem>> -> memref<3072x512xf32, #tpu.memory_space<vmem>>
    tpu.enqueue_dma source(%dma_start3A_49 : memref<3072x512xf32, #tpu.memory_space<vmem>>) target(%dma_start3A_46 : memref<3072x512xf32, #tpu.memory_space<any>>) target_semaphore(%arg3 : memref<!tpu.dma_semaphore, #tpu.memory_space<semaphore_mem>>)
    %dma_start3A_50 = arith.constant 2 : i32
    %dma_start3A_51 = arith.constant 0 : i32
    %dma_start3A_52 = arith.constant 0 : i32
    %dma_start3A_53 = tpu.memref_slice %arg1[%dma_start3A_50, %dma_start3A_51, %dma_start3A_52] : memref<4x24576x512xf32, #tpu.memory_space<any>> -> memref<1x3072x512xf32, #tpu.memory_space<any>>
    %dma_start3A_54 = tpu.memref_squeeze %dma_start3A_53 : memref<1x3072x512xf32, #tpu.memory_space<any>> -> memref<3072x512xf32, #tpu.memory_space<any>>
    %dma_start3A_55 = arith.constant 0 : i32
    %dma_start3A_56 = arith.constant 0 : i32
    %dma_start3A_57 = tpu.memref_slice %arg2[%dma_start3A_55, %dma_start3A_56] : memref<24576x512xf32, #tpu.memory_space<vmem>> -> memref<3072x512xf32, #tpu.memory_space<vmem>>
    tpu.enqueue_dma source(%dma_start3A_57 : memref<3072x512xf32, #tpu.memory_space<vmem>>) target(%dma_start3A_54 : memref<3072x512xf32, #tpu.memory_space<any>>) target_semaphore(%arg3 : memref<!tpu.dma_semaphore, #tpu.memory_space<semaphore_mem>>)
    %dma_start3A_58 = arith.constant 3 : i32
    %dma_start3A_59 = arith.constant 0 : i32
    %dma_start3A_60 = arith.constant 0 : i32
    %dma_start3A_61 = tpu.memref_slice %arg1[%dma_start3A_58, %dma_start3A_59, %dma_start3A_60] : memref<4x24576x512xf32, #tpu.memory_space<any>> -> memref<1x3072x512xf32, #tpu.memory_space<any>>
    %dma_start3A_62 = tpu.memref_squeeze %dma_start3A_61 : memref<1x3072x512xf32, #tpu.memory_space<any>> -> memref<3072x512xf32, #tpu.memory_space<any>>
    %dma_start3A_63 = arith.constant 0 : i32
    %dma_start3A_64 = arith.constant 0 : i32
    %dma_start3A_65 = tpu.memref_slice %arg2[%dma_start3A_63, %dma_start3A_64] : memref<24576x512xf32, #tpu.memory_space<vmem>> -> memref<3072x512xf32, #tpu.memory_space<vmem>>
    tpu.enqueue_dma source(%dma_start3A_65 : memref<3072x512xf32, #tpu.memory_space<vmem>>) target(%dma_start3A_62 : memref<3072x512xf32, #tpu.memory_space<any>>) target_semaphore(%arg3 : memref<!tpu.dma_semaphore, #tpu.memory_space<semaphore_mem>>)
    %slice3A_66 = vector.extract_strided_slice %get3A_1 {offsets = [0, 6], sizes = [512, 1], strides = [1, 1]} : vector<512x48xf32> to vector<512x1xf32>
    %broadcast_in_dim3A_67 = vector.shape_cast %slice3A_66 : vector<512x1xf32> to vector<512x1xf32>
    %broadcast_in_dim3A_68 = vector.broadcast %broadcast_in_dim3A_67 : vector<512x1xf32> to vector<512x512xf32>
    %swap3A_69 = arith.constant 3072 : index
    %swap3A_70 = arith.constant 0 : index
    %swap3A_71 = vector.load %arg2[%swap3A_69, %swap3A_70] : memref<24576x512xf32, #tpu.memory_space<vmem>>, vector<512x512xf32>
    tpu.vector_store %arg2[%swap3A_69, %swap3A_70], %broadcast_in_dim3A_68 {strides = array<i32>} : memref<24576x512xf32, #tpu.memory_space<vmem>>, vector<512x512xf32>,
    %slice3A_72 = vector.extract_strided_slice %get3A_1 {offsets = [0, 7], sizes = [512, 1], strides = [1, 1]} : vector<512x48xf32> to vector<512x1xf32>
    %broadcast_in_dim3A_73 = vector.shape_cast %slice3A_72 : vector<512x1xf32> to vector<512x1xf32>
    %broadcast_in_dim3A_74 = vector.broadcast %broadcast_in_dim3A_73 : vector<512x1xf32> to vector<512x512xf32>
    %swap3A_75 = arith.constant 3584 : index
    %swap3A_76 = arith.constant 0 : index
    %swap3A_77 = vector.load %arg2[%swap3A_75, %swap3A_76] : memref<24576x512xf32, #tpu.memory_space<vmem>>, vector<512x512xf32>
    tpu.vector_store %arg2[%swap3A_75, %swap3A_76], %broadcast_in_dim3A_74 {strides = array<i32>} : memref<24576x512xf32, #tpu.memory_space<vmem>>, vector<512x512xf32>,
    %slice3A_78 = vector.extract_strided_slice %get3A_1 {offsets = [0, 8], sizes = [512, 1], strides = [1, 1]} : vector<512x48xf32> to vector<512x1xf32>
    %broadcast_in_dim3A_79 = vector.shape_cast %slice3A_78 : vector<512x1xf32> to vector<512x1xf32>
    %broadcast_in_dim3A_80 = vector.broadcast %broadcast_in_dim3A_79 : vector<512x1xf32> to vector<512x512xf32>
    %swap3A_81 = arith.constant 4096 : index
    %swap3A_82 = arith.constant 0 : index
    %swap3A_83 = vector.load %arg2[%swap3A_81, %swap3A_82] : memref<24576x512xf32, #tpu.memory_space<vmem>>, vector<512x512xf32>
    tpu.vector_store %arg2[%swap3A_81, %swap3A_82], %broadcast_in_dim3A_80 {strides = array<i32>} : memref<24576x512xf32, #tpu.memory_space<vmem>>, vector<512x512xf32>,
    %slice3A_84 = vector.extract_strided_slice %get3A_1 {offsets = [0, 9], sizes = [512, 1], strides = [1, 1]} : vector<512x48xf32> to vector<512x1xf32>
    %broadcast_in_dim3A_85 = vector.shape_cast %slice3A_84 : vector<512x1xf32> to vector<512x1xf32>
    %broadcast_in_dim3A_86 = vector.broadcast %broadcast_in_dim3A_85 : vector<512x1xf32> to vector<512x512xf32>
    %swap3A_87 = arith.constant 4608 : index
    %swap3A_88 = arith.constant 0 : index
    %swap3A_89 = vector.load %arg2[%swap3A_87, %swap3A_88] : memref<24576x512xf32, #tpu.memory_space<vmem>>, vector<512x512xf32>
    tpu.vector_store %arg2[%swap3A_87, %swap3A_88], %broadcast_in_dim3A_86 {strides = array<i32>} : memref<24576x512xf32, #tpu.memory_space<vmem>>, vector<512x512xf32>,
    %slice3A_90 = vector.extract_strided_slice %get3A_1 {offsets = [0, 10], sizes = [512, 1], strides = [1, 1]} : vector<512x48xf32> to vector<512x1xf32>
    %broadcast_in_dim3A_91 = vector.shape_cast %slice3A_90 : vector<512x1xf32> to vector<512x1xf32>
    %broadcast_in_dim3A_92 = vector.broadcast %broadcast_in_dim3A_91 : vector<512x1xf32> to vector<512x512xf32>
    %swap3A_93 = arith.constant 5120 : index
    %swap3A_94 = arith.constant 0 : index
    %swap3A_95 = vector.load %arg2[%swap3A_93, %swap3A_94] : memref<24576x512xf32, #tpu.memory_space<vmem>>, vector<512x512xf32>
    tpu.vector_store %arg2[%swap3A_93, %swap3A_94], %broadcast_in_dim3A_92 {strides = array<i32>} : memref<24576x512xf32, #tpu.memory_space<vmem>>, vector<512x512xf32>,
    %slice3A_96 = vector.extract_strided_slice %get3A_1 {offsets = [0, 11], sizes = [512, 1], strides = [1, 1]} : vector<512x48xf32> to vector<512x1xf32>
    %broadcast_in_dim3A_97 = vector.shape_cast %slice3A_96 : vector<512x1xf32> to vector<512x1xf32>
    %broadcast_in_dim3A_98 = vector.broadcast %broadcast_in_dim3A_97 : vector<512x1xf32> to vector<512x512xf32>
    %swap3A_99 = arith.constant 5632 : index
    %swap3A_100 = arith.constant 0 : index
    %swap3A_101 = vector.load %arg2[%swap3A_99, %swap3A_100] : memref<24576x512xf32, #tpu.memory_space<vmem>>, vector<512x512xf32>
    tpu.vector_store %arg2[%swap3A_99, %swap3A_100], %broadcast_in_dim3A_98 {strides = array<i32>} : memref<24576x512xf32, #tpu.memory_space<vmem>>, vector<512x512xf32>,
    %dma_start3A_102 = arith.constant 0 : i32
    %dma_start3A_103 = arith.constant 3072 : i32
    %dma_start3A_104 = arith.constant 0 : i32
    %dma_start3A_105 = tpu.memref_slice %arg1[%dma_start3A_102, %dma_start3A_103, %dma_start3A_104] : memref<4x24576x512xf32, #tpu.memory_space<any>> -> memref<1x3072x512xf32, #tpu.memory_space<any>>
    %dma_start3A_106 = tpu.memref_squeeze %dma_start3A_105 : memref<1x3072x512xf32, #tpu.memory_space<any>> -> memref<3072x512xf32, #tpu.memory_space<any>>
    %dma_start3A_107 = arith.constant 3072 : i32
    %dma_start3A_108 = arith.constant 0 : i32
    %dma_start3A_109 = tpu.memref_slice %arg2[%dma_start3A_107, %dma_start3A_108] : memref<24576x512xf32, #tpu.memory_space<vmem>> -> memref<3072x512xf32, #tpu.memory_space<vmem>>
    tpu.enqueue_dma source(%dma_start3A_109 : memref<3072x512xf32, #tpu.memory_space<vmem>>) target(%dma_start3A_106 : memref<3072x512xf32, #tpu.memory_space<any>>) target_semaphore(%arg3 : memref<!tpu.dma_semaphore, #tpu.memory_space<semaphore_mem>>)
    %dma_start3A_110 = arith.constant 1 : i32
    %dma_start3A_111 = arith.constant 3072 : i32
    %dma_start3A_112 = arith.constant 0 : i32
    %dma_start3A_113 = tpu.memref_slice %arg1[%dma_start3A_110, %dma_start3A_111, %dma_start3A_112] : memref<4x24576x512xf32, #tpu.memory_space<any>> -> memref<1x3072x512xf32, #tpu.memory_space<any>>
    %dma_start3A_114 = tpu.memref_squeeze %dma_start3A_113 : memref<1x3072x512xf32, #tpu.memory_space<any>> -> memref<3072x512xf32, #tpu.memory_space<any>>
    %dma_start3A_115 = arith.constant 3072 : i32
    %dma_start3A_116 = arith.constant 0 : i32
    %dma_start3A_117 = tpu.memref_slice %arg2[%dma_start3A_115, %dma_start3A_116] : memref<24576x512xf32, #tpu.memory_space<vmem>> -> memref<3072x512xf32, #tpu.memory_space<vmem>>
    tpu.enqueue_dma source(%dma_start3A_117 : memref<3072x512xf32, #tpu.memory_space<vmem>>) target(%dma_start3A_114 : memref<3072x512xf32, #tpu.memory_space<any>>) target_semaphore(%arg3 : memref<!tpu.dma_semaphore, #tpu.memory_space<semaphore_mem>>)
    %dma_start3A_118 = arith.constant 2 : i32
    %dma_start3A_119 = arith.constant 3072 : i32
    %dma_start3A_120 = arith.constant 0 : i32
    %dma_start3A_121 = tpu.memref_slice %arg1[%dma_start3A_118, %dma_start3A_119, %dma_start3A_120] : memref<4x24576x512xf32, #tpu.memory_space<any>> -> memref<1x3072x512xf32, #tpu.memory_space<any>>
    %dma_start3A_122 = tpu.memref_squeeze %dma_start3A_121 : memref<1x3072x512xf32, #tpu.memory_space<any>> -> memref<3072x512xf32, #tpu.memory_space<any>>
    %dma_start3A_123 = arith.constant 3072 : i32
    %dma_start3A_124 = arith.constant 0 : i32
    %dma_start3A_125 = tpu.memref_slice %arg2[%dma_start3A_123, %dma_start3A_124] : memref<24576x512xf32, #tpu.memory_space<vmem>> -> memref<3072x512xf32, #tpu.memory_space<vmem>>
    tpu.enqueue_dma source(%dma_start3A_125 : memref<3072x512xf32, #tpu.memory_space<vmem>>) target(%dma_start3A_122 : memref<3072x512xf32, #tpu.memory_space<any>>) target_semaphore(%arg3 : memref<!tpu.dma_semaphore, #tpu.memory_space<semaphore_mem>>)
    %dma_start3A_126 = arith.constant 3 : i32
    %dma_start3A_127 = arith.constant 3072 : i32
    %dma_start3A_128 = arith.constant 0 : i32
    %dma_start3A_129 = tpu.memref_slice %arg1[%dma_start3A_126, %dma_start3A_127, %dma_start3A_128] : memref<4x24576x512xf32, #tpu.memory_space<any>> -> memref<1x3072x512xf32, #tpu.memory_space<any>>
    %dma_start3A_130 = tpu.memref_squeeze %dma_start3A_129 : memref<1x3072x512xf32, #tpu.memory_space<any>> -> memref<3072x512xf32, #tpu.memory_space<any>>
    %dma_start3A_131 = arith.constant 3072 : i32
    %dma_start3A_132 = arith.constant 0 : i32
    %dma_start3A_133 = tpu.memref_slice %arg2[%dma_start3A_131, %dma_start3A_132] : memref<24576x512xf32, #tpu.memory_space<vmem>> -> memref<3072x512xf32, #tpu.memory_space<vmem>>
    tpu.enqueue_dma source(%dma_start3A_133 : memref<3072x512xf32, #tpu.memory_space<vmem>>) target(%dma_start3A_130 : memref<3072x512xf32, #tpu.memory_space<any>>) target_semaphore(%arg3 : memref<!tpu.dma_semaphore, #tpu.memory_space<semaphore_mem>>)
    %slice3A_134 = vector.extract_strided_slice %get3A_1 {offsets = [0, 12], sizes = [512, 1], strides = [1, 1]} : vector<512x48xf32> to vector<512x1xf32>
    %broadcast_in_dim3A_135 = vector.shape_cast %slice3A_134 : vector<512x1xf32> to vector<512x1xf32>
    %broadcast_in_dim3A_136 = vector.broadcast %broadcast_in_dim3A_135 : vector<512x1xf32> to vector<512x512xf32>
    %swap3A_137 = arith.constant 6144 : index
    %swap3A_138 = arith.constant 0 : index
    %swap3A_139 = vector.load %arg2[%swap3A_137, %swap3A_138] : memref<24576x512xf32, #tpu.memory_space<vmem>>, vector<512x512xf32>
    tpu.vector_store %arg2[%swap3A_137, %swap3A_138], %broadcast_in_dim3A_136 {strides = array<i32>} : memref<24576x512xf32, #tpu.memory_space<vmem>>, vector<512x512xf32>,
    %slice3A_140 = vector.extract_strided_slice %get3A_1 {offsets = [0, 13], sizes = [512, 1], strides = [1, 1]} : vector<512x48xf32> to vector<512x1xf32>
    %broadcast_in_dim3A_141 = vector.shape_cast %slice3A_140 : vector<512x1xf32> to vector<512x1xf32>
    %broadcast_in_dim3A_142 = vector.broadcast %broadcast_in_dim3A_141 : vector<512x1xf32> to vector<512x512xf32>
    %swap3A_143 = arith.constant 6656 : index
    %swap3A_144 = arith.constant 0 : index
    %swap3A_145 = vector.load %arg2[%swap3A_143, %swap3A_144] : memref<24576x512xf32, #tpu.memory_space<vmem>>, vector<512x512xf32>
    tpu.vector_store %arg2[%swap3A_143, %swap3A_144], %broadcast_in_dim3A_142 {strides = array<i32>} : memref<24576x512xf32, #tpu.memory_space<vmem>>, vector<512x512xf32>,
    %slice3A_146 = vector.extract_strided_slice %get3A_1 {offsets = [0, 14], sizes = [512, 1], strides = [1, 1]} : vector<512x48xf32> to vector<512x1xf32>
    %broadcast_in_dim3A_147 = vector.shape_cast %slice3A_146 : vector<512x1xf32> to vector<512x1xf32>
    %broadcast_in_dim3A_148 = vector.broadcast %broadcast_in_dim3A_147 : vector<512x1xf32> to vector<512x512xf32>
    %swap3A_149 = arith.constant 7168 : index
    %swap3A_150 = arith.constant 0 : index
    %swap3A_151 = vector.load %arg2[%swap3A_149, %swap3A_150] : memref<24576x512xf32, #tpu.memory_space<vmem>>, vector<512x512xf32>
    tpu.vector_store %arg2[%swap3A_149, %swap3A_150], %broadcast_in_dim3A_148 {strides = array<i32>} : memref<24576x512xf32, #tpu.memory_space<vmem>>, vector<512x512xf32>,
    %slice3A_152 = vector.extract_strided_slice %get3A_1 {offsets = [0, 15], sizes = [512, 1], strides = [1, 1]} : vector<512x48xf32> to vector<512x1xf32>
    %broadcast_in_dim3A_153 = vector.shape_cast %slice3A_152 : vector<512x1xf32> to vector<512x1xf32>
    %broadcast_in_dim3A_154 = vector.broadcast %broadcast_in_dim3A_153 : vector<512x1xf32> to vector<512x512xf32>
    %swap3A_155 = arith.constant 7680 : index
    %swap3A_156 = arith.constant 0 : index
    %swap3A_157 = vector.load %arg2[%swap3A_155, %swap3A_156] : memref<24576x512xf32, #tpu.memory_space<vmem>>, vector<512x512xf32>
    tpu.vector_store %arg2[%swap3A_155, %swap3A_156], %broadcast_in_dim3A_154 {strides = array<i32>} : memref<24576x512xf32, #tpu.memory_space<vmem>>, vector<512x512xf32>,
    %slice3A_158 = vector.extract_strided_slice %get3A_1 {offsets = [0, 16], sizes = [512, 1], strides = [1, 1]} : vector<512x48xf32> to vector<512x1xf32>
    %broadcast_in_dim3A_159 = vector.shape_cast %slice3A_158 : vector<512x1xf32> to vector<512x1xf32>
    %broadcast_in_dim3A_160 = vector.broadcast %broadcast_in_dim3A_159 : vector<512x1xf32> to vector<512x512xf32>
    %swap3A_161 = arith.constant 8192 : index
    %swap3A_162 = arith.constant 0 : index
    %swap3A_163 = vector.load %arg2[%swap3A_161, %swap3A_162] : memref<24576x512xf32, #tpu.memory_space<vmem>>, vector<512x512xf32>
    tpu.vector_store %arg2[%swap3A_161, %swap3A_162], %broadcast_in_dim3A_160 {strides = array<i32>} : memref<24576x512xf32, #tpu.memory_space<vmem>>, vector<512x512xf32>,
    %slice3A_164 = vector.extract_strided_slice %get3A_1 {offsets = [0, 17], sizes = [512, 1], strides = [1, 1]} : vector<512x48xf32> to vector<512x1xf32>
    %broadcast_in_dim3A_165 = vector.shape_cast %slice3A_164 : vector<512x1xf32> to vector<512x1xf32>
    %broadcast_in_dim3A_166 = vector.broadcast %broadcast_in_dim3A_165 : vector<512x1xf32> to vector<512x512xf32>
    %swap3A_167 = arith.constant 8704 : index
    %swap3A_168 = arith.constant 0 : index
    %swap3A_169 = vector.load %arg2[%swap3A_167, %swap3A_168] : memref<24576x512xf32, #tpu.memory_space<vmem>>, vector<512x512xf32>
    tpu.vector_store %arg2[%swap3A_167, %swap3A_168], %broadcast_in_dim3A_166 {strides = array<i32>} : memref<24576x512xf32, #tpu.memory_space<vmem>>, vector<512x512xf32>,
    %dma_start3A_170 = arith.constant 0 : i32
    %dma_start3A_171 = arith.constant 6144 : i32
    %dma_start3A_172 = arith.constant 0 : i32
    %dma_start3A_173 = tpu.memref_slice %arg1[%dma_start3A_170, %dma_start3A_171, %dma_start3A_172] : memref<4x24576x512xf32, #tpu.memory_space<any>> -> memref<1x3072x512xf32, #tpu.memory_space<any>>
    %dma_start3A_174 = tpu.memref_squeeze %dma_start3A_173 : memref<1x3072x512xf32, #tpu.memory_space<any>> -> memref<3072x512xf32, #tpu.memory_space<any>>
    %dma_start3A_175 = arith.constant 6144 : i32
    %dma_start3A_176 = arith.constant 0 : i32
    %dma_start3A_177 = tpu.memref_slice %arg2[%dma_start3A_175, %dma_start3A_176] : memref<24576x512xf32, #tpu.memory_space<vmem>> -> memref<3072x512xf32, #tpu.memory_space<vmem>>
    tpu.enqueue_dma source(%dma_start3A_177 : memref<3072x512xf32, #tpu.memory_space<vmem>>) target(%dma_start3A_174 : memref<3072x512xf32, #tpu.memory_space<any>>) target_semaphore(%arg3 : memref<!tpu.dma_semaphore, #tpu.memory_space<semaphore_mem>>)
    %dma_start3A_178 = arith.constant 1 : i32
    %dma_start3A_179 = arith.constant 6144 : i32
    %dma_start3A_180 = arith.constant 0 : i32
    %dma_start3A_181 = tpu.memref_slice %arg1[%dma_start3A_178, %dma_start3A_179, %dma_start3A_180] : memref<4x24576x512xf32, #tpu.memory_space<any>> -> memref<1x3072x512xf32, #tpu.memory_space<any>>
    %dma_start3A_182 = tpu.memref_squeeze %dma_start3A_181 : memref<1x3072x512xf32, #tpu.memory_space<any>> -> memref<3072x512xf32, #tpu.memory_space<any>>
    %dma_start3A_183 = arith.constant 6144 : i32
    %dma_start3A_184 = arith.constant 0 : i32
    %dma_start3A_185 = tpu.memref_slice %arg2[%dma_start3A_183, %dma_start3A_184] : memref<24576x512xf32, #tpu.memory_space<vmem>> -> memref<3072x512xf32, #tpu.memory_space<vmem>>
    tpu.enqueue_dma source(%dma_start3A_185 : memref<3072x512xf32, #tpu.memory_space<vmem>>) target(%dma_start3A_182 : memref<3072x512xf32, #tpu.memory_space<any>>) target_semaphore(%arg3 : memref<!tpu.dma_semaphore, #tpu.memory_space<semaphore_mem>>)
    %dma_start3A_186 = arith.constant 2 : i32
    %dma_start3A_187 = arith.constant 6144 : i32
    %dma_start3A_188 = arith.constant 0 : i32
    %dma_start3A_189 = tpu.memref_slice %arg1[%dma_start3A_186, %dma_start3A_187, %dma_start3A_188] : memref<4x24576x512xf32, #tpu.memory_space<any>> -> memref<1x3072x512xf32, #tpu.memory_space<any>>
    %dma_start3A_190 = tpu.memref_squeeze %dma_start3A_189 : memref<1x3072x512xf32, #tpu.memory_space<any>> -> memref<3072x512xf32, #tpu.memory_space<any>>
    %dma_start3A_191 = arith.constant 6144 : i32
    %dma_start3A_192 = arith.constant 0 : i32
    %dma_start3A_193 = tpu.memref_slice %arg2[%dma_start3A_191, %dma_start3A_192] : memref<24576x512xf32, #tpu.memory_space<vmem>> -> memref<3072x512xf32, #tpu.memory_space<vmem>>
    tpu.enqueue_dma source(%dma_start3A_193 : memref<3072x512xf32, #tpu.memory_space<vmem>>) target(%dma_start3A_190 : memref<3072x512xf32, #tpu.memory_space<any>>) target_semaphore(%arg3 : memref<!tpu.dma_semaphore, #tpu.memory_space<semaphore_mem>>)
    %dma_start3A_194 = arith.constant 3 : i32
    %dma_start3A_195 = arith.constant 6144 : i32
    %dma_start3A_196 = arith.constant 0 : i32
    %dma_start3A_197 = tpu.memref_slice %arg1[%dma_start3A_194, %dma_start3A_195, %dma_start3A_196] : memref<4x24576x512xf32, #tpu.memory_space<any>> -> memref<1x3072x512xf32, #tpu.memory_space<any>>
    %dma_start3A_198 = tpu.memref_squeeze %dma_start3A_197 : memref<1x3072x512xf32, #tpu.memory_space<any>> -> memref<3072x512xf32, #tpu.memory_space<any>>
    %dma_start3A_199 = arith.constant 6144 : i32
    %dma_start3A_200 = arith.constant 0 : i32
    %dma_start3A_201 = tpu.memref_slice %arg2[%dma_start3A_199, %dma_start3A_200] : memref<24576x512xf32, #tpu.memory_space<vmem>> -> memref<3072x512xf32, #tpu.memory_space<vmem>>
    tpu.enqueue_dma source(%dma_start3A_201 : memref<3072x512xf32, #tpu.memory_space<vmem>>) target(%dma_start3A_198 : memref<3072x512xf32, #tpu.memory_space<any>>) target_semaphore(%arg3 : memref<!tpu.dma_semaphore, #tpu.memory_space<semaphore_mem>>)
    %slice3A_202 = vector.extract_strided_slice %get3A_1 {offsets = [0, 18], sizes = [512, 1], strides = [1, 1]} : vector<512x48xf32> to vector<512x1xf32>
    %broadcast_in_dim3A_203 = vector.shape_cast %slice3A_202 : vector<512x1xf32> to vector<512x1xf32>
    %broadcast_in_dim3A_204 = vector.broadcast %broadcast_in_dim3A_203 : vector<512x1xf32> to vector<512x512xf32>
    %swap3A_205 = arith.constant 9216 : index
    %swap3A_206 = arith.constant 0 : index
    %swap3A_207 = vector.load %arg2[%swap3A_205, %swap3A_206] : memref<24576x512xf32, #tpu.memory_space<vmem>>, vector<512x512xf32>
    tpu.vector_store %arg2[%swap3A_205, %swap3A_206], %broadcast_in_dim3A_204 {strides = array<i32>} : memref<24576x512xf32, #tpu.memory_space<vmem>>, vector<512x512xf32>,
    %slice3A_208 = vector.extract_strided_slice %get3A_1 {offsets = [0, 19], sizes = [512, 1], strides = [1, 1]} : vector<512x48xf32> to vector<512x1xf32>
    %broadcast_in_dim3A_209 = vector.shape_cast %slice3A_208 : vector<512x1xf32> to vector<512x1xf32>
    %broadcast_in_dim3A_210 = vector.broadcast %broadcast_in_dim3A_209 : vector<512x1xf32> to vector<512x512xf32>
    %swap3A_211 = arith.constant 9728 : index
    %swap3A_212 = arith.constant 0 : index
    %swap3A_213 = vector.load %arg2[%swap3A_211, %swap3A_212] : memref<24576x512xf32, #tpu.memory_space<vmem>>, vector<512x512xf32>
    tpu.vector_store %arg2[%swap3A_211, %swap3A_212], %broadcast_in_dim3A_210 {strides = array<i32>} : memref<24576x512xf32, #tpu.memory_space<vmem>>, vector<512x512xf32>,
    %slice3A_214 = vector.extract_strided_slice %get3A_1 {offsets = [0, 20], sizes = [512, 1], strides = [1, 1]} : vector<512x48xf32> to vector<512x1xf32>
    %broadcast_in_dim3A_215 = vector.shape_cast %slice3A_214 : vector<512x1xf32> to vector<512x1xf32>
    %broadcast_in_dim3A_216 = vector.broadcast %broadcast_in_dim3A_215 : vector<512x1xf32> to vector<512x512xf32>
    %swap3A_217 = arith.constant 10240 : index
    %swap3A_218 = arith.constant 0 : index
    %swap3A_219 = vector.load %arg2[%swap3A_217, %swap3A_218] : memref<24576x512xf32, #tpu.memory_space<vmem>>, vector<512x512xf32>
    tpu.vector_store %arg2[%swap3A_217, %swap3A_218], %broadcast_in_dim3A_216 {strides = array<i32>} : memref<24576x512xf32, #tpu.memory_space<vmem>>, vector<512x512xf32>,
    %slice3A_220 = vector.extract_strided_slice %get3A_1 {offsets = [0, 21], sizes = [512, 1], strides = [1, 1]} : vector<512x48xf32> to vector<512x1xf32>
    %broadcast_in_dim3A_221 = vector.shape_cast %slice3A_220 : vector<512x1xf32> to vector<512x1xf32>
    %broadcast_in_dim3A_222 = vector.broadcast %broadcast_in_dim3A_221 : vector<512x1xf32> to vector<512x512xf32>
    %swap3A_223 = arith.constant 10752 : index
    %swap3A_224 = arith.constant 0 : index
    %swap3A_225 = vector.load %arg2[%swap3A_223, %swap3A_224] : memref<24576x512xf32, #tpu.memory_space<vmem>>, vector<512x512xf32>
    tpu.vector_store %arg2[%swap3A_223, %swap3A_224], %broadcast_in_dim3A_222 {strides = array<i32>} : memref<24576x512xf32, #tpu.memory_space<vmem>>, vector<512x512xf32>,
    %slice3A_226 = vector.extract_strided_slice %get3A_1 {offsets = [0, 22], sizes = [512, 1], strides = [1, 1]} : vector<512x48xf32> to vector<512x1xf32>
    %broadcast_in_dim3A_227 = vector.shape_cast %slice3A_226 : vector<512x1xf32> to vector<512x1xf32>
    %broadcast_in_dim3A_228 = vector.broadcast %broadcast_in_dim3A_227 : vector<512x1xf32> to vector<512x512xf32>
    %swap3A_229 = arith.constant 11264 : index
    %swap3A_230 = arith.constant 0 : index
    %swap3A_231 = vector.load %arg2[%swap3A_229, %swap3A_230] : memref<24576x512xf32, #tpu.memory_space<vmem>>, vector<512x512xf32>
    tpu.vector_store %arg2[%swap3A_229, %swap3A_230], %broadcast_in_dim3A_228 {strides = array<i32>} : memref<24576x512xf32, #tpu.memory_space<vmem>>, vector<512x512xf32>,
    %slice3A_232 = vector.extract_strided_slice %get3A_1 {offsets = [0, 23], sizes = [512, 1], strides = [1, 1]} : vector<512x48xf32> to vector<512x1xf32>
    %broadcast_in_dim3A_233 = vector.shape_cast %slice3A_232 : vector<512x1xf32> to vector<512x1xf32>
    %broadcast_in_dim3A_234 = vector.broadcast %broadcast_in_dim3A_233 : vector<512x1xf32> to vector<512x512xf32>
    %swap3A_235 = arith.constant 11776 : index
    %swap3A_236 = arith.constant 0 : index
    %swap3A_237 = vector.load %arg2[%swap3A_235, %swap3A_236] : memref<24576x512xf32, #tpu.memory_space<vmem>>, vector<512x512xf32>
    tpu.vector_store %arg2[%swap3A_235, %swap3A_236], %broadcast_in_dim3A_234 {strides = array<i32>} : memref<24576x512xf32, #tpu.memory_space<vmem>>, vector<512x512xf32>,
    %dma_start3A_238 = arith.constant 0 : i32
    %dma_start3A_239 = arith.constant 9216 : i32
    %dma_start3A_240 = arith.constant 0 : i32
    %dma_start3A_241 = tpu.memref_slice %arg1[%dma_start3A_238, %dma_start3A_239, %dma_start3A_240] : memref<4x24576x512xf32, #tpu.memory_space<any>> -> memref<1x3072x512xf32, #tpu.memory_space<any>>
    %dma_start3A_242 = tpu.memref_squeeze %dma_start3A_241 : memref<1x3072x512xf32, #tpu.memory_space<any>> -> memref<3072x512xf32, #tpu.memory_space<any>>
    %dma_start3A_243 = arith.constant 9216 : i32
    %dma_start3A_244 = arith.constant 0 : i32
    %dma_start3A_245 = tpu.memref_slice %arg2[%dma_start3A_243, %dma_start3A_244] : memref<24576x512xf32, #tpu.memory_space<vmem>> -> memref<3072x512xf32, #tpu.memory_space<vmem>>
    tpu.enqueue_dma source(%dma_start3A_245 : memref<3072x512xf32, #tpu.memory_space<vmem>>) target(%dma_start3A_242 : memref<3072x512xf32, #tpu.memory_space<any>>) target_semaphore(%arg3 : memref<!tpu.dma_semaphore, #tpu.memory_space<semaphore_mem>>)
    %dma_start3A_246 = arith.constant 1 : i32
    %dma_start3A_247 = arith.constant 9216 : i32
    %dma_start3A_248 = arith.constant 0 : i32
    %dma_start3A_249 = tpu.memref_slice %arg1[%dma_start3A_246, %dma_start3A_247, %dma_start3A_248] : memref<4x24576x512xf32, #tpu.memory_space<any>> -> memref<1x3072x512xf32, #tpu.memory_space<any>>
    %dma_start3A_250 = tpu.memref_squeeze %dma_start3A_249 : memref<1x3072x512xf32, #tpu.memory_space<any>> -> memref<3072x512xf32, #tpu.memory_space<any>>
    %dma_start3A_251 = arith.constant 9216 : i32
    %dma_start3A_252 = arith.constant 0 : i32
    %dma_start3A_253 = tpu.memref_slice %arg2[%dma_start3A_251, %dma_start3A_252] : memref<24576x512xf32, #tpu.memory_space<vmem>> -> memref<3072x512xf32, #tpu.memory_space<vmem>>
    tpu.enqueue_dma source(%dma_start3A_253 : memref<3072x512xf32, #tpu.memory_space<vmem>>) target(%dma_start3A_250 : memref<3072x512xf32, #tpu.memory_space<any>>) target_semaphore(%arg3 : memref<!tpu.dma_semaphore, #tpu.memory_space<semaphore_mem>>)
    %dma_start3A_254 = arith.constant 2 : i32
    %dma_start3A_255 = arith.constant 9216 : i32
    %dma_start3A_256 = arith.constant 0 : i32
    %dma_start3A_257 = tpu.memref_slice %arg1[%dma_start3A_254, %dma_start3A_255, %dma_start3A_256] : memref<4x24576x512xf32, #tpu.memory_space<any>> -> memref<1x3072x512xf32, #tpu.memory_space<any>>
    %dma_start3A_258 = tpu.memref_squeeze %dma_start3A_257 : memref<1x3072x512xf32, #tpu.memory_space<any>> -> memref<3072x512xf32, #tpu.memory_space<any>>
    %dma_start3A_259 = arith.constant 9216 : i32
    %dma_start3A_260 = arith.constant 0 : i32
    %dma_start3A_261 = tpu.memref_slice %arg2[%dma_start3A_259, %dma_start3A_260] : memref<24576x512xf32, #tpu.memory_space<vmem>> -> memref<3072x512xf32, #tpu.memory_space<vmem>>
    tpu.enqueue_dma source(%dma_start3A_261 : memref<3072x512xf32, #tpu.memory_space<vmem>>) target(%dma_start3A_258 : memref<3072x512xf32, #tpu.memory_space<any>>) target_semaphore(%arg3 : memref<!tpu.dma_semaphore, #tpu.memory_space<semaphore_mem>>)
    %dma_start3A_262 = arith.constant 3 : i32
    %dma_start3A_263 = arith.constant 9216 : i32
    %dma_start3A_264 = arith.constant 0 : i32
    %dma_start3A_265 = tpu.memref_slice %arg1[%dma_start3A_262, %dma_start3A_263, %dma_start3A_264] : memref<4x24576x512xf32, #tpu.memory_space<any>> -> memref<1x3072x512xf32, #tpu.memory_space<any>>
    %dma_start3A_266 = tpu.memref_squeeze %dma_start3A_265 : memref<1x3072x512xf32, #tpu.memory_space<any>> -> memref<3072x512xf32, #tpu.memory_space<any>>
    %dma_start3A_267 = arith.constant 9216 : i32
    %dma_start3A_268 = arith.constant 0 : i32
    %dma_start3A_269 = tpu.memref_slice %arg2[%dma_start3A_267, %dma_start3A_268] : memref<24576x512xf32, #tpu.memory_space<vmem>> -> memref<3072x512xf32, #tpu.memory_space<vmem>>
    tpu.enqueue_dma source(%dma_start3A_269 : memref<3072x512xf32, #tpu.memory_space<vmem>>) target(%dma_start3A_266 : memref<3072x512xf32, #tpu.memory_space<any>>) target_semaphore(%arg3 : memref<!tpu.dma_semaphore, #tpu.memory_space<semaphore_mem>>)
    %slice3A_270 = vector.extract_strided_slice %get3A_1 {offsets = [0, 24], sizes = [512, 1], strides = [1, 1]} : vector<512x48xf32> to vector<512x1xf32>
    %broadcast_in_dim3A_271 = vector.shape_cast %slice3A_270 : vector<512x1xf32> to vector<512x1xf32>
    %broadcast_in_dim3A_272 = vector.broadcast %broadcast_in_dim3A_271 : vector<512x1xf32> to vector<512x512xf32>
    %swap3A_273 = arith.constant 12288 : index
    %swap3A_274 = arith.constant 0 : index
    %swap3A_275 = vector.load %arg2[%swap3A_273, %swap3A_274] : memref<24576x512xf32, #tpu.memory_space<vmem>>, vector<512x512xf32>
    tpu.vector_store %arg2[%swap3A_273, %swap3A_274], %broadcast_in_dim3A_272 {strides = array<i32>} : memref<24576x512xf32, #tpu.memory_space<vmem>>, vector<512x512xf32>,
    %slice3A_276 = vector.extract_strided_slice %get3A_1 {offsets = [0, 25], sizes = [512, 1], strides = [1, 1]} : vector<512x48xf32> to vector<512x1xf32>
    %broadcast_in_dim3A_277 = vector.shape_cast %slice3A_276 : vector<512x1xf32> to vector<512x1xf32>
    %broadcast_in_dim3A_278 = vector.broadcast %broadcast_in_dim3A_277 : vector<512x1xf32> to vector<512x512xf32>
    %swap3A_279 = arith.constant 12800 : index
    %swap3A_280 = arith.constant 0 : index
    %swap3A_281 = vector.load %arg2[%swap3A_279, %swap3A_280] : memref<24576x512xf32, #tpu.memory_space<vmem>>, vector<512x512xf32>
    tpu.vector_store %arg2[%swap3A_279, %swap3A_280], %broadcast_in_dim3A_278 {strides = array<i32>} : memref<24576x512xf32, #tpu.memory_space<vmem>>, vector<512x512xf32>,
    %slice3A_282 = vector.extract_strided_slice %get3A_1 {offsets = [0, 26], sizes = [512, 1], strides = [1, 1]} : vector<512x48xf32> to vector<512x1xf32>
    %broadcast_in_dim3A_283 = vector.shape_cast %slice3A_282 : vector<512x1xf32> to vector<512x1xf32>
    %broadcast_in_dim3A_284 = vector.broadcast %broadcast_in_dim3A_283 : vector<512x1xf32> to vector<512x512xf32>
    %swap3A_285 = arith.constant 13312 : index
    %swap3A_286 = arith.constant 0 : index
    %swap3A_287 = vector.load %arg2[%swap3A_285, %swap3A_286] : memref<24576x512xf32, #tpu.memory_space<vmem>>, vector<512x512xf32>
    tpu.vector_store %arg2[%swap3A_285, %swap3A_286], %broadcast_in_dim3A_284 {strides = array<i32>} : memref<24576x512xf32, #tpu.memory_space<vmem>>, vector<512x512xf32>,
    %slice3A_288 = vector.extract_strided_slice %get3A_1 {offsets = [0, 27], sizes = [512, 1], strides = [1, 1]} : vector<512x48xf32> to vector<512x1xf32>
    %broadcast_in_dim3A_289 = vector.shape_cast %slice3A_288 : vector<512x1xf32> to vector<512x1xf32>
    %broadcast_in_dim3A_290 = vector.broadcast %broadcast_in_dim3A_289 : vector<512x1xf32> to vector<512x512xf32>
    %swap3A_291 = arith.constant 13824 : index
    %swap3A_292 = arith.constant 0 : index
    %swap3A_293 = vector.load %arg2[%swap3A_291, %swap3A_292] : memref<24576x512xf32, #tpu.memory_space<vmem>>, vector<512x512xf32>
    tpu.vector_store %arg2[%swap3A_291, %swap3A_292], %broadcast_in_dim3A_290 {strides = array<i32>} : memref<24576x512xf32, #tpu.memory_space<vmem>>, vector<512x512xf32>,
    %slice3A_294 = vector.extract_strided_slice %get3A_1 {offsets = [0, 28], sizes = [512, 1], strides = [1, 1]} : vector<512x48xf32> to vector<512x1xf32>
    %broadcast_in_dim3A_295 = vector.shape_cast %slice3A_294 : vector<512x1xf32> to vector<512x1xf32>
    %broadcast_in_dim3A_296 = vector.broadcast %broadcast_in_dim3A_295 : vector<512x1xf32> to vector<512x512xf32>
    %swap3A_297 = arith.constant 14336 : index
    %swap3A_298 = arith.constant 0 : index
    %swap3A_299 = vector.load %arg2[%swap3A_297, %swap3A_298] : memref<24576x512xf32, #tpu.memory_space<vmem>>, vector<512x512xf32>
    tpu.vector_store %arg2[%swap3A_297, %swap3A_298], %broadcast_in_dim3A_296 {strides = array<i32>} : memref<24576x512xf32, #tpu.memory_space<vmem>>, vector<512x512xf32>,
    %slice3A_300 = vector.extract_strided_slice %get3A_1 {offsets = [0, 29], sizes = [512, 1], strides = [1, 1]} : vector<512x48xf32> to vector<512x1xf32>
    %broadcast_in_dim3A_301 = vector.shape_cast %slice3A_300 : vector<512x1xf32> to vector<512x1xf32>
    %broadcast_in_dim3A_302 = vector.broadcast %broadcast_in_dim3A_301 : vector<512x1xf32> to vector<512x512xf32>
    %swap3A_303 = arith.constant 14848 : index
    %swap3A_304 = arith.constant 0 : index
    %swap3A_305 = vector.load %arg2[%swap3A_303, %swap3A_304] : memref<24576x512xf32, #tpu.memory_space<vmem>>, vector<512x512xf32>
    tpu.vector_store %arg2[%swap3A_303, %swap3A_304], %broadcast_in_dim3A_302 {strides = array<i32>} : memref<24576x512xf32, #tpu.memory_space<vmem>>, vector<512x512xf32>,
    %dma_start3A_306 = arith.constant 0 : i32
    %dma_start3A_307 = arith.constant 12288 : i32
    %dma_start3A_308 = arith.constant 0 : i32
    %dma_start3A_309 = tpu.memref_slice %arg1[%dma_start3A_306, %dma_start3A_307, %dma_start3A_308] : memref<4x24576x512xf32, #tpu.memory_space<any>> -> memref<1x3072x512xf32, #tpu.memory_space<any>>
    %dma_start3A_310 = tpu.memref_squeeze %dma_start3A_309 : memref<1x3072x512xf32, #tpu.memory_space<any>> -> memref<3072x512xf32, #tpu.memory_space<any>>
    %dma_start3A_311 = arith.constant 12288 : i32
    %dma_start3A_312 = arith.constant 0 : i32
    %dma_start3A_313 = tpu.memref_slice %arg2[%dma_start3A_311, %dma_start3A_312] : memref<24576x512xf32, #tpu.memory_space<vmem>> -> memref<3072x512xf32, #tpu.memory_space<vmem>>
    tpu.enqueue_dma source(%dma_start3A_313 : memref<3072x512xf32, #tpu.memory_space<vmem>>) target(%dma_start3A_310 : memref<3072x512xf32, #tpu.memory_space<any>>) target_semaphore(%arg3 : memref<!tpu.dma_semaphore, #tpu.memory_space<semaphore_mem>>)
    %dma_start3A_314 = arith.constant 1 : i32
    %dma_start3A_315 = arith.constant 12288 : i32
    %dma_start3A_316 = arith.constant 0 : i32
    %dma_start3A_317 = tpu.memref_slice %arg1[%dma_start3A_314, %dma_start3A_315, %dma_start3A_316] : memref<4x24576x512xf32, #tpu.memory_space<any>> -> memref<1x3072x512xf32, #tpu.memory_space<any>>
    %dma_start3A_318 = tpu.memref_squeeze %dma_start3A_317 : memref<1x3072x512xf32, #tpu.memory_space<any>> -> memref<3072x512xf32, #tpu.memory_space<any>>
    %dma_start3A_319 = arith.constant 12288 : i32
    %dma_start3A_320 = arith.constant 0 : i32
    %dma_start3A_321 = tpu.memref_slice %arg2[%dma_start3A_319, %dma_start3A_320] : memref<24576x512xf32, #tpu.memory_space<vmem>> -> memref<3072x512xf32, #tpu.memory_space<vmem>>
    tpu.enqueue_dma source(%dma_start3A_321 : memref<3072x512xf32, #tpu.memory_space<vmem>>) target(%dma_start3A_318 : memref<3072x512xf32, #tpu.memory_space<any>>) target_semaphore(%arg3 : memref<!tpu.dma_semaphore, #tpu.memory_space<semaphore_mem>>)
    %dma_start3A_322 = arith.constant 2 : i32
    %dma_start3A_323 = arith.constant 12288 : i32
    %dma_start3A_324 = arith.constant 0 : i32
    %dma_start3A_325 = tpu.memref_slice %arg1[%dma_start3A_322, %dma_start3A_323, %dma_start3A_324] : memref<4x24576x512xf32, #tpu.memory_space<any>> -> memref<1x3072x512xf32, #tpu.memory_space<any>>
    %dma_start3A_326 = tpu.memref_squeeze %dma_start3A_325 : memref<1x3072x512xf32, #tpu.memory_space<any>> -> memref<3072x512xf32, #tpu.memory_space<any>>
    %dma_start3A_327 = arith.constant 12288 : i32
    %dma_start3A_328 = arith.constant 0 : i32
    %dma_start3A_329 = tpu.memref_slice %arg2[%dma_start3A_327, %dma_start3A_328] : memref<24576x512xf32, #tpu.memory_space<vmem>> -> memref<3072x512xf32, #tpu.memory_space<vmem>>
    tpu.enqueue_dma source(%dma_start3A_329 : memref<3072x512xf32, #tpu.memory_space<vmem>>) target(%dma_start3A_326 : memref<3072x512xf32, #tpu.memory_space<any>>) target_semaphore(%arg3 : memref<!tpu.dma_semaphore, #tpu.memory_space<semaphore_mem>>)
    %dma_start3A_330 = arith.constant 3 : i32
    %dma_start3A_331 = arith.constant 12288 : i32
    %dma_start3A_332 = arith.constant 0 : i32
    %dma_start3A_333 = tpu.memref_slice %arg1[%dma_start3A_330, %dma_start3A_331, %dma_start3A_332] : memref<4x24576x512xf32, #tpu.memory_space<any>> -> memref<1x3072x512xf32, #tpu.memory_space<any>>
    %dma_start3A_334 = tpu.memref_squeeze %dma_start3A_333 : memref<1x3072x512xf32, #tpu.memory_space<any>> -> memref<3072x512xf32, #tpu.memory_space<any>>
    %dma_start3A_335 = arith.constant 12288 : i32
    %dma_start3A_336 = arith.constant 0 : i32
    %dma_start3A_337 = tpu.memref_slice %arg2[%dma_start3A_335, %dma_start3A_336] : memref<24576x512xf32, #tpu.memory_space<vmem>> -> memref<3072x512xf32, #tpu.memory_space<vmem>>
    tpu.enqueue_dma source(%dma_start3A_337 : memref<3072x512xf32, #tpu.memory_space<vmem>>) target(%dma_start3A_334 : memref<3072x512xf32, #tpu.memory_space<any>>) target_semaphore(%arg3 : memref<!tpu.dma_semaphore, #tpu.memory_space<semaphore_mem>>)
    %slice3A_338 = vector.extract_strided_slice %get3A_1 {offsets = [0, 30], sizes = [512, 1], strides = [1, 1]} : vector<512x48xf32> to vector<512x1xf32>
    %broadcast_in_dim3A_339 = vector.shape_cast %slice3A_338 : vector<512x1xf32> to vector<512x1xf32>
    %broadcast_in_dim3A_340 = vector.broadcast %broadcast_in_dim3A_339 : vector<512x1xf32> to vector<512x512xf32>
    %swap3A_341 = arith.constant 15360 : index
    %swap3A_342 = arith.constant 0 : index
    %swap3A_343 = vector.load %arg2[%swap3A_341, %swap3A_342] : memref<24576x512xf32, #tpu.memory_space<vmem>>, vector<512x512xf32>
    tpu.vector_store %arg2[%swap3A_341, %swap3A_342], %broadcast_in_dim3A_340 {strides = array<i32>} : memref<24576x512xf32, #tpu.memory_space<vmem>>, vector<512x512xf32>,
    %slice3A_344 = vector.extract_strided_slice %get3A_1 {offsets = [0, 31], sizes = [512, 1], strides = [1, 1]} : vector<512x48xf32> to vector<512x1xf32>
    %broadcast_in_dim3A_345 = vector.shape_cast %slice3A_344 : vector<512x1xf32> to vector<512x1xf32>
    %broadcast_in_dim3A_346 = vector.broadcast %broadcast_in_dim3A_345 : vector<512x1xf32> to vector<512x512xf32>
    %swap3A_347 = arith.constant 15872 : index
    %swap3A_348 = arith.constant 0 : index
    %swap3A_349 = vector.load %arg2[%swap3A_347, %swap3A_348] : memref<24576x512xf32, #tpu.memory_space<vmem>>, vector<512x512xf32>
    tpu.vector_store %arg2[%swap3A_347, %swap3A_348], %broadcast_in_dim3A_346 {strides = array<i32>} : memref<24576x512xf32, #tpu.memory_space<vmem>>, vector<512x512xf32>,
    %slice3A_350 = vector.extract_strided_slice %get3A_1 {offsets = [0, 32], sizes = [512, 1], strides = [1, 1]} : vector<512x48xf32> to vector<512x1xf32>
    %broadcast_in_dim3A_351 = vector.shape_cast %slice3A_350 : vector<512x1xf32> to vector<512x1xf32>
    %broadcast_in_dim3A_352 = vector.broadcast %broadcast_in_dim3A_351 : vector<512x1xf32> to vector<512x512xf32>
    %swap3A_353 = arith.constant 16384 : index
    %swap3A_354 = arith.constant 0 : index
    %swap3A_355 = vector.load %arg2[%swap3A_353, %swap3A_354] : memref<24576x512xf32, #tpu.memory_space<vmem>>, vector<512x512xf32>
    tpu.vector_store %arg2[%swap3A_353, %swap3A_354], %broadcast_in_dim3A_352 {strides = array<i32>} : memref<24576x512xf32, #tpu.memory_space<vmem>>, vector<512x512xf32>,
    %slice3A_356 = vector.extract_strided_slice %get3A_1 {offsets = [0, 33], sizes = [512, 1], strides = [1, 1]} : vector<512x48xf32> to vector<512x1xf32>
    %broadcast_in_dim3A_357 = vector.shape_cast %slice3A_356 : vector<512x1xf32> to vector<512x1xf32>
    %broadcast_in_dim3A_358 = vector.broadcast %broadcast_in_dim3A_357 : vector<512x1xf32> to vector<512x512xf32>
    %swap3A_359 = arith.constant 16896 : index
    %swap3A_360 = arith.constant 0 : index
    %swap3A_361 = vector.load %arg2[%swap3A_359, %swap3A_360] : memref<24576x512xf32, #tpu.memory_space<vmem>>, vector<512x512xf32>
    tpu.vector_store %arg2[%swap3A_359, %swap3A_360], %broadcast_in_dim3A_358 {strides = array<i32>} : memref<24576x512xf32, #tpu.memory_space<vmem>>, vector<512x512xf32>,
    %slice3A_362 = vector.extract_strided_slice %get3A_1 {offsets = [0, 34], sizes = [512, 1], strides = [1, 1]} : vector<512x48xf32> to vector<512x1xf32>
    %broadcast_in_dim3A_363 = vector.shape_cast %slice3A_362 : vector<512x1xf32> to vector<512x1xf32>
    %broadcast_in_dim3A_364 = vector.broadcast %broadcast_in_dim3A_363 : vector<512x1xf32> to vector<512x512xf32>
    %swap3A_365 = arith.constant 17408 : index
    %swap3A_366 = arith.constant 0 : index
    %swap3A_367 = vector.load %arg2[%swap3A_365, %swap3A_366] : memref<24576x512xf32, #tpu.memory_space<vmem>>, vector<512x512xf32>
    tpu.vector_store %arg2[%swap3A_365, %swap3A_366], %broadcast_in_dim3A_364 {strides = array<i32>} : memref<24576x512xf32, #tpu.memory_space<vmem>>, vector<512x512xf32>,
    %slice3A_368 = vector.extract_strided_slice %get3A_1 {offsets = [0, 35], sizes = [512, 1], strides = [1, 1]} : vector<512x48xf32> to vector<512x1xf32>
    %broadcast_in_dim3A_369 = vector.shape_cast %slice3A_368 : vector<512x1xf32> to vector<512x1xf32>
    %broadcast_in_dim3A_370 = vector.broadcast %broadcast_in_dim3A_369 : vector<512x1xf32> to vector<512x512xf32>
    %swap3A_371 = arith.constant 17920 : index
    %swap3A_372 = arith.constant 0 : index
    %swap3A_373 = vector.load %arg2[%swap3A_371, %swap3A_372] : memref<24576x512xf32, #tpu.memory_space<vmem>>, vector<512x512xf32>
    tpu.vector_store %arg2[%swap3A_371, %swap3A_372], %broadcast_in_dim3A_370 {strides = array<i32>} : memref<24576x512xf32, #tpu.memory_space<vmem>>, vector<512x512xf32>,
    %dma_start3A_374 = arith.constant 0 : i32
    %dma_start3A_375 = arith.constant 15360 : i32
    %dma_start3A_376 = arith.constant 0 : i32
    %dma_start3A_377 = tpu.memref_slice %arg1[%dma_start3A_374, %dma_start3A_375, %dma_start3A_376] : memref<4x24576x512xf32, #tpu.memory_space<any>> -> memref<1x3072x512xf32, #tpu.memory_space<any>>
    %dma_start3A_378 = tpu.memref_squeeze %dma_start3A_377 : memref<1x3072x512xf32, #tpu.memory_space<any>> -> memref<3072x512xf32, #tpu.memory_space<any>>
    %dma_start3A_379 = arith.constant 15360 : i32
    %dma_start3A_380 = arith.constant 0 : i32
    %dma_start3A_381 = tpu.memref_slice %arg2[%dma_start3A_379, %dma_start3A_380] : memref<24576x512xf32, #tpu.memory_space<vmem>> -> memref<3072x512xf32, #tpu.memory_space<vmem>>
    tpu.enqueue_dma source(%dma_start3A_381 : memref<3072x512xf32, #tpu.memory_space<vmem>>) target(%dma_start3A_378 : memref<3072x512xf32, #tpu.memory_space<any>>) target_semaphore(%arg3 : memref<!tpu.dma_semaphore, #tpu.memory_space<semaphore_mem>>)
    %dma_start3A_382 = arith.constant 1 : i32
    %dma_start3A_383 = arith.constant 15360 : i32
    %dma_start3A_384 = arith.constant 0 : i32
    %dma_start3A_385 = tpu.memref_slice %arg1[%dma_start3A_382, %dma_start3A_383, %dma_start3A_384] : memref<4x24576x512xf32, #tpu.memory_space<any>> -> memref<1x3072x512xf32, #tpu.memory_space<any>>
    %dma_start3A_386 = tpu.memref_squeeze %dma_start3A_385 : memref<1x3072x512xf32, #tpu.memory_space<any>> -> memref<3072x512xf32, #tpu.memory_space<any>>
    %dma_start3A_387 = arith.constant 15360 : i32
    %dma_start3A_388 = arith.constant 0 : i32
    %dma_start3A_389 = tpu.memref_slice %arg2[%dma_start3A_387, %dma_start3A_388] : memref<24576x512xf32, #tpu.memory_space<vmem>> -> memref<3072x512xf32, #tpu.memory_space<vmem>>
    tpu.enqueue_dma source(%dma_start3A_389 : memref<3072x512xf32, #tpu.memory_space<vmem>>) target(%dma_start3A_386 : memref<3072x512xf32, #tpu.memory_space<any>>) target_semaphore(%arg3 : memref<!tpu.dma_semaphore, #tpu.memory_space<semaphore_mem>>)
    %dma_start3A_390 = arith.constant 2 : i32
    %dma_start3A_391 = arith.constant 15360 : i32
    %dma_start3A_392 = arith.constant 0 : i32
    %dma_start3A_393 = tpu.memref_slice %arg1[%dma_start3A_390, %dma_start3A_391, %dma_start3A_392] : memref<4x24576x512xf32, #tpu.memory_space<any>> -> memref<1x3072x512xf32, #tpu.memory_space<any>>
    %dma_start3A_394 = tpu.memref_squeeze %dma_start3A_393 : memref<1x3072x512xf32, #tpu.memory_space<any>> -> memref<3072x512xf32, #tpu.memory_space<any>>
    %dma_start3A_395 = arith.constant 15360 : i32
    %dma_start3A_396 = arith.constant 0 : i32
    %dma_start3A_397 = tpu.memref_slice %arg2[%dma_start3A_395, %dma_start3A_396] : memref<24576x512xf32, #tpu.memory_space<vmem>> -> memref<3072x512xf32, #tpu.memory_space<vmem>>
    tpu.enqueue_dma source(%dma_start3A_397 : memref<3072x512xf32, #tpu.memory_space<vmem>>) target(%dma_start3A_394 : memref<3072x512xf32, #tpu.memory_space<any>>) target_semaphore(%arg3 : memref<!tpu.dma_semaphore, #tpu.memory_space<semaphore_mem>>)
    %dma_start3A_398 = arith.constant 3 : i32
    %dma_start3A_399 = arith.constant 15360 : i32
    %dma_start3A_400 = arith.constant 0 : i32
    %dma_start3A_401 = tpu.memref_slice %arg1[%dma_start3A_398, %dma_start3A_399, %dma_start3A_400] : memref<4x24576x512xf32, #tpu.memory_space<any>> -> memref<1x3072x512xf32, #tpu.memory_space<any>>
    %dma_start3A_402 = tpu.memref_squeeze %dma_start3A_401 : memref<1x3072x512xf32, #tpu.memory_space<any>> -> memref<3072x512xf32, #tpu.memory_space<any>>
    %dma_start3A_403 = arith.constant 15360 : i32
    %dma_start3A_404 = arith.constant 0 : i32
    %dma_start3A_405 = tpu.memref_slice %arg2[%dma_start3A_403, %dma_start3A_404] : memref<24576x512xf32, #tpu.memory_space<vmem>> -> memref<3072x512xf32, #tpu.memory_space<vmem>>
    tpu.enqueue_dma source(%dma_start3A_405 : memref<3072x512xf32, #tpu.memory_space<vmem>>) target(%dma_start3A_402 : memref<3072x512xf32, #tpu.memory_space<any>>) target_semaphore(%arg3 : memref<!tpu.dma_semaphore, #tpu.memory_space<semaphore_mem>>)
    %slice3A_406 = vector.extract_strided_slice %get3A_1 {offsets = [0, 36], sizes = [512, 1], strides = [1, 1]} : vector<512x48xf32> to vector<512x1xf32>
    %broadcast_in_dim3A_407 = vector.shape_cast %slice3A_406 : vector<512x1xf32> to vector<512x1xf32>
    %broadcast_in_dim3A_408 = vector.broadcast %broadcast_in_dim3A_407 : vector<512x1xf32> to vector<512x512xf32>
    %swap3A_409 = arith.constant 18432 : index
    %swap3A_410 = arith.constant 0 : index
    %swap3A_411 = vector.load %arg2[%swap3A_409, %swap3A_410] : memref<24576x512xf32, #tpu.memory_space<vmem>>, vector<512x512xf32>
    tpu.vector_store %arg2[%swap3A_409, %swap3A_410], %broadcast_in_dim3A_408 {strides = array<i32>} : memref<24576x512xf32, #tpu.memory_space<vmem>>, vector<512x512xf32>,
    %slice3A_412 = vector.extract_strided_slice %get3A_1 {offsets = [0, 37], sizes = [512, 1], strides = [1, 1]} : vector<512x48xf32> to vector<512x1xf32>
    %broadcast_in_dim3A_413 = vector.shape_cast %slice3A_412 : vector<512x1xf32> to vector<512x1xf32>
    %broadcast_in_dim3A_414 = vector.broadcast %broadcast_in_dim3A_413 : vector<512x1xf32> to vector<512x512xf32>
    %swap3A_415 = arith.constant 18944 : index
    %swap3A_416 = arith.constant 0 : index
    %swap3A_417 = vector.load %arg2[%swap3A_415, %swap3A_416] : memref<24576x512xf32, #tpu.memory_space<vmem>>, vector<512x512xf32>
    tpu.vector_store %arg2[%swap3A_415, %swap3A_416], %broadcast_in_dim3A_414 {strides = array<i32>} : memref<24576x512xf32, #tpu.memory_space<vmem>>, vector<512x512xf32>,
    %slice3A_418 = vector.extract_strided_slice %get3A_1 {offsets = [0, 38], sizes = [512, 1], strides = [1, 1]} : vector<512x48xf32> to vector<512x1xf32>
    %broadcast_in_dim3A_419 = vector.shape_cast %slice3A_418 : vector<512x1xf32> to vector<512x1xf32>
    %broadcast_in_dim3A_420 = vector.broadcast %broadcast_in_dim3A_419 : vector<512x1xf32> to vector<512x512xf32>
    %swap3A_421 = arith.constant 19456 : index
    %swap3A_422 = arith.constant 0 : index
    %swap3A_423 = vector.load %arg2[%swap3A_421, %swap3A_422] : memref<24576x512xf32, #tpu.memory_space<vmem>>, vector<512x512xf32>
    tpu.vector_store %arg2[%swap3A_421, %swap3A_422], %broadcast_in_dim3A_420 {strides = array<i32>} : memref<24576x512xf32, #tpu.memory_space<vmem>>, vector<512x512xf32>,
    %slice3A_424 = vector.extract_strided_slice %get3A_1 {offsets = [0, 39], sizes = [512, 1], strides = [1, 1]} : vector<512x48xf32> to vector<512x1xf32>
    %broadcast_in_dim3A_425 = vector.shape_cast %slice3A_424 : vector<512x1xf32> to vector<512x1xf32>
    %broadcast_in_dim3A_426 = vector.broadcast %broadcast_in_dim3A_425 : vector<512x1xf32> to vector<512x512xf32>
    %swap3A_427 = arith.constant 19968 : index
    %swap3A_428 = arith.constant 0 : index
    %swap3A_429 = vector.load %arg2[%swap3A_427, %swap3A_428] : memref<24576x512xf32, #tpu.memory_space<vmem>>, vector<512x512xf32>
    tpu.vector_store %arg2[%swap3A_427, %swap3A_428], %broadcast_in_dim3A_426 {strides = array<i32>} : memref<24576x512xf32, #tpu.memory_space<vmem>>, vector<512x512xf32>,
    %slice3A_430 = vector.extract_strided_slice %get3A_1 {offsets = [0, 40], sizes = [512, 1], strides = [1, 1]} : vector<512x48xf32> to vector<512x1xf32>
    %broadcast_in_dim3A_431 = vector.shape_cast %slice3A_430 : vector<512x1xf32> to vector<512x1xf32>
    %broadcast_in_dim3A_432 = vector.broadcast %broadcast_in_dim3A_431 : vector<512x1xf32> to vector<512x512xf32>
    %swap3A_433 = arith.constant 20480 : index
    %swap3A_434 = arith.constant 0 : index
    %swap3A_435 = vector.load %arg2[%swap3A_433, %swap3A_434] : memref<24576x512xf32, #tpu.memory_space<vmem>>, vector<512x512xf32>
    tpu.vector_store %arg2[%swap3A_433, %swap3A_434], %broadcast_in_dim3A_432 {strides = array<i32>} : memref<24576x512xf32, #tpu.memory_space<vmem>>, vector<512x512xf32>,
    %slice3A_436 = vector.extract_strided_slice %get3A_1 {offsets = [0, 41], sizes = [512, 1], strides = [1, 1]} : vector<512x48xf32> to vector<512x1xf32>
    %broadcast_in_dim3A_437 = vector.shape_cast %slice3A_436 : vector<512x1xf32> to vector<512x1xf32>
    %broadcast_in_dim3A_438 = vector.broadcast %broadcast_in_dim3A_437 : vector<512x1xf32> to vector<512x512xf32>
    %swap3A_439 = arith.constant 20992 : index
    %swap3A_440 = arith.constant 0 : index
    %swap3A_441 = vector.load %arg2[%swap3A_439, %swap3A_440] : memref<24576x512xf32, #tpu.memory_space<vmem>>, vector<512x512xf32>
    tpu.vector_store %arg2[%swap3A_439, %swap3A_440], %broadcast_in_dim3A_438 {strides = array<i32>} : memref<24576x512xf32, #tpu.memory_space<vmem>>, vector<512x512xf32>,
    %dma_start3A_442 = arith.constant 0 : i32
    %dma_start3A_443 = arith.constant 18432 : i32
    %dma_start3A_444 = arith.constant 0 : i32
    %dma_start3A_445 = tpu.memref_slice %arg1[%dma_start3A_442, %dma_start3A_443, %dma_start3A_444] : memref<4x24576x512xf32, #tpu.memory_space<any>> -> memref<1x3072x512xf32, #tpu.memory_space<any>>
    %dma_start3A_446 = tpu.memref_squeeze %dma_start3A_445 : memref<1x3072x512xf32, #tpu.memory_space<any>> -> memref<3072x512xf32, #tpu.memory_space<any>>
    %dma_start3A_447 = arith.constant 18432 : i32
    %dma_start3A_448 = arith.constant 0 : i32
    %dma_start3A_449 = tpu.memref_slice %arg2[%dma_start3A_447, %dma_start3A_448] : memref<24576x512xf32, #tpu.memory_space<vmem>> -> memref<3072x512xf32, #tpu.memory_space<vmem>>
    tpu.enqueue_dma source(%dma_start3A_449 : memref<3072x512xf32, #tpu.memory_space<vmem>>) target(%dma_start3A_446 : memref<3072x512xf32, #tpu.memory_space<any>>) target_semaphore(%arg3 : memref<!tpu.dma_semaphore, #tpu.memory_space<semaphore_mem>>)
    %dma_start3A_450 = arith.constant 1 : i32
    %dma_start3A_451 = arith.constant 18432 : i32
    %dma_start3A_452 = arith.constant 0 : i32
    %dma_start3A_453 = tpu.memref_slice %arg1[%dma_start3A_450, %dma_start3A_451, %dma_start3A_452] : memref<4x24576x512xf32, #tpu.memory_space<any>> -> memref<1x3072x512xf32, #tpu.memory_space<any>>
    %dma_start3A_454 = tpu.memref_squeeze %dma_start3A_453 : memref<1x3072x512xf32, #tpu.memory_space<any>> -> memref<3072x512xf32, #tpu.memory_space<any>>
    %dma_start3A_455 = arith.constant 18432 : i32
    %dma_start3A_456 = arith.constant 0 : i32
    %dma_start3A_457 = tpu.memref_slice %arg2[%dma_start3A_455, %dma_start3A_456] : memref<24576x512xf32, #tpu.memory_space<vmem>> -> memref<3072x512xf32, #tpu.memory_space<vmem>>
    tpu.enqueue_dma source(%dma_start3A_457 : memref<3072x512xf32, #tpu.memory_space<vmem>>) target(%dma_start3A_454 : memref<3072x512xf32, #tpu.memory_space<any>>) target_semaphore(%arg3 : memref<!tpu.dma_semaphore, #tpu.memory_space<semaphore_mem>>)
    %dma_start3A_458 = arith.constant 2 : i32
    %dma_start3A_459 = arith.constant 18432 : i32
    %dma_start3A_460 = arith.constant 0 : i32
    %dma_start3A_461 = tpu.memref_slice %arg1[%dma_start3A_458, %dma_start3A_459, %dma_start3A_460] : memref<4x24576x512xf32, #tpu.memory_space<any>> -> memref<1x3072x512xf32, #tpu.memory_space<any>>
    %dma_start3A_462 = tpu.memref_squeeze %dma_start3A_461 : memref<1x3072x512xf32, #tpu.memory_space<any>> -> memref<3072x512xf32, #tpu.memory_space<any>>
    %dma_start3A_463 = arith.constant 18432 : i32
    %dma_start3A_464 = arith.constant 0 : i32
    %dma_start3A_465 = tpu.memref_slice %arg2[%dma_start3A_463, %dma_start3A_464] : memref<24576x512xf32, #tpu.memory_space<vmem>> -> memref<3072x512xf32, #tpu.memory_space<vmem>>
    tpu.enqueue_dma source(%dma_start3A_465 : memref<3072x512xf32, #tpu.memory_space<vmem>>) target(%dma_start3A_462 : memref<3072x512xf32, #tpu.memory_space<any>>) target_semaphore(%arg3 : memref<!tpu.dma_semaphore, #tpu.memory_space<semaphore_mem>>)
    %dma_start3A_466 = arith.constant 3 : i32
    %dma_start3A_467 = arith.constant 18432 : i32
    %dma_start3A_468 = arith.constant 0 : i32
    %dma_start3A_469 = tpu.memref_slice %arg1[%dma_start3A_466, %dma_start3A_467, %dma_start3A_468] : memref<4x24576x512xf32, #tpu.memory_space<any>> -> memref<1x3072x512xf32, #tpu.memory_space<any>>
    %dma_start3A_470 = tpu.memref_squeeze %dma_start3A_469 : memref<1x3072x512xf32, #tpu.memory_space<any>> -> memref<3072x512xf32, #tpu.memory_space<any>>
    %dma_start3A_471 = arith.constant 18432 : i32
    %dma_start3A_472 = arith.constant 0 : i32
    %dma_start3A_473 = tpu.memref_slice %arg2[%dma_start3A_471, %dma_start3A_472] : memref<24576x512xf32, #tpu.memory_space<vmem>> -> memref<3072x512xf32, #tpu.memory_space<vmem>>
    tpu.enqueue_dma source(%dma_start3A_473 : memref<3072x512xf32, #tpu.memory_space<vmem>>) target(%dma_start3A_470 : memref<3072x512xf32, #tpu.memory_space<any>>) target_semaphore(%arg3 : memref<!tpu.dma_semaphore, #tpu.memory_space<semaphore_mem>>)
    %slice3A_474 = vector.extract_strided_slice %get3A_1 {offsets = [0, 42], sizes = [512, 1], strides = [1, 1]} : vector<512x48xf32> to vector<512x1xf32>
    %broadcast_in_dim3A_475 = vector.shape_cast %slice3A_474 : vector<512x1xf32> to vector<512x1xf32>
    %broadcast_in_dim3A_476 = vector.broadcast %broadcast_in_dim3A_475 : vector<512x1xf32> to vector<512x512xf32>
    %swap3A_477 = arith.constant 21504 : index
    %swap3A_478 = arith.constant 0 : index
    %swap3A_479 = vector.load %arg2[%swap3A_477, %swap3A_478] : memref<24576x512xf32, #tpu.memory_space<vmem>>, vector<512x512xf32>
    tpu.vector_store %arg2[%swap3A_477, %swap3A_478], %broadcast_in_dim3A_476 {strides = array<i32>} : memref<24576x512xf32, #tpu.memory_space<vmem>>, vector<512x512xf32>,
    %slice3A_480 = vector.extract_strided_slice %get3A_1 {offsets = [0, 43], sizes = [512, 1], strides = [1, 1]} : vector<512x48xf32> to vector<512x1xf32>
    %broadcast_in_dim3A_481 = vector.shape_cast %slice3A_480 : vector<512x1xf32> to vector<512x1xf32>
    %broadcast_in_dim3A_482 = vector.broadcast %broadcast_in_dim3A_481 : vector<512x1xf32> to vector<512x512xf32>
    %swap3A_483 = arith.constant 22016 : index
    %swap3A_484 = arith.constant 0 : index
    %swap3A_485 = vector.load %arg2[%swap3A_483, %swap3A_484] : memref<24576x512xf32, #tpu.memory_space<vmem>>, vector<512x512xf32>
    tpu.vector_store %arg2[%swap3A_483, %swap3A_484], %broadcast_in_dim3A_482 {strides = array<i32>} : memref<24576x512xf32, #tpu.memory_space<vmem>>, vector<512x512xf32>,
    %slice3A_486 = vector.extract_strided_slice %get3A_1 {offsets = [0, 44], sizes = [512, 1], strides = [1, 1]} : vector<512x48xf32> to vector<512x1xf32>
    %broadcast_in_dim3A_487 = vector.shape_cast %slice3A_486 : vector<512x1xf32> to vector<512x1xf32>
    %broadcast_in_dim3A_488 = vector.broadcast %broadcast_in_dim3A_487 : vector<512x1xf32> to vector<512x512xf32>
    %swap3A_489 = arith.constant 22528 : index
    %swap3A_490 = arith.constant 0 : index
    %swap3A_491 = vector.load %arg2[%swap3A_489, %swap3A_490] : memref<24576x512xf32, #tpu.memory_space<vmem>>, vector<512x512xf32>
    tpu.vector_store %arg2[%swap3A_489, %swap3A_490], %broadcast_in_dim3A_488 {strides = array<i32>} : memref<24576x512xf32, #tpu.memory_space<vmem>>, vector<512x512xf32>,
    %slice3A_492 = vector.extract_strided_slice %get3A_1 {offsets = [0, 45], sizes = [512, 1], strides = [1, 1]} : vector<512x48xf32> to vector<512x1xf32>
    %broadcast_in_dim3A_493 = vector.shape_cast %slice3A_492 : vector<512x1xf32> to vector<512x1xf32>
    %broadcast_in_dim3A_494 = vector.broadcast %broadcast_in_dim3A_493 : vector<512x1xf32> to vector<512x512xf32>
    %swap3A_495 = arith.constant 23040 : index
    %swap3A_496 = arith.constant 0 : index
    %swap3A_497 = vector.load %arg2[%swap3A_495, %swap3A_496] : memref<24576x512xf32, #tpu.memory_space<vmem>>, vector<512x512xf32>
    tpu.vector_store %arg2[%swap3A_495, %swap3A_496], %broadcast_in_dim3A_494 {strides = array<i32>} : memref<24576x512xf32, #tpu.memory_space<vmem>>, vector<512x512xf32>,
    %slice3A_498 = vector.extract_strided_slice %get3A_1 {offsets = [0, 46], sizes = [512, 1], strides = [1, 1]} : vector<512x48xf32> to vector<512x1xf32>
    %broadcast_in_dim3A_499 = vector.shape_cast %slice3A_498 : vector<512x1xf32> to vector<512x1xf32>
    %broadcast_in_dim3A_500 = vector.broadcast %broadcast_in_dim3A_499 : vector<512x1xf32> to vector<512x512xf32>
    %swap3A_501 = arith.constant 23552 : index
    %swap3A_502 = arith.constant 0 : index
    %swap3A_503 = vector.load %arg2[%swap3A_501, %swap3A_502] : memref<24576x512xf32, #tpu.memory_space<vmem>>, vector<512x512xf32>
    tpu.vector_store %arg2[%swap3A_501, %swap3A_502], %broadcast_in_dim3A_500 {strides = array<i32>} : memref<24576x512xf32, #tpu.memory_space<vmem>>, vector<512x512xf32>,
    %slice3A_504 = vector.extract_strided_slice %get3A_1 {offsets = [0, 47], sizes = [512, 1], strides = [1, 1]} : vector<512x48xf32> to vector<512x1xf32>
    %broadcast_in_dim3A_505 = vector.shape_cast %slice3A_504 : vector<512x1xf32> to vector<512x1xf32>
    %broadcast_in_dim3A_506 = vector.broadcast %broadcast_in_dim3A_505 : vector<512x1xf32> to vector<512x512xf32>
    %swap3A_507 = arith.constant 24064 : index
    %swap3A_508 = arith.constant 0 : index
    %swap3A_509 = vector.load %arg2[%swap3A_507, %swap3A_508] : memref<24576x512xf32, #tpu.memory_space<vmem>>, vector<512x512xf32>
    tpu.vector_store %arg2[%swap3A_507, %swap3A_508], %broadcast_in_dim3A_506 {strides = array<i32>} : memref<24576x512xf32, #tpu.memory_space<vmem>>, vector<512x512xf32>,
    %dma_start3A_510 = arith.constant 0 : i32
    %dma_start3A_511 = arith.constant 21504 : i32
    %dma_start3A_512 = arith.constant 0 : i32
    %dma_start3A_513 = tpu.memref_slice %arg1[%dma_start3A_510, %dma_start3A_511, %dma_start3A_512] : memref<4x24576x512xf32, #tpu.memory_space<any>> -> memref<1x3072x512xf32, #tpu.memory_space<any>>
    %dma_start3A_514 = tpu.memref_squeeze %dma_start3A_513 : memref<1x3072x512xf32, #tpu.memory_space<any>> -> memref<3072x512xf32, #tpu.memory_space<any>>
    %dma_start3A_515 = arith.constant 21504 : i32
    %dma_start3A_516 = arith.constant 0 : i32
    %dma_start3A_517 = tpu.memref_slice %arg2[%dma_start3A_515, %dma_start3A_516] : memref<24576x512xf32, #tpu.memory_space<vmem>> -> memref<3072x512xf32, #tpu.memory_space<vmem>>
    tpu.enqueue_dma source(%dma_start3A_517 : memref<3072x512xf32, #tpu.memory_space<vmem>>) target(%dma_start3A_514 : memref<3072x512xf32, #tpu.memory_space<any>>) target_semaphore(%arg3 : memref<!tpu.dma_semaphore, #tpu.memory_space<semaphore_mem>>)
    %dma_start3A_518 = arith.constant 1 : i32
    %dma_start3A_519 = arith.constant 21504 : i32
    %dma_start3A_520 = arith.constant 0 : i32
    %dma_start3A_521 = tpu.memref_slice %arg1[%dma_start3A_518, %dma_start3A_519, %dma_start3A_520] : memref<4x24576x512xf32, #tpu.memory_space<any>> -> memref<1x3072x512xf32, #tpu.memory_space<any>>
    %dma_start3A_522 = tpu.memref_squeeze %dma_start3A_521 : memref<1x3072x512xf32, #tpu.memory_space<any>> -> memref<3072x512xf32, #tpu.memory_space<any>>
    %dma_start3A_523 = arith.constant 21504 : i32
    %dma_start3A_524 = arith.constant 0 : i32
    %dma_start3A_525 = tpu.memref_slice %arg2[%dma_start3A_523, %dma_start3A_524] : memref<24576x512xf32, #tpu.memory_space<vmem>> -> memref<3072x512xf32, #tpu.memory_space<vmem>>
    tpu.enqueue_dma source(%dma_start3A_525 : memref<3072x512xf32, #tpu.memory_space<vmem>>) target(%dma_start3A_522 : memref<3072x512xf32, #tpu.memory_space<any>>) target_semaphore(%arg3 : memref<!tpu.dma_semaphore, #tpu.memory_space<semaphore_mem>>)
    %dma_start3A_526 = arith.constant 2 : i32
    %dma_start3A_527 = arith.constant 21504 : i32
    %dma_start3A_528 = arith.constant 0 : i32
    %dma_start3A_529 = tpu.memref_slice %arg1[%dma_start3A_526, %dma_start3A_527, %dma_start3A_528] : memref<4x24576x512xf32, #tpu.memory_space<any>> -> memref<1x3072x512xf32, #tpu.memory_space<any>>
    %dma_start3A_530 = tpu.memref_squeeze %dma_start3A_529 : memref<1x3072x512xf32, #tpu.memory_space<any>> -> memref<3072x512xf32, #tpu.memory_space<any>>
    %dma_start3A_531 = arith.constant 21504 : i32
    %dma_start3A_532 = arith.constant 0 : i32
    %dma_start3A_533 = tpu.memref_slice %arg2[%dma_start3A_531, %dma_start3A_532] : memref<24576x512xf32, #tpu.memory_space<vmem>> -> memref<3072x512xf32, #tpu.memory_space<vmem>>
    tpu.enqueue_dma source(%dma_start3A_533 : memref<3072x512xf32, #tpu.memory_space<vmem>>) target(%dma_start3A_530 : memref<3072x512xf32, #tpu.memory_space<any>>) target_semaphore(%arg3 : memref<!tpu.dma_semaphore, #tpu.memory_space<semaphore_mem>>)
    %dma_start3A_534 = arith.constant 3 : i32
    %dma_start3A_535 = arith.constant 21504 : i32
    %dma_start3A_536 = arith.constant 0 : i32
    %dma_start3A_537 = tpu.memref_slice %arg1[%dma_start3A_534, %dma_start3A_535, %dma_start3A_536] : memref<4x24576x512xf32, #tpu.memory_space<any>> -> memref<1x3072x512xf32, #tpu.memory_space<any>>
    %dma_start3A_538 = tpu.memref_squeeze %dma_start3A_537 : memref<1x3072x512xf32, #tpu.memory_space<any>> -> memref<3072x512xf32, #tpu.memory_space<any>>
    %dma_start3A_539 = arith.constant 21504 : i32
    %dma_start3A_540 = arith.constant 0 : i32
    %dma_start3A_541 = tpu.memref_slice %arg2[%dma_start3A_539, %dma_start3A_540] : memref<24576x512xf32, #tpu.memory_space<vmem>> -> memref<3072x512xf32, #tpu.memory_space<vmem>>
    tpu.enqueue_dma source(%dma_start3A_541 : memref<3072x512xf32, #tpu.memory_space<vmem>>) target(%dma_start3A_538 : memref<3072x512xf32, #tpu.memory_space<any>>) target_semaphore(%arg3 : memref<!tpu.dma_semaphore, #tpu.memory_space<semaphore_mem>>)
    %dma_wait3A = arith.constant 0 : i32
    %dma_wait3A_542 = arith.constant 0 : i32
    %dma_wait3A_543 = arith.constant 0 : i32
    %dma_wait3A_544 = tpu.memref_slice %arg1[%dma_wait3A, %dma_wait3A_542, %dma_wait3A_543] : memref<4x24576x512xf32, #tpu.memory_space<any>> -> memref<1x3072x512xf32, #tpu.memory_space<any>>
    %dma_wait3A_545 = tpu.memref_squeeze %dma_wait3A_544 : memref<1x3072x512xf32, #tpu.memory_space<any>> -> memref<3072x512xf32, #tpu.memory_space<any>>
    %dma_wait3A_546 = arith.constant 0 : i32
    %dma_wait3A_547 = arith.constant 0 : i32
    %dma_wait3A_548 = tpu.memref_slice %arg2[%dma_wait3A_546, %dma_wait3A_547] : memref<24576x512xf32, #tpu.memory_space<vmem>> -> memref<3072x512xf32, #tpu.memory_space<vmem>>
    tpu.wait_dma2 semaphore(%arg3 : memref<!tpu.dma_semaphore, #tpu.memory_space<semaphore_mem>>) src(%dma_wait3A_548 : memref<3072x512xf32, #tpu.memory_space<vmem>>) dst(%dma_wait3A_545 : memref<3072x512xf32, #tpu.memory_space<any>>)
    %dma_wait3A_549 = arith.constant 1 : i32
    %dma_wait3A_550 = arith.constant 0 : i32
    %dma_wait3A_551 = arith.constant 0 : i32
    %dma_wait3A_552 = tpu.memref_slice %arg1[%dma_wait3A_549, %dma_wait3A_550, %dma_wait3A_551] : memref<4x24576x512xf32, #tpu.memory_space<any>> -> memref<1x3072x512xf32, #tpu.memory_space<any>>
    %dma_wait3A_553 = tpu.memref_squeeze %dma_wait3A_552 : memref<1x3072x512xf32, #tpu.memory_space<any>> -> memref<3072x512xf32, #tpu.memory_space<any>>
    %dma_wait3A_554 = arith.constant 0 : i32
    %dma_wait3A_555 = arith.constant 0 : i32
    %dma_wait3A_556 = tpu.memref_slice %arg2[%dma_wait3A_554, %dma_wait3A_555] : memref<24576x512xf32, #tpu.memory_space<vmem>> -> memref<3072x512xf32, #tpu.memory_space<vmem>>
    tpu.wait_dma2 semaphore(%arg3 : memref<!tpu.dma_semaphore, #tpu.memory_space<semaphore_mem>>) src(%dma_wait3A_556 : memref<3072x512xf32, #tpu.memory_space<vmem>>) dst(%dma_wait3A_553 : memref<3072x512xf32, #tpu.memory_space<any>>)
    %dma_wait3A_557 = arith.constant 2 : i32
    %dma_wait3A_558 = arith.constant 0 : i32
    %dma_wait3A_559 = arith.constant 0 : i32
    %dma_wait3A_560 = tpu.memref_slice %arg1[%dma_wait3A_557, %dma_wait3A_558, %dma_wait3A_559] : memref<4x24576x512xf32, #tpu.memory_space<any>> -> memref<1x3072x512xf32, #tpu.memory_space<any>>
    %dma_wait3A_561 = tpu.memref_squeeze %dma_wait3A_560 : memref<1x3072x512xf32, #tpu.memory_space<any>> -> memref<3072x512xf32, #tpu.memory_space<any>>
    %dma_wait3A_562 = arith.constant 0 : i32
    %dma_wait3A_563 = arith.constant 0 : i32
    %dma_wait3A_564 = tpu.memref_slice %arg2[%dma_wait3A_562, %dma_wait3A_563] : memref<24576x512xf32, #tpu.memory_space<vmem>> -> memref<3072x512xf32, #tpu.memory_space<vmem>>
    tpu.wait_dma2 semaphore(%arg3 : memref<!tpu.dma_semaphore, #tpu.memory_space<semaphore_mem>>) src(%dma_wait3A_564 : memref<3072x512xf32, #tpu.memory_space<vmem>>) dst(%dma_wait3A_561 : memref<3072x512xf32, #tpu.memory_space<any>>)
    %dma_wait3A_565 = arith.constant 3 : i32
    %dma_wait3A_566 = arith.constant 0 : i32
    %dma_wait3A_567 = arith.constant 0 : i32
    %dma_wait3A_568 = tpu.memref_slice %arg1[%dma_wait3A_565, %dma_wait3A_566, %dma_wait3A_567] : memref<4x24576x512xf32, #tpu.memory_space<any>> -> memref<1x3072x512xf32, #tpu.memory_space<any>>
    %dma_wait3A_569 = tpu.memref_squeeze %dma_wait3A_568 : memref<1x3072x512xf32, #tpu.memory_space<any>> -> memref<3072x512xf32, #tpu.memory_space<any>>
    %dma_wait3A_570 = arith.constant 0 : i32
    %dma_wait3A_571 = arith.constant 0 : i32
    %dma_wait3A_572 = tpu.memref_slice %arg2[%dma_wait3A_570, %dma_wait3A_571] : memref<24576x512xf32, #tpu.memory_space<vmem>> -> memref<3072x512xf32, #tpu.memory_space<vmem>>
    tpu.wait_dma2 semaphore(%arg3 : memref<!tpu.dma_semaphore, #tpu.memory_space<semaphore_mem>>) src(%dma_wait3A_572 : memref<3072x512xf32, #tpu.memory_space<vmem>>) dst(%dma_wait3A_569 : memref<3072x512xf32, #tpu.memory_space<any>>)
    %dma_wait3A_573 = arith.constant 0 : i32
    %dma_wait3A_574 = arith.constant 3072 : i32
    %dma_wait3A_575 = arith.constant 0 : i32
    %dma_wait3A_576 = tpu.memref_slice %arg1[%dma_wait3A_573, %dma_wait3A_574, %dma_wait3A_575] : memref<4x24576x512xf32, #tpu.memory_space<any>> -> memref<1x3072x512xf32, #tpu.memory_space<any>>
    %dma_wait3A_577 = tpu.memref_squeeze %dma_wait3A_576 : memref<1x3072x512xf32, #tpu.memory_space<any>> -> memref<3072x512xf32, #tpu.memory_space<any>>
    %dma_wait3A_578 = arith.constant 3072 : i32
    %dma_wait3A_579 = arith.constant 0 : i32
    %dma_wait3A_580 = tpu.memref_slice %arg2[%dma_wait3A_578, %dma_wait3A_579] : memref<24576x512xf32, #tpu.memory_space<vmem>> -> memref<3072x512xf32, #tpu.memory_space<vmem>>
    tpu.wait_dma2 semaphore(%arg3 : memref<!tpu.dma_semaphore, #tpu.memory_space<semaphore_mem>>) src(%dma_wait3A_580 : memref<3072x512xf32, #tpu.memory_space<vmem>>) dst(%dma_wait3A_577 : memref<3072x512xf32, #tpu.memory_space<any>>)
    %dma_wait3A_581 = arith.constant 1 : i32
    %dma_wait3A_582 = arith.constant 3072 : i32
    %dma_wait3A_583 = arith.constant 0 : i32
    %dma_wait3A_584 = tpu.memref_slice %arg1[%dma_wait3A_581, %dma_wait3A_582, %dma_wait3A_583] : memref<4x24576x512xf32, #tpu.memory_space<any>> -> memref<1x3072x512xf32, #tpu.memory_space<any>>
    %dma_wait3A_585 = tpu.memref_squeeze %dma_wait3A_584 : memref<1x3072x512xf32, #tpu.memory_space<any>> -> memref<3072x512xf32, #tpu.memory_space<any>>
    %dma_wait3A_586 = arith.constant 3072 : i32
    %dma_wait3A_587 = arith.constant 0 : i32
    %dma_wait3A_588 = tpu.memref_slice %arg2[%dma_wait3A_586, %dma_wait3A_587] : memref<24576x512xf32, #tpu.memory_space<vmem>> -> memref<3072x512xf32, #tpu.memory_space<vmem>>
    tpu.wait_dma2 semaphore(%arg3 : memref<!tpu.dma_semaphore, #tpu.memory_space<semaphore_mem>>) src(%dma_wait3A_588 : memref<3072x512xf32, #tpu.memory_space<vmem>>) dst(%dma_wait3A_585 : memref<3072x512xf32, #tpu.memory_space<any>>)
    %dma_wait3A_589 = arith.constant 2 : i32
    %dma_wait3A_590 = arith.constant 3072 : i32
    %dma_wait3A_591 = arith.constant 0 : i32
    %dma_wait3A_592 = tpu.memref_slice %arg1[%dma_wait3A_589, %dma_wait3A_590, %dma_wait3A_591] : memref<4x24576x512xf32, #tpu.memory_space<any>> -> memref<1x3072x512xf32, #tpu.memory_space<any>>
    %dma_wait3A_593 = tpu.memref_squeeze %dma_wait3A_592 : memref<1x3072x512xf32, #tpu.memory_space<any>> -> memref<3072x512xf32, #tpu.memory_space<any>>
    %dma_wait3A_594 = arith.constant 3072 : i32
    %dma_wait3A_595 = arith.constant 0 : i32
    %dma_wait3A_596 = tpu.memref_slice %arg2[%dma_wait3A_594, %dma_wait3A_595] : memref<24576x512xf32, #tpu.memory_space<vmem>> -> memref<3072x512xf32, #tpu.memory_space<vmem>>
    tpu.wait_dma2 semaphore(%arg3 : memref<!tpu.dma_semaphore, #tpu.memory_space<semaphore_mem>>) src(%dma_wait3A_596 : memref<3072x512xf32, #tpu.memory_space<vmem>>) dst(%dma_wait3A_593 : memref<3072x512xf32, #tpu.memory_space<any>>)
    %dma_wait3A_597 = arith.constant 3 : i32
    %dma_wait3A_598 = arith.constant 3072 : i32
    %dma_wait3A_599 = arith.constant 0 : i32
    %dma_wait3A_600 = tpu.memref_slice %arg1[%dma_wait3A_597, %dma_wait3A_598, %dma_wait3A_599] : memref<4x24576x512xf32, #tpu.memory_space<any>> -> memref<1x3072x512xf32, #tpu.memory_space<any>>
    %dma_wait3A_601 = tpu.memref_squeeze %dma_wait3A_600 : memref<1x3072x512xf32, #tpu.memory_space<any>> -> memref<3072x512xf32, #tpu.memory_space<any>>
    %dma_wait3A_602 = arith.constant 3072 : i32
    %dma_wait3A_603 = arith.constant 0 : i32
    %dma_wait3A_604 = tpu.memref_slice %arg2[%dma_wait3A_602, %dma_wait3A_603] : memref<24576x512xf32, #tpu.memory_space<vmem>> -> memref<3072x512xf32, #tpu.memory_space<vmem>>
    tpu.wait_dma2 semaphore(%arg3 : memref<!tpu.dma_semaphore, #tpu.memory_space<semaphore_mem>>) src(%dma_wait3A_604 : memref<3072x512xf32, #tpu.memory_space<vmem>>) dst(%dma_wait3A_601 : memref<3072x512xf32, #tpu.memory_space<any>>)
    %dma_wait3A_605 = arith.constant 0 : i32
    %dma_wait3A_606 = arith.constant 6144 : i32
    %dma_wait3A_607 = arith.constant 0 : i32
    %dma_wait3A_608 = tpu.memref_slice %arg1[%dma_wait3A_605, %dma_wait3A_606, %dma_wait3A_607] : memref<4x24576x512xf32, #tpu.memory_space<any>> -> memref<1x3072x512xf32, #tpu.memory_space<any>>
    %dma_wait3A_609 = tpu.memref_squeeze %dma_wait3A_608 : memref<1x3072x512xf32, #tpu.memory_space<any>> -> memref<3072x512xf32, #tpu.memory_space<any>>
    %dma_wait3A_610 = arith.constant 6144 : i32
    %dma_wait3A_611 = arith.constant 0 : i32
    %dma_wait3A_612 = tpu.memref_slice %arg2[%dma_wait3A_610, %dma_wait3A_611] : memref<24576x512xf32, #tpu.memory_space<vmem>> -> memref<3072x512xf32, #tpu.memory_space<vmem>>
    tpu.wait_dma2 semaphore(%arg3 : memref<!tpu.dma_semaphore, #tpu.memory_space<semaphore_mem>>) src(%dma_wait3A_612 : memref<3072x512xf32, #tpu.memory_space<vmem>>) dst(%dma_wait3A_609 : memref<3072x512xf32, #tpu.memory_space<any>>)
    %dma_wait3A_613 = arith.constant 1 : i32
    %dma_wait3A_614 = arith.constant 6144 : i32
    %dma_wait3A_615 = arith.constant 0 : i32
    %dma_wait3A_616 = tpu.memref_slice %arg1[%dma_wait3A_613, %dma_wait3A_614, %dma_wait3A_615] : memref<4x24576x512xf32, #tpu.memory_space<any>> -> memref<1x3072x512xf32, #tpu.memory_space<any>>
    %dma_wait3A_617 = tpu.memref_squeeze %dma_wait3A_616 : memref<1x3072x512xf32, #tpu.memory_space<any>> -> memref<3072x512xf32, #tpu.memory_space<any>>
    %dma_wait3A_618 = arith.constant 6144 : i32
    %dma_wait3A_619 = arith.constant 0 : i32
    %dma_wait3A_620 = tpu.memref_slice %arg2[%dma_wait3A_618, %dma_wait3A_619] : memref<24576x512xf32, #tpu.memory_space<vmem>> -> memref<3072x512xf32, #tpu.memory_space<vmem>>
    tpu.wait_dma2 semaphore(%arg3 : memref<!tpu.dma_semaphore, #tpu.memory_space<semaphore_mem>>) src(%dma_wait3A_620 : memref<3072x512xf32, #tpu.memory_space<vmem>>) dst(%dma_wait3A_617 : memref<3072x512xf32, #tpu.memory_space<any>>)
    %dma_wait3A_621 = arith.constant 2 : i32
    %dma_wait3A_622 = arith.constant 6144 : i32
    %dma_wait3A_623 = arith.constant 0 : i32
    %dma_wait3A_624 = tpu.memref_slice %arg1[%dma_wait3A_621, %dma_wait3A_622, %dma_wait3A_623] : memref<4x24576x512xf32, #tpu.memory_space<any>> -> memref<1x3072x512xf32, #tpu.memory_space<any>>
    %dma_wait3A_625 = tpu.memref_squeeze %dma_wait3A_624 : memref<1x3072x512xf32, #tpu.memory_space<any>> -> memref<3072x512xf32, #tpu.memory_space<any>>
    %dma_wait3A_626 = arith.constant 6144 : i32
    %dma_wait3A_627 = arith.constant 0 : i32
    %dma_wait3A_628 = tpu.memref_slice %arg2[%dma_wait3A_626, %dma_wait3A_627] : memref<24576x512xf32, #tpu.memory_space<vmem>> -> memref<3072x512xf32, #tpu.memory_space<vmem>>
    tpu.wait_dma2 semaphore(%arg3 : memref<!tpu.dma_semaphore, #tpu.memory_space<semaphore_mem>>) src(%dma_wait3A_628 : memref<3072x512xf32, #tpu.memory_space<vmem>>) dst(%dma_wait3A_625 : memref<3072x512xf32, #tpu.memory_space<any>>)
    %dma_wait3A_629 = arith.constant 3 : i32
    %dma_wait3A_630 = arith.constant 6144 : i32
    %dma_wait3A_631 = arith.constant 0 : i32
    %dma_wait3A_632 = tpu.memref_slice %arg1[%dma_wait3A_629, %dma_wait3A_630, %dma_wait3A_631] : memref<4x24576x512xf32, #tpu.memory_space<any>> -> memref<1x3072x512xf32, #tpu.memory_space<any>>
    %dma_wait3A_633 = tpu.memref_squeeze %dma_wait3A_632 : memref<1x3072x512xf32, #tpu.memory_space<any>> -> memref<3072x512xf32, #tpu.memory_space<any>>
    %dma_wait3A_634 = arith.constant 6144 : i32
    %dma_wait3A_635 = arith.constant 0 : i32
    %dma_wait3A_636 = tpu.memref_slice %arg2[%dma_wait3A_634, %dma_wait3A_635] : memref<24576x512xf32, #tpu.memory_space<vmem>> -> memref<3072x512xf32, #tpu.memory_space<vmem>>
    tpu.wait_dma2 semaphore(%arg3 : memref<!tpu.dma_semaphore, #tpu.memory_space<semaphore_mem>>) src(%dma_wait3A_636 : memref<3072x512xf32, #tpu.memory_space<vmem>>) dst(%dma_wait3A_633 : memref<3072x512xf32, #tpu.memory_space<any>>)
    %dma_wait3A_637 = arith.constant 0 : i32
    %dma_wait3A_638 = arith.constant 9216 : i32
    %dma_wait3A_639 = arith.constant 0 : i32
    %dma_wait3A_640 = tpu.memref_slice %arg1[%dma_wait3A_637, %dma_wait3A_638, %dma_wait3A_639] : memref<4x24576x512xf32, #tpu.memory_space<any>> -> memref<1x3072x512xf32, #tpu.memory_space<any>>
    %dma_wait3A_641 = tpu.memref_squeeze %dma_wait3A_640 : memref<1x3072x512xf32, #tpu.memory_space<any>> -> memref<3072x512xf32, #tpu.memory_space<any>>
    %dma_wait3A_642 = arith.constant 9216 : i32
    %dma_wait3A_643 = arith.constant 0 : i32
    %dma_wait3A_644 = tpu.memref_slice %arg2[%dma_wait3A_642, %dma_wait3A_643] : memref<24576x512xf32, #tpu.memory_space<vmem>> -> memref<3072x512xf32, #tpu.memory_space<vmem>>
    tpu.wait_dma2 semaphore(%arg3 : memref<!tpu.dma_semaphore, #tpu.memory_space<semaphore_mem>>) src(%dma_wait3A_644 : memref<3072x512xf32, #tpu.memory_space<vmem>>) dst(%dma_wait3A_641 : memref<3072x512xf32, #tpu.memory_space<any>>)
    %dma_wait3A_645 = arith.constant 1 : i32
    %dma_wait3A_646 = arith.constant 9216 : i32
    %dma_wait3A_647 = arith.constant 0 : i32
    %dma_wait3A_648 = tpu.memref_slice %arg1[%dma_wait3A_645, %dma_wait3A_646, %dma_wait3A_647] : memref<4x24576x512xf32, #tpu.memory_space<any>> -> memref<1x3072x512xf32, #tpu.memory_space<any>>
    %dma_wait3A_649 = tpu.memref_squeeze %dma_wait3A_648 : memref<1x3072x512xf32, #tpu.memory_space<any>> -> memref<3072x512xf32, #tpu.memory_space<any>>
    %dma_wait3A_650 = arith.constant 9216 : i32
    %dma_wait3A_651 = arith.constant 0 : i32
    %dma_wait3A_652 = tpu.memref_slice %arg2[%dma_wait3A_650, %dma_wait3A_651] : memref<24576x512xf32, #tpu.memory_space<vmem>> -> memref<3072x512xf32, #tpu.memory_space<vmem>>
    tpu.wait_dma2 semaphore(%arg3 : memref<!tpu.dma_semaphore, #tpu.memory_space<semaphore_mem>>) src(%dma_wait3A_652 : memref<3072x512xf32, #tpu.memory_space<vmem>>) dst(%dma_wait3A_649 : memref<3072x512xf32, #tpu.memory_space<any>>)
    %dma_wait3A_653 = arith.constant 2 : i32
    %dma_wait3A_654 = arith.constant 9216 : i32
    %dma_wait3A_655 = arith.constant 0 : i32
    %dma_wait3A_656 = tpu.memref_slice %arg1[%dma_wait3A_653, %dma_wait3A_654, %dma_wait3A_655] : memref<4x24576x512xf32, #tpu.memory_space<any>> -> memref<1x3072x512xf32, #tpu.memory_space<any>>
    %dma_wait3A_657 = tpu.memref_squeeze %dma_wait3A_656 : memref<1x3072x512xf32, #tpu.memory_space<any>> -> memref<3072x512xf32, #tpu.memory_space<any>>
    %dma_wait3A_658 = arith.constant 9216 : i32
    %dma_wait3A_659 = arith.constant 0 : i32
    %dma_wait3A_660 = tpu.memref_slice %arg2[%dma_wait3A_658, %dma_wait3A_659] : memref<24576x512xf32, #tpu.memory_space<vmem>> -> memref<3072x512xf32, #tpu.memory_space<vmem>>
    tpu.wait_dma2 semaphore(%arg3 : memref<!tpu.dma_semaphore, #tpu.memory_space<semaphore_mem>>) src(%dma_wait3A_660 : memref<3072x512xf32, #tpu.memory_space<vmem>>) dst(%dma_wait3A_657 : memref<3072x512xf32, #tpu.memory_space<any>>)
    %dma_wait3A_661 = arith.constant 3 : i32
    %dma_wait3A_662 = arith.constant 9216 : i32
    %dma_wait3A_663 = arith.constant 0 : i32
    %dma_wait3A_664 = tpu.memref_slice %arg1[%dma_wait3A_661, %dma_wait3A_662, %dma_wait3A_663] : memref<4x24576x512xf32, #tpu.memory_space<any>> -> memref<1x3072x512xf32, #tpu.memory_space<any>>
    %dma_wait3A_665 = tpu.memref_squeeze %dma_wait3A_664 : memref<1x3072x512xf32, #tpu.memory_space<any>> -> memref<3072x512xf32, #tpu.memory_space<any>>
    %dma_wait3A_666 = arith.constant 9216 : i32
    %dma_wait3A_667 = arith.constant 0 : i32
    %dma_wait3A_668 = tpu.memref_slice %arg2[%dma_wait3A_666, %dma_wait3A_667] : memref<24576x512xf32, #tpu.memory_space<vmem>> -> memref<3072x512xf32, #tpu.memory_space<vmem>>
    tpu.wait_dma2 semaphore(%arg3 : memref<!tpu.dma_semaphore, #tpu.memory_space<semaphore_mem>>) src(%dma_wait3A_668 : memref<3072x512xf32, #tpu.memory_space<vmem>>) dst(%dma_wait3A_665 : memref<3072x512xf32, #tpu.memory_space<any>>)
    %dma_wait3A_669 = arith.constant 0 : i32
    %dma_wait3A_670 = arith.constant 12288 : i32
    %dma_wait3A_671 = arith.constant 0 : i32
    %dma_wait3A_672 = tpu.memref_slice %arg1[%dma_wait3A_669, %dma_wait3A_670, %dma_wait3A_671] : memref<4x24576x512xf32, #tpu.memory_space<any>> -> memref<1x3072x512xf32, #tpu.memory_space<any>>
    %dma_wait3A_673 = tpu.memref_squeeze %dma_wait3A_672 : memref<1x3072x512xf32, #tpu.memory_space<any>> -> memref<3072x512xf32, #tpu.memory_space<any>>
    %dma_wait3A_674 = arith.constant 12288 : i32
    %dma_wait3A_675 = arith.constant 0 : i32
    %dma_wait3A_676 = tpu.memref_slice %arg2[%dma_wait3A_674, %dma_wait3A_675] : memref<24576x512xf32, #tpu.memory_space<vmem>> -> memref<3072x512xf32, #tpu.memory_space<vmem>>
    tpu.wait_dma2 semaphore(%arg3 : memref<!tpu.dma_semaphore, #tpu.memory_space<semaphore_mem>>) src(%dma_wait3A_676 : memref<3072x512xf32, #tpu.memory_space<vmem>>) dst(%dma_wait3A_673 : memref<3072x512xf32, #tpu.memory_space<any>>)
    %dma_wait3A_677 = arith.constant 1 : i32
    %dma_wait3A_678 = arith.constant 12288 : i32
    %dma_wait3A_679 = arith.constant 0 : i32
    %dma_wait3A_680 = tpu.memref_slice %arg1[%dma_wait3A_677, %dma_wait3A_678, %dma_wait3A_679] : memref<4x24576x512xf32, #tpu.memory_space<any>> -> memref<1x3072x512xf32, #tpu.memory_space<any>>
    %dma_wait3A_681 = tpu.memref_squeeze %dma_wait3A_680 : memref<1x3072x512xf32, #tpu.memory_space<any>> -> memref<3072x512xf32, #tpu.memory_space<any>>
    %dma_wait3A_682 = arith.constant 12288 : i32
    %dma_wait3A_683 = arith.constant 0 : i32
    %dma_wait3A_684 = tpu.memref_slice %arg2[%dma_wait3A_682, %dma_wait3A_683] : memref<24576x512xf32, #tpu.memory_space<vmem>> -> memref<3072x512xf32, #tpu.memory_space<vmem>>
    tpu.wait_dma2 semaphore(%arg3 : memref<!tpu.dma_semaphore, #tpu.memory_space<semaphore_mem>>) src(%dma_wait3A_684 : memref<3072x512xf32, #tpu.memory_space<vmem>>) dst(%dma_wait3A_681 : memref<3072x512xf32, #tpu.memory_space<any>>)
    %dma_wait3A_685 = arith.constant 2 : i32
    %dma_wait3A_686 = arith.constant 12288 : i32
    %dma_wait3A_687 = arith.constant 0 : i32
    %dma_wait3A_688 = tpu.memref_slice %arg1[%dma_wait3A_685, %dma_wait3A_686, %dma_wait3A_687] : memref<4x24576x512xf32, #tpu.memory_space<any>> -> memref<1x3072x512xf32, #tpu.memory_space<any>>
    %dma_wait3A_689 = tpu.memref_squeeze %dma_wait3A_688 : memref<1x3072x512xf32, #tpu.memory_space<any>> -> memref<3072x512xf32, #tpu.memory_space<any>>
    %dma_wait3A_690 = arith.constant 12288 : i32
    %dma_wait3A_691 = arith.constant 0 : i32
    %dma_wait3A_692 = tpu.memref_slice %arg2[%dma_wait3A_690, %dma_wait3A_691] : memref<24576x512xf32, #tpu.memory_space<vmem>> -> memref<3072x512xf32, #tpu.memory_space<vmem>>
    tpu.wait_dma2 semaphore(%arg3 : memref<!tpu.dma_semaphore, #tpu.memory_space<semaphore_mem>>) src(%dma_wait3A_692 : memref<3072x512xf32, #tpu.memory_space<vmem>>) dst(%dma_wait3A_689 : memref<3072x512xf32, #tpu.memory_space<any>>)
    %dma_wait3A_693 = arith.constant 3 : i32
    %dma_wait3A_694 = arith.constant 12288 : i32
    %dma_wait3A_695 = arith.constant 0 : i32
    %dma_wait3A_696 = tpu.memref_slice %arg1[%dma_wait3A_693, %dma_wait3A_694, %dma_wait3A_695] : memref<4x24576x512xf32, #tpu.memory_space<any>> -> memref<1x3072x512xf32, #tpu.memory_space<any>>
    %dma_wait3A_697 = tpu.memref_squeeze %dma_wait3A_696 : memref<1x3072x512xf32, #tpu.memory_space<any>> -> memref<3072x512xf32, #tpu.memory_space<any>>
    %dma_wait3A_698 = arith.constant 12288 : i32
    %dma_wait3A_699 = arith.constant 0 : i32
    %dma_wait3A_700 = tpu.memref_slice %arg2[%dma_wait3A_698, %dma_wait3A_699] : memref<24576x512xf32, #tpu.memory_space<vmem>> -> memref<3072x512xf32, #tpu.memory_space<vmem>>
    tpu.wait_dma2 semaphore(%arg3 : memref<!tpu.dma_semaphore, #tpu.memory_space<semaphore_mem>>) src(%dma_wait3A_700 : memref<3072x512xf32, #tpu.memory_space<vmem>>) dst(%dma_wait3A_697 : memref<3072x512xf32, #tpu.memory_space<any>>)
    %dma_wait3A_701 = arith.constant 0 : i32
    %dma_wait3A_702 = arith.constant 15360 : i32
    %dma_wait3A_703 = arith.constant 0 : i32
    %dma_wait3A_704 = tpu.memref_slice %arg1[%dma_wait3A_701, %dma_wait3A_702, %dma_wait3A_703] : memref<4x24576x512xf32, #tpu.memory_space<any>> -> memref<1x3072x512xf32, #tpu.memory_space<any>>
    %dma_wait3A_705 = tpu.memref_squeeze %dma_wait3A_704 : memref<1x3072x512xf32, #tpu.memory_space<any>> -> memref<3072x512xf32, #tpu.memory_space<any>>
    %dma_wait3A_706 = arith.constant 15360 : i32
    %dma_wait3A_707 = arith.constant 0 : i32
    %dma_wait3A_708 = tpu.memref_slice %arg2[%dma_wait3A_706, %dma_wait3A_707] : memref<24576x512xf32, #tpu.memory_space<vmem>> -> memref<3072x512xf32, #tpu.memory_space<vmem>>
    tpu.wait_dma2 semaphore(%arg3 : memref<!tpu.dma_semaphore, #tpu.memory_space<semaphore_mem>>) src(%dma_wait3A_708 : memref<3072x512xf32, #tpu.memory_space<vmem>>) dst(%dma_wait3A_705 : memref<3072x512xf32, #tpu.memory_space<any>>)
    %dma_wait3A_709 = arith.constant 1 : i32
    %dma_wait3A_710 = arith.constant 15360 : i32
    %dma_wait3A_711 = arith.constant 0 : i32
    %dma_wait3A_712 = tpu.memref_slice %arg1[%dma_wait3A_709, %dma_wait3A_710, %dma_wait3A_711] : memref<4x24576x512xf32, #tpu.memory_space<any>> -> memref<1x3072x512xf32, #tpu.memory_space<any>>
    %dma_wait3A_713 = tpu.memref_squeeze %dma_wait3A_712 : memref<1x3072x512xf32, #tpu.memory_space<any>> -> memref<3072x512xf32, #tpu.memory_space<any>>
    %dma_wait3A_714 = arith.constant 15360 : i32
    %dma_wait3A_715 = arith.constant 0 : i32
    %dma_wait3A_716 = tpu.memref_slice %arg2[%dma_wait3A_714, %dma_wait3A_715] : memref<24576x512xf32, #tpu.memory_space<vmem>> -> memref<3072x512xf32, #tpu.memory_space<vmem>>
    tpu.wait_dma2 semaphore(%arg3 : memref<!tpu.dma_semaphore, #tpu.memory_space<semaphore_mem>>) src(%dma_wait3A_716 : memref<3072x512xf32, #tpu.memory_space<vmem>>) dst(%dma_wait3A_713 : memref<3072x512xf32, #tpu.memory_space<any>>)
    %dma_wait3A_717 = arith.constant 2 : i32
    %dma_wait3A_718 = arith.constant 15360 : i32
    %dma_wait3A_719 = arith.constant 0 : i32
    %dma_wait3A_720 = tpu.memref_slice %arg1[%dma_wait3A_717, %dma_wait3A_718, %dma_wait3A_719] : memref<4x24576x512xf32, #tpu.memory_space<any>> -> memref<1x3072x512xf32, #tpu.memory_space<any>>
    %dma_wait3A_721 = tpu.memref_squeeze %dma_wait3A_720 : memref<1x3072x512xf32, #tpu.memory_space<any>> -> memref<3072x512xf32, #tpu.memory_space<any>>
    %dma_wait3A_722 = arith.constant 15360 : i32
    %dma_wait3A_723 = arith.constant 0 : i32
    %dma_wait3A_724 = tpu.memref_slice %arg2[%dma_wait3A_722, %dma_wait3A_723] : memref<24576x512xf32, #tpu.memory_space<vmem>> -> memref<3072x512xf32, #tpu.memory_space<vmem>>
    tpu.wait_dma2 semaphore(%arg3 : memref<!tpu.dma_semaphore, #tpu.memory_space<semaphore_mem>>) src(%dma_wait3A_724 : memref<3072x512xf32, #tpu.memory_space<vmem>>) dst(%dma_wait3A_721 : memref<3072x512xf32, #tpu.memory_space<any>>)
    %dma_wait3A_725 = arith.constant 3 : i32
    %dma_wait3A_726 = arith.constant 15360 : i32
    %dma_wait3A_727 = arith.constant 0 : i32
    %dma_wait3A_728 = tpu.memref_slice %arg1[%dma_wait3A_725, %dma_wait3A_726, %dma_wait3A_727] : memref<4x24576x512xf32, #tpu.memory_space<any>> -> memref<1x3072x512xf32, #tpu.memory_space<any>>
    %dma_wait3A_729 = tpu.memref_squeeze %dma_wait3A_728 : memref<1x3072x512xf32, #tpu.memory_space<any>> -> memref<3072x512xf32, #tpu.memory_space<any>>
    %dma_wait3A_730 = arith.constant 15360 : i32
    %dma_wait3A_731 = arith.constant 0 : i32
    %dma_wait3A_732 = tpu.memref_slice %arg2[%dma_wait3A_730, %dma_wait3A_731] : memref<24576x512xf32, #tpu.memory_space<vmem>> -> memref<3072x512xf32, #tpu.memory_space<vmem>>
    tpu.wait_dma2 semaphore(%arg3 : memref<!tpu.dma_semaphore, #tpu.memory_space<semaphore_mem>>) src(%dma_wait3A_732 : memref<3072x512xf32, #tpu.memory_space<vmem>>) dst(%dma_wait3A_729 : memref<3072x512xf32, #tpu.memory_space<any>>)
    %dma_wait3A_733 = arith.constant 0 : i32
    %dma_wait3A_734 = arith.constant 18432 : i32
    %dma_wait3A_735 = arith.constant 0 : i32
    %dma_wait3A_736 = tpu.memref_slice %arg1[%dma_wait3A_733, %dma_wait3A_734, %dma_wait3A_735] : memref<4x24576x512xf32, #tpu.memory_space<any>> -> memref<1x3072x512xf32, #tpu.memory_space<any>>
    %dma_wait3A_737 = tpu.memref_squeeze %dma_wait3A_736 : memref<1x3072x512xf32, #tpu.memory_space<any>> -> memref<3072x512xf32, #tpu.memory_space<any>>
    %dma_wait3A_738 = arith.constant 18432 : i32
    %dma_wait3A_739 = arith.constant 0 : i32
    %dma_wait3A_740 = tpu.memref_slice %arg2[%dma_wait3A_738, %dma_wait3A_739] : memref<24576x512xf32, #tpu.memory_space<vmem>> -> memref<3072x512xf32, #tpu.memory_space<vmem>>
    tpu.wait_dma2 semaphore(%arg3 : memref<!tpu.dma_semaphore, #tpu.memory_space<semaphore_mem>>) src(%dma_wait3A_740 : memref<3072x512xf32, #tpu.memory_space<vmem>>) dst(%dma_wait3A_737 : memref<3072x512xf32, #tpu.memory_space<any>>)
    %dma_wait3A_741 = arith.constant 1 : i32
    %dma_wait3A_742 = arith.constant 18432 : i32
    %dma_wait3A_743 = arith.constant 0 : i32
    %dma_wait3A_744 = tpu.memref_slice %arg1[%dma_wait3A_741, %dma_wait3A_742, %dma_wait3A_743] : memref<4x24576x512xf32, #tpu.memory_space<any>> -> memref<1x3072x512xf32, #tpu.memory_space<any>>
    %dma_wait3A_745 = tpu.memref_squeeze %dma_wait3A_744 : memref<1x3072x512xf32, #tpu.memory_space<any>> -> memref<3072x512xf32, #tpu.memory_space<any>>
    %dma_wait3A_746 = arith.constant 18432 : i32
    %dma_wait3A_747 = arith.constant 0 : i32
    %dma_wait3A_748 = tpu.memref_slice %arg2[%dma_wait3A_746, %dma_wait3A_747] : memref<24576x512xf32, #tpu.memory_space<vmem>> -> memref<3072x512xf32, #tpu.memory_space<vmem>>
    tpu.wait_dma2 semaphore(%arg3 : memref<!tpu.dma_semaphore, #tpu.memory_space<semaphore_mem>>) src(%dma_wait3A_748 : memref<3072x512xf32, #tpu.memory_space<vmem>>) dst(%dma_wait3A_745 : memref<3072x512xf32, #tpu.memory_space<any>>)
    %dma_wait3A_749 = arith.constant 2 : i32
    %dma_wait3A_750 = arith.constant 18432 : i32
    %dma_wait3A_751 = arith.constant 0 : i32
    %dma_wait3A_752 = tpu.memref_slice %arg1[%dma_wait3A_749, %dma_wait3A_750, %dma_wait3A_751] : memref<4x24576x512xf32, #tpu.memory_space<any>> -> memref<1x3072x512xf32, #tpu.memory_space<any>>
    %dma_wait3A_753 = tpu.memref_squeeze %dma_wait3A_752 : memref<1x3072x512xf32, #tpu.memory_space<any>> -> memref<3072x512xf32, #tpu.memory_space<any>>
    %dma_wait3A_754 = arith.constant 18432 : i32
    %dma_wait3A_755 = arith.constant 0 : i32
    %dma_wait3A_756 = tpu.memref_slice %arg2[%dma_wait3A_754, %dma_wait3A_755] : memref<24576x512xf32, #tpu.memory_space<vmem>> -> memref<3072x512xf32, #tpu.memory_space<vmem>>
    tpu.wait_dma2 semaphore(%arg3 : memref<!tpu.dma_semaphore, #tpu.memory_space<semaphore_mem>>) src(%dma_wait3A_756 : memref<3072x512xf32, #tpu.memory_space<vmem>>) dst(%dma_wait3A_753 : memref<3072x512xf32, #tpu.memory_space<any>>)
    %dma_wait3A_757 = arith.constant 3 : i32
    %dma_wait3A_758 = arith.constant 18432 : i32
    %dma_wait3A_759 = arith.constant 0 : i32
    %dma_wait3A_760 = tpu.memref_slice %arg1[%dma_wait3A_757, %dma_wait3A_758, %dma_wait3A_759] : memref<4x24576x512xf32, #tpu.memory_space<any>> -> memref<1x3072x512xf32, #tpu.memory_space<any>>
    %dma_wait3A_761 = tpu.memref_squeeze %dma_wait3A_760 : memref<1x3072x512xf32, #tpu.memory_space<any>> -> memref<3072x512xf32, #tpu.memory_space<any>>
    %dma_wait3A_762 = arith.constant 18432 : i32
    %dma_wait3A_763 = arith.constant 0 : i32
    %dma_wait3A_764 = tpu.memref_slice %arg2[%dma_wait3A_762, %dma_wait3A_763] : memref<24576x512xf32, #tpu.memory_space<vmem>> -> memref<3072x512xf32, #tpu.memory_space<vmem>>
    tpu.wait_dma2 semaphore(%arg3 : memref<!tpu.dma_semaphore, #tpu.memory_space<semaphore_mem>>) src(%dma_wait3A_764 : memref<3072x512xf32, #tpu.memory_space<vmem>>) dst(%dma_wait3A_761 : memref<3072x512xf32, #tpu.memory_space<any>>)
    %dma_wait3A_765 = arith.constant 0 : i32
    %dma_wait3A_766 = arith.constant 21504 : i32
    %dma_wait3A_767 = arith.constant 0 : i32
    %dma_wait3A_768 = tpu.memref_slice %arg1[%dma_wait3A_765, %dma_wait3A_766, %dma_wait3A_767] : memref<4x24576x512xf32, #tpu.memory_space<any>> -> memref<1x3072x512xf32, #tpu.memory_space<any>>
    %dma_wait3A_769 = tpu.memref_squeeze %dma_wait3A_768 : memref<1x3072x512xf32, #tpu.memory_space<any>> -> memref<3072x512xf32, #tpu.memory_space<any>>
    %dma_wait3A_770 = arith.constant 21504 : i32
    %dma_wait3A_771 = arith.constant 0 : i32
    %dma_wait3A_772 = tpu.memref_slice %arg2[%dma_wait3A_770, %dma_wait3A_771] : memref<24576x512xf32, #tpu.memory_space<vmem>> -> memref<3072x512xf32, #tpu.memory_space<vmem>>
    tpu.wait_dma2 semaphore(%arg3 : memref<!tpu.dma_semaphore, #tpu.memory_space<semaphore_mem>>) src(%dma_wait3A_772 : memref<3072x512xf32, #tpu.memory_space<vmem>>) dst(%dma_wait3A_769 : memref<3072x512xf32, #tpu.memory_space<any>>)
    %dma_wait3A_773 = arith.constant 1 : i32
    %dma_wait3A_774 = arith.constant 21504 : i32
    %dma_wait3A_775 = arith.constant 0 : i32
    %dma_wait3A_776 = tpu.memref_slice %arg1[%dma_wait3A_773, %dma_wait3A_774, %dma_wait3A_775] : memref<4x24576x512xf32, #tpu.memory_space<any>> -> memref<1x3072x512xf32, #tpu.memory_space<any>>
    %dma_wait3A_777 = tpu.memref_squeeze %dma_wait3A_776 : memref<1x3072x512xf32, #tpu.memory_space<any>> -> memref<3072x512xf32, #tpu.memory_space<any>>
    %dma_wait3A_778 = arith.constant 21504 : i32
    %dma_wait3A_779 = arith.constant 0 : i32
    %dma_wait3A_780 = tpu.memref_slice %arg2[%dma_wait3A_778, %dma_wait3A_779] : memref<24576x512xf32, #tpu.memory_space<vmem>> -> memref<3072x512xf32, #tpu.memory_space<vmem>>
    tpu.wait_dma2 semaphore(%arg3 : memref<!tpu.dma_semaphore, #tpu.memory_space<semaphore_mem>>) src(%dma_wait3A_780 : memref<3072x512xf32, #tpu.memory_space<vmem>>) dst(%dma_wait3A_777 : memref<3072x512xf32, #tpu.memory_space<any>>)
    %dma_wait3A_781 = arith.constant 2 : i32
    %dma_wait3A_782 = arith.constant 21504 : i32
    %dma_wait3A_783 = arith.constant 0 : i32
    %dma_wait3A_784 = tpu.memref_slice %arg1[%dma_wait3A_781, %dma_wait3A_782, %dma_wait3A_783] : memref<4x24576x512xf32, #tpu.memory_space<any>> -> memref<1x3072x512xf32, #tpu.memory_space<any>>
    %dma_wait3A_785 = tpu.memref_squeeze %dma_wait3A_784 : memref<1x3072x512xf32, #tpu.memory_space<any>> -> memref<3072x512xf32, #tpu.memory_space<any>>
    %dma_wait3A_786 = arith.constant 21504 : i32
    %dma_wait3A_787 = arith.constant 0 : i32
    %dma_wait3A_788 = tpu.memref_slice %arg2[%dma_wait3A_786, %dma_wait3A_787] : memref<24576x512xf32, #tpu.memory_space<vmem>> -> memref<3072x512xf32, #tpu.memory_space<vmem>>
    tpu.wait_dma2 semaphore(%arg3 : memref<!tpu.dma_semaphore, #tpu.memory_space<semaphore_mem>>) src(%dma_wait3A_788 : memref<3072x512xf32, #tpu.memory_space<vmem>>) dst(%dma_wait3A_785 : memref<3072x512xf32, #tpu.memory_space<any>>)
    %dma_wait3A_789 = arith.constant 3 : i32
    %dma_wait3A_790 = arith.constant 21504 : i32
    %dma_wait3A_791 = arith.constant 0 : i32
    %dma_wait3A_792 = tpu.memref_slice %arg1[%dma_wait3A_789, %dma_wait3A_790, %dma_wait3A_791] : memref<4x24576x512xf32, #tpu.memory_space<any>> -> memref<1x3072x512xf32, #tpu.memory_space<any>>
    %dma_wait3A_793 = tpu.memref_squeeze %dma_wait3A_792 : memref<1x3072x512xf32, #tpu.memory_space<any>> -> memref<3072x512xf32, #tpu.memory_space<any>>
    %dma_wait3A_794 = arith.constant 21504 : i32
    %dma_wait3A_795 = arith.constant 0 : i32
    %dma_wait3A_796 = tpu.memref_slice %arg2[%dma_wait3A_794, %dma_wait3A_795] : memref<24576x512xf32, #tpu.memory_space<vmem>> -> memref<3072x512xf32, #tpu.memory_space<vmem>>
    tpu.wait_dma2 semaphore(%arg3 : memref<!tpu.dma_semaphore, #tpu.memory_space<semaphore_mem>>) src(%dma_wait3A_796 : memref<3072x512xf32, #tpu.memory_space<vmem>>) dst(%dma_wait3A_793 : memref<3072x512xf32, #tpu.memory_space<any>>)
    return
  }
}

</mosaic_0001>

<sc_bundles>
// kernel: kernel.4.cloned.1.call-start
scs
__scs_entry_jumppad:
0x0: {  	(pc) =	sbr.rel $0x88, $3  }
0x1: {  	(tag) =	ssettag $0x0;
	lr =	simm.s32 $0x1  }
0x2: {  	[smem:$0x3FA0] =	sst lr;
	_ =	strace $0xD0000000  }
0x3: {  	_ = 	snop  }
0x4: {  	_ = 	snop  }
0x5: {  	_ = 	snop  }
0x6: {  	_ = 	snop  }
0x7: {  	_ = 	snop  }
__scs_overlays_trampoline_lowered:
0x8: {  	[smem:$0x3FAF] =	sst s0  }
0x9: {  	[smem:$0x3FB0] =	sst s1  }
0xa: {  	[smem:$0x3FB1] =	sst s2  }
0xb: {  	[smem:$0x3FB2] =	sst s3  }
0xc: {  	[smem:$0x3FB3] =	sst s4  }
0xd: {  	[smem:$0x3FB4] =	sst s5  }
0xe: {  	[smem:$0x3FB5] =	sst s6  }
0xf: {  	[smem:$0x3FB6] =	sst s7  }
0x10: {  	[smem:$0x3FB7] =	sst s8  }
0x11: {  	[smem:$0x3FB8] =	sst s9;
	s0 =	simm.s32 @!p0 $0x0  }
0x12: {  	s1 =	sld [smem:$0x3F9E];
	s0 =	simm.s32 @p0 $0x1  }
0x13: {  	[smem:$0x3FB9] =	sst s0;
	s0 =	simm.s32 @!p1 $0x0  }
0x14: {  	s2 =	sld [smem:$0x3F9D];
	s0 =	simm.s32 @p1 $0x1  }
0x15: {  	[smem:$0x3FBA] =	sst s0;
	s0 =	simm.s32 @!p2 $0x0  }
0x16: {  	s3 =	sld [smem:$0x3FDB];
	s0 =	simm.s32 @p2 $0x1  }
0x17: {  	s4 =	simm.s32 $0x1BF5;
	[smem:$0x3FBC] =	sst s0  }
0x18: {  	s0 =	sld [smem:$0x3F9F];
	_ =	swait.ge [sflag:s4], $0x0  }
0x19: {  	s7 =	sld [smem:$0x3FA0]  }
0x1a: {  	s8 =	sadd.s32 $0xFFFFE003, lr  }
0x1b: {  	s9 =	sadd.s32 $0xFFFFFEF7, lr;
	s5 =	simm.s32 $0xFFFFFFFF;
	p2 =	slt.u32 s8, $0xFFFFF086  }
0x1c: {  	p1 =	slt.u32 s9, $0xF7A;
	s5 =	simm.s32 @!p2 $0x0  }
0x1d: {  	s5 =	simm.s32 @p1 $0x1;
	p0 =	seq.s32 s7, s2  }
0x1e: {  	s7 =	smul.u32 @!p0 $0xF7A, s2;
	p2 =	seq.s32 @!p0 s5, $0x0  }
0x1f: {  	s9 =	smul.u32 $0xF7A, s1;
	s8 =	simm.s32 @!p0 $0x1BF5;
	p2 =	por !p2, p0  }
0x20: {  	[sflag:s8] =	ssyncset.s32 @!p0 $0xFFFFF086;
	s6 =	sadd.s32 @!p0 s3, s7;
	s7 =	simm.s32 @!p0 $0x108  }
0x21: {  	s3 =	sadd.s32 s3, s9;
	s6 =	sadd.s32 @!p0 $0x88, s6;
	s7 =	simm.s32 @p2 $0x1082  }
0x22: {  	[simem:s7], [sflag:s8] =	dma.local @!p0 [hbm:s6], $0xF7A  }
0x23: {  	s9 =	sor.u32 $0xD0000000, s2;
	s6 =	simm.s32 $0x108;
	_ =	swait.ge @!p0 [sflag:s8], $0x0  }
0x24: {  	s3 =	sadd.s32 $0x88, s3;
	s6 =	simm.s32 @!p1 $0x1082;
	[sflag:s4] =	ssyncset.s32 $0xFFFFF086  }
0x25: {  	[simem:s6], [sflag:s4] =	dma.local [hbm:s3], $0xF7A  }
0x26: {  	[smem:$0x3FA0] =	sst s1;
	(tag) =	ssettag s2;
	_ =	strace s9  }
0x27: {  	s1 =	sld [smem:$0x3FB0]  }
0x28: {  	s2 =	sld [smem:$0x3FB1]  }
0x29: {  	s4 =	sld [smem:$0x3FB3]  }
0x2a: {  	p0 =	seq.s32 s5, $0x0;
	s5 =	sld [smem:$0x3FB4]  }
0x2b: {  	s6 =	sld [smem:$0x3FB5]  }
0x2c: {  	s7 =	sld [smem:$0x3FB6]  }
0x2d: {  	s3 =	simm.s32 $0x108;
	s8 =	sld [smem:$0x3FB7]  }
0x2e: {  	s3 =	simm.s32 @!p0 $0x1082;
	s9 =	sld [smem:$0x3FB8]  }
0x2f: {  	lr =	sadd.s32 s0, s3;
	s0 =	sld [smem:$0x3FAF]  }
0x30: {  	s3 =	sld [smem:$0x3FB2]  }
0x31: {  	[smem:$0x3FBB] =	sst s10  }
0x32: {  	s10 =	sld [smem:$0x3FB9];
	_ =	sdelay $0x3  }
0x33: {  	p0 =	seq.s32 s10, $0x1;
	s10 =	sld [smem:$0x3FBB];
	_ =	sdelay $0x3  }
0x34: {  	[smem:$0x3FBB] =	sst s10  }
0x35: {  	s10 =	sld [smem:$0x3FBA];
	_ =	sdelay $0x3  }
0x36: {  	p1 =	seq.s32 s10, $0x1;
	s10 =	sld [smem:$0x3FBB];
	_ =	sdelay $0x3  }
0x37: {  	[smem:$0x3FBB] =	sst s10  }
0x38: {  	s10 =	sld [smem:$0x3FBC]  }
0x39: {  	_ = 	snop;
	(pc) =	sbr.ind lr, $3  }
0x3a: {  	_ = 	snop  }
0x3b: {  	_ = 	snop  }
0x3c: {  	p2 =	seq.s32 s10, $0x1;
	s10 =	sld [smem:$0x3FBB]  }
0x3d: {  	_ =	shalt  }
0x3e: {  	_ =	shalt  }
0x3f: {  	_ =	shalt  }
0x40: {  	_ =	shalt  }
0x41: {  	_ =	shalt  }
0x42: {  	_ =	shalt  }
0x43: {  	_ =	shalt  }
0x44: {  	_ =	shalt  }
0x45: {  	_ =	shalt  }
0x46: {  	_ =	shalt  }
0x47: {  	_ =	shalt  }
0x48: {  	_ =	shalt  }
0x49: {  	_ =	shalt  }
0x4a: {  	_ =	shalt  }
0x4b: {  	_ =	shalt  }
0x4c: {  	_ =	shalt  }
0x4d: {  	_ =	shalt  }
0x4e: {  	_ =	shalt  }
0x4f: {  	_ =	shalt  }
0x50: {  	_ =	shalt  }
0x51: {  	_ =	shalt  }
0x52: {  	_ =	shalt  }
0x53: {  	_ =	shalt  }
0x54: {  	_ =	shalt  }
0x55: {  	_ =	shalt  }
0x56: {  	_ =	shalt  }
0x57: {  	_ =	shalt  }
0x58: {  	_ =	shalt  }
0x59: {  	_ =	shalt  }
0x5a: {  	_ =	shalt  }
0x5b: {  	_ =	shalt  }
0x5c: {  	_ =	shalt  }
0x5d: {  	_ =	shalt  }
0x5e: {  	_ =	shalt  }
0x5f: {  	_ =	shalt  }
0x60: {  	_ =	shalt  }
0x61: {  	_ =	shalt  }
0x62: {  	_ =	shalt  }
0x63: {  	_ =	shalt  }
0x64: {  	_ =	shalt  }
0x65: {  	_ =	shalt  }
0x66: {  	_ =	shalt  }
0x67: {  	_ =	shalt  }
0x68: {  	_ =	shalt  }
0x69: {  	_ =	shalt  }
0x6a: {  	_ =	shalt  }
0x6b: {  	_ =	shalt  }
0x6c: {  	_ =	shalt  }
0x6d: {  	_ =	shalt  }
0x6e: {  	_ =	shalt  }
0x6f: {  	_ =	shalt  }
0x70: {  	_ =	shalt  }
0x71: {  	_ =	shalt  }
0x72: {  	_ =	shalt  }
0x73: {  	_ =	shalt  }
0x74: {  	_ =	shalt  }
0x75: {  	_ =	shalt  }
0x76: {  	_ =	shalt  }
0x77: {  	_ =	shalt  }
0x78: {  	_ =	shalt  }
0x79: {  	_ =	shalt  }
0x7a: {  	_ =	shalt  }
0x7b: {  	_ =	shalt  }
0x7c: {  	_ =	shalt  }
0x7d: {  	_ =	shalt  }
0x7e: {  	_ =	shalt  }
0x7f: {  	_ =	shalt  }
0x80: {  	_ =	shalt  }
0x81: {  	_ =	shalt  }
0x82: {  	_ =	shalt  }
0x83: {  	_ =	shalt  }
0x84: {  	_ =	shalt  }
0x85: {  	_ =	shalt  }
0x86: {  	_ =	shalt  }
0x87: {  	_ =	shalt  }
.Lfunc_end0:
.L_simem_size_0:
called_computation_lowered:
.L_overlay_start_0:
0x88: {  	s0 =	sld [smem:$0x3FD9]  }
0x89: {  	s1 =	sld [smem:$0x3FFE];
	_ =	sdelay $0x3  }
0x8a: {  	s0 =	sadd.s32 s1, s0  }
0x8b: {  	[smem:$0x3FC7] =	sst s0  }
0x8c: {  	_ = 	snop  }
0x8d: {  	s0 =	sld [smem:$0x3FD0];
	(tm) =	ssettm $0x1  }
0x8e: {  	s16 =	sld [smem:$0x3FFB];
	_ =	sdelay $0x3  }
0x8f: {  	_ =	strace s16  }
0x90: {  	s1 =	sld [smem:$0x3FFC];
	_ =	sdelay $0x3  }
0x91: {  	_ =	strace s1  }
0x92: {  	s1 =	sld [smem:$0x3FFD];
	_ =	sdelay $0x3  }
0x93: {  	_ =	strace s1  }
0x94: {  	_ =	strace $0x8FFFFFFF  }
0x95: {  	s17 =	sld [smem:$0x3FDB];
	_ =	sdelay $0x1  }
0x96: {  	s2 =	simm.s32 $_scs_section_size  }
0x97: {  	s3 =	simm.s32 $_size__tile_overlayer_lowered;
	s4 =	simm.s32 $_tile_overlayer_lowered  }
0x98: {  	s20 =	simm.s32 $0x1BFF;
	s19 =	sshll.u32 s4, $0x1;
	s1 =	sadd.s32 s2, s17  }
0x99: {  	s5 =	simm.s32 $0x0;
	s18 =	sshll.u32 s3, $0x1;
	s3 =	sadd.s32 s19, s1  }
0x9a: {  	[timem:s5], [sflag:s20] =	dma.local [hbm:s3], s18  }
0x9b: {  	_ =	swait.ge [sflag:s20], s18  }
0x9c: {  	s2 =	ssub.s32 $0x0, s18;
	[sflag:s20] =	ssyncset.done $0x0  }
0x9d: {  	[sflag:s20] =	ssyncadd.s32 s2;
	_ =	sdelay $0x1  }
0x9e: {  	s21 =	simm.s32 $0x1B8B  }
0x9f: {  	_ =	swait.ge [sflag:s21], $0x1  }
0xa0: {  	[sflag:s21] =	ssyncset.done $0x0  }
0xa1: {  	s23 =	simm.s32 $0x1B8E;
	s22 =	sld [smem:$0x3FFE];
	[sflag:s21] =	ssyncadd.s32 $0xFFFFFFFF  }
0xa2: {  	s24 =	simm.s32 $execute0_lowered;
	[smem:$0x3FD2] =	sst s23  }
0xa3: {  	s3 =	sshll.u32 s24, $0x1;
	_ =	strace $0x80000046;
	[dreg:$0x1] =	wrdreg $0xFFFFFFFF  }
0xa4: {  	s25 =	simm.s32 $_size_execute0_lowered;
	s1 =	sadd.s32 s1, s3;
	[dreg:$0x0] =	wrdreg $0x0  }
0xa5: {  	s3 =	sshll.u32 s25, $0x1;
	[dreg:$0x2] =	wrdreg s1  }
0xa6: {  	[dreg:$0x3] =	wrdreg s3  }
0xa7: {  	[dreg:$0x4] =	wrdreg $0xC0  }
0xa8: {  	_ =	task [dreg:s5], $0x5FFFF  }
0xa9: {  	[dreg:$0x1] =	wrdreg $0xFFFFFFFF  }
0xaa: {  	[dreg:$0x0] =	wrdreg $0x60  }
0xab: {  	[dreg:$0x2] =	wrdreg s0  }
0xac: {  	[dreg:$0x3] =	wrdreg s22  }
0xad: {  	[dreg:$0x4] =	wrdreg $0x9  }
0xae: {  	_ =	task.clear_ibuf [dreg:s5], $0x5FFFF;
	_ =	strace $0x90000046  }
0xaf: {  	s26 =	simm.s32 $0x9;
	_ =	strace $0x80000048  }
0xb0: {  	_ =	swait.ge [sflag:s26], $0x1  }
0xb1: {  	[sflag:s26] =	ssyncadd.s32 $0xFFFFFFFF  }
0xb2: {  	_ =	strace $0x90000048  }
0xb3: {  	_ =	sfence  }
0xb4: {  	s28 =	sld [smem:$0x0];
	_ =	sdelay $0x1  }
0xb5: {  	s29 =	srdreg.scid  }
0xb6: {  	s30 =	sshll.u32 s29, $0xD;
	s31 =	sshrl.u32 s29, $0x2  }
0xb7: {  	s2 =	sand.u32 $0x4000, s30;
	s1 =	sand.u32 $0x1, s29;
	s0 =	sadd.s32 s31, s28  }
0xb8: {  	s1 =	sor.u32 s2, s1;
	s0 =	sshll.u32 s0, $0x11  }
0xb9: {  	s0 =	sor.u32 s0, s1  }
0xba: {  	s0 =	sadd.s32 $0x8F2B, s0  }
0xbb: {  	[sflag:s0] =	ssyncadd.remote.s32 $0x1  }
0xbc: {  	_ =	sfence.sel $0xFFFF  }
0xbd: {  	[dreg:$0x0] =	wrdreg $0xFFFFFFFF;
	(pc) =	sbr.abs _section_cstart, $3  }
0xbe: {  	[dreg:$0x1] =	wrdreg $0xFFFFFFFF  }
0xbf: {  	_ =	task.clear_ibuf [dreg:s5], $0x2FFFF;
	_ =	strace $0x9FFFFFFF  }
0xc0: {  	(tm) =	ssettm $0x7FFFFFFF  }
0xc1: {  	_ =	shalt  }
tec
execute0_lowered:
.L_overlay_start_1:
0x0: {  	(tag) =	ssettag $0x1  }
0x1: {  	s4 =	rddreg [dreg:$0x0]  }
0x2: {  	s3 =	rddreg [dreg:$0x1]  }
0x3: {  	s0 =	rddreg [dreg:$0x2];
	s2 =	simm.s32 $0x0;
	s1 =	stileid.u32  }
0x4: {  	[smem:$0x7FF] =	sst s2;
	s5 =	sshll.u32 s1, $0x9  }
0x5: {  	s31 =	simm.s32 $0x1;
	_ =	strace $0x80000047;
	s4 =	sadd.s32 s4, s5  }
0x6: {  	[tilespmem:s2], [sflag:$0x1] =	stream.linear.gather [hbm4b:s4+s2], $0x1000, $0x38;
	[tilespmem:$0x1000] =	vst v63  }
0x7: {  	_ =	swait.ge [sflag:s31], $0x1000  }
0x8: {  	[sflag:s31] =	ssyncset.done $0x0  }
0x9: {  	[sflag:s31] =	ssyncadd.s32 $0xFFFFF000  }
0xa: {  	v0 =	vld [tilespmem:$0x0]  }
0xb: {  	v1 =	vld [tilespmem:$0x10]  }
0xc: {  	v2 =	vld [tilespmem:$0x20]  }
0xd: {  	v3 =	vld [tilespmem:$0x80]  }
0xe: {  	v4 =	vld [tilespmem:$0x90]  }
0xf: {  	v5 =	vld [tilespmem:$0xA0];
	v0 =	vadd.f32 v0, v0  }
0x10: {  	v6 =	vld [tilespmem:$0x100];
	v1 =	vadd.f32 v1, v1  }
0x11: {  	v48 =	vld [tilespmem:$0x110];
	v47 =	vadd.f32 v2, v2;
	[tilespmem:$0x0] =	vst v0  }
0x12: {  	v50 =	vld [tilespmem:$0x120];
	v49 =	vadd.f32 v3, v3;
	[tilespmem:$0x10] =	vst v1  }
0x13: {  	v52 =	vld [tilespmem:$0x180];
	v51 =	vadd.f32 v4, v4;
	[tilespmem:$0x20] =	vst v47  }
0x14: {  	v54 =	vld [tilespmem:$0x190];
	v53 =	vadd.f32 v5, v5;
	[tilespmem:$0x80] =	vst v49  }
0x15: {  	v56 =	vld [tilespmem:$0x1A0];
	v55 =	vadd.f32 v6, v6;
	[tilespmem:$0x90] =	vst v51  }
0x16: {  	v58 =	vld [tilespmem:$0x200];
	v57 =	vadd.f32 v48, v48;
	[tilespmem:$0xA0] =	vst v53  }
0x17: {  	v60 =	vld [tilespmem:$0x210];
	v59 =	vadd.f32 v50, v50;
	[tilespmem:$0x100] =	vst v55  }
0x18: {  	v62 =	vld [tilespmem:$0x220];
	v61 =	vadd.f32 v52, v52;
	[tilespmem:$0x110] =	vst v57  }
0x19: {  	v9 =	vld [tilespmem:$0x280];
	v63 =	vadd.f32 v54, v54;
	[tilespmem:$0x120] =	vst v59  }
0x1a: {  	v11 =	vld [tilespmem:$0x290];
	v10 =	vadd.f32 v56, v56;
	[tilespmem:$0x180] =	vst v61  }
0x1b: {  	v13 =	vld [tilespmem:$0x2A0];
	v12 =	vadd.f32 v58, v58;
	[tilespmem:$0x190] =	vst v63  }
0x1c: {  	v15 =	vld [tilespmem:$0x300];
	v14 =	vadd.f32 v60, v60;
	[tilespmem:$0x1A0] =	vst v10  }
0x1d: {  	v17 =	vld [tilespmem:$0x310];
	v16 =	vadd.f32 v62, v62;
	[tilespmem:$0x200] =	vst v12  }
0x1e: {  	v19 =	vld [tilespmem:$0x320];
	v18 =	vadd.f32 v9, v9;
	[tilespmem:$0x210] =	vst v14  }
0x1f: {  	v21 =	vld [tilespmem:$0x380];
	v20 =	vadd.f32 v11, v11;
	[tilespmem:$0x220] =	vst v16  }
0x20: {  	v23 =	vld [tilespmem:$0x390];
	v22 =	vadd.f32 v13, v13;
	[tilespmem:$0x280] =	vst v18  }
0x21: {  	v25 =	vld [tilespmem:$0x3A0];
	v24 =	vadd.f32 v15, v15;
	[tilespmem:$0x290] =	vst v20  }
0x22: {  	v27 =	vld [tilespmem:$0x400];
	v26 =	vadd.f32 v17, v17;
	[tilespmem:$0x2A0] =	vst v22  }
0x23: {  	v29 =	vld [tilespmem:$0x410];
	v28 =	vadd.f32 v19, v19;
	[tilespmem:$0x300] =	vst v24  }
0x24: {  	v31 =	vld [tilespmem:$0x420];
	v30 =	vadd.f32 v21, v21;
	[tilespmem:$0x310] =	vst v26  }
0x25: {  	v33 =	vld [tilespmem:$0x480];
	v32 =	vadd.f32 v23, v23;
	[tilespmem:$0x320] =	vst v28  }
0x26: {  	v35 =	vld [tilespmem:$0x490];
	v34 =	vadd.f32 v25, v25;
	[tilespmem:$0x380] =	vst v30  }
0x27: {  	v37 =	vld [tilespmem:$0x4A0];
	v36 =	vadd.f32 v27, v27;
	[tilespmem:$0x390] =	vst v32  }
0x28: {  	v39 =	vld [tilespmem:$0x500];
	v38 =	vadd.f32 v29, v29;
	[tilespmem:$0x3A0] =	vst v34  }
0x29: {  	v41 =	vld [tilespmem:$0x510];
	v40 =	vadd.f32 v31, v31;
	[tilespmem:$0x400] =	vst v36  }
0x2a: {  	v43 =	vld [tilespmem:$0x520];
	v42 =	vadd.f32 v33, v33;
	[tilespmem:$0x410] =	vst v38  }
0x2b: {  	v45 =	vld [tilespmem:$0x580];
	v44 =	vadd.f32 v35, v35;
	[tilespmem:$0x420] =	vst v40  }
0x2c: {  	v46 =	vadd.f32 v37, v37;
	v9 =	vld [tilespmem:$0x710];
	[tilespmem:$0x480] =	vst v42  }
0x2d: {  	v48 =	vadd.f32 v39, v39;
	v11 =	vld [tilespmem:$0x720];
	[tilespmem:$0x490] =	vst v44  }
0x2e: {  	v50 =	vadd.f32 v41, v41;
	v13 =	vld [tilespmem:$0x780];
	[tilespmem:$0x4A0] =	vst v46  }
0x2f: {  	v52 =	vadd.f32 v43, v43;
	v15 =	vld [tilespmem:$0x790];
	[tilespmem:$0x500] =	vst v48  }
0x30: {  	v54 =	vadd.f32 v45, v45;
	v17 =	vld [tilespmem:$0x7A0];
	[tilespmem:$0x510] =	vst v50  }
0x31: {  	v19 =	vld [tilespmem:$0x800];
	[tilespmem:$0x520] =	vst v52;
	v18 =	vadd.f32 v9, v9  }
0x32: {  	v21 =	vld [tilespmem:$0x810];
	[tilespmem:$0x580] =	vst v54;
	v20 =	vadd.f32 v11, v11  }
0x33: {  	v23 =	vld [tilespmem:$0x820];
	v22 =	vadd.f32 v13, v13;
	[tilespmem:$0x710] =	vst v18  }
0x34: {  	v25 =	vld [tilespmem:$0x880];
	v24 =	vadd.f32 v15, v15;
	[tilespmem:$0x720] =	vst v20  }
0x35: {  	v27 =	vld [tilespmem:$0x890];
	v26 =	vadd.f32 v17, v17;
	[tilespmem:$0x780] =	vst v22  }
0x36: {  	v29 =	vld [tilespmem:$0x8A0];
	v28 =	vadd.f32 v19, v19;
	[tilespmem:$0x790] =	vst v24  }
0x37: {  	v31 =	vld [tilespmem:$0x900];
	v30 =	vadd.f32 v21, v21;
	[tilespmem:$0x7A0] =	vst v26  }
0x38: {  	v33 =	vld [tilespmem:$0x910];
	v32 =	vadd.f32 v23, v23;
	[tilespmem:$0x800] =	vst v28  }
0x39: {  	v35 =	vld [tilespmem:$0x920];
	v34 =	vadd.f32 v25, v25;
	[tilespmem:$0x810] =	vst v30  }
0x3a: {  	v37 =	vld [tilespmem:$0x980];
	v36 =	vadd.f32 v27, v27;
	[tilespmem:$0x820] =	vst v32  }
0x3b: {  	v39 =	vld [tilespmem:$0x990];
	v38 =	vadd.f32 v29, v29;
	[tilespmem:$0x880] =	vst v34  }
0x3c: {  	v41 =	vld [tilespmem:$0x9A0];
	v40 =	vadd.f32 v31, v31;
	[tilespmem:$0x890] =	vst v36  }
0x3d: {  	v43 =	vld [tilespmem:$0xA00];
	v42 =	vadd.f32 v33, v33;
	[tilespmem:$0x8A0] =	vst v38  }
0x3e: {  	v45 =	vld [tilespmem:$0xA10];
	v44 =	vadd.f32 v35, v35;
	[tilespmem:$0x900] =	vst v40  }
0x3f: {  	v47 =	vld [tilespmem:$0x590];
	v46 =	vadd.f32 v37, v37;
	[tilespmem:$0x910] =	vst v42  }
0x40: {  	v49 =	vld [tilespmem:$0x5A0];
	v48 =	vadd.f32 v39, v39;
	[tilespmem:$0x920] =	vst v44  }
0x41: {  	v51 =	vld [tilespmem:$0x600];
	v50 =	vadd.f32 v41, v41;
	[tilespmem:$0x980] =	vst v46  }
0x42: {  	v53 =	vld [tilespmem:$0x610];
	v52 =	vadd.f32 v43, v43;
	[tilespmem:$0x990] =	vst v48  }
0x43: {  	v55 =	vld [tilespmem:$0x620];
	v54 =	vadd.f32 v45, v45;
	[tilespmem:$0x9A0] =	vst v50  }
0x44: {  	v57 =	vld [tilespmem:$0x680];
	v56 =	vadd.f32 v47, v47;
	[tilespmem:$0xA00] =	vst v52  }
0x45: {  	v59 =	vld [tilespmem:$0x690];
	v58 =	vadd.f32 v49, v49;
	[tilespmem:$0xA10] =	vst v54  }
0x46: {  	v61 =	vld [tilespmem:$0x6A0];
	v60 =	vadd.f32 v51, v51;
	[tilespmem:$0x590] =	vst v56  }
0x47: {  	v63 =	vld [tilespmem:$0x700];
	v62 =	vadd.f32 v53, v53;
	[tilespmem:$0x5A0] =	vst v58  }
0x48: {  	v8 =	vadd.f32 v55, v55;
	v47 =	vld [tilespmem:$0xA20];
	[tilespmem:$0x600] =	vst v60  }
0x49: {  	v10 =	vadd.f32 v57, v57;
	v49 =	vld [tilespmem:$0xA80];
	[tilespmem:$0x610] =	vst v62  }
0x4a: {  	v12 =	vadd.f32 v59, v59;
	v51 =	vld [tilespmem:$0xA90];
	[tilespmem:$0x620] =	vst v8  }
0x4b: {  	v14 =	vadd.f32 v61, v61;
	v53 =	vld [tilespmem:$0xAA0];
	[tilespmem:$0x680] =	vst v10  }
0x4c: {  	v16 =	vadd.f32 v63, v63;
	v55 =	vld [tilespmem:$0xB00];
	[tilespmem:$0x690] =	vst v12  }
0x4d: {  	v57 =	vld [tilespmem:$0xB10];
	[tilespmem:$0x6A0] =	vst v14;
	v56 =	vadd.f32 v47, v47  }
0x4e: {  	v59 =	vld [tilespmem:$0xB20];
	[tilespmem:$0x700] =	vst v16;
	v58 =	vadd.f32 v49, v49  }
0x4f: {  	v61 =	vld [tilespmem:$0xB80];
	v60 =	vadd.f32 v51, v51;
	[tilespmem:$0xA20] =	vst v56  }
0x50: {  	v63 =	vld [tilespmem:$0xB90];
	v62 =	vadd.f32 v53, v53;
	[tilespmem:$0xA80] =	vst v58  }
0x51: {  	v18 =	vld [tilespmem:$0xC80];
	v9 =	vadd.f32 v55, v55;
	[tilespmem:$0xA90] =	vst v60  }
0x52: {  	v20 =	vld [tilespmem:$0xC90];
	v11 =	vadd.f32 v57, v57;
	[tilespmem:$0xAA0] =	vst v62  }
0x53: {  	v22 =	vld [tilespmem:$0xCA0];
	v13 =	vadd.f32 v59, v59;
	[tilespmem:$0xB00] =	vst v9  }
0x54: {  	v24 =	vld [tilespmem:$0xD00];
	v15 =	vadd.f32 v61, v61;
	[tilespmem:$0xB10] =	vst v11  }
0x55: {  	v26 =	vld [tilespmem:$0xD10];
	v17 =	vadd.f32 v63, v63;
	[tilespmem:$0xB20] =	vst v13  }
0x56: {  	v28 =	vld [tilespmem:$0xD20];
	v27 =	vadd.f32 v18, v18;
	[tilespmem:$0xB80] =	vst v15  }
0x57: {  	v30 =	vld [tilespmem:$0xD80];
	v29 =	vadd.f32 v20, v20;
	[tilespmem:$0xB90] =	vst v17  }
0x58: {  	v32 =	vld [tilespmem:$0xD90];
	v31 =	vadd.f32 v22, v22;
	[tilespmem:$0xC80] =	vst v27  }
0x59: {  	v34 =	vld [tilespmem:$0xDA0];
	v33 =	vadd.f32 v24, v24;
	[tilespmem:$0xC90] =	vst v29  }
0x5a: {  	v36 =	vld [tilespmem:$0xE00];
	v35 =	vadd.f32 v26, v26;
	[tilespmem:$0xCA0] =	vst v31  }
0x5b: {  	v38 =	vld [tilespmem:$0xE10];
	v37 =	vadd.f32 v28, v28;
	[tilespmem:$0xD00] =	vst v33  }
0x5c: {  	v40 =	vld [tilespmem:$0xE20];
	v39 =	vadd.f32 v30, v30;
	[tilespmem:$0xD10] =	vst v35  }
0x5d: {  	v42 =	vld [tilespmem:$0xE80];
	v41 =	vadd.f32 v32, v32;
	[tilespmem:$0xD20] =	vst v37  }
0x5e: {  	v44 =	vld [tilespmem:$0xE90];
	v43 =	vadd.f32 v34, v34;
	[tilespmem:$0xD80] =	vst v39  }
0x5f: {  	v46 =	vld [tilespmem:$0xEA0];
	v45 =	vadd.f32 v36, v36;
	[tilespmem:$0xD90] =	vst v41  }
0x60: {  	v48 =	vld [tilespmem:$0xF00];
	v47 =	vadd.f32 v38, v38;
	[tilespmem:$0xDA0] =	vst v43  }
0x61: {  	v50 =	vld [tilespmem:$0xF10];
	v49 =	vadd.f32 v40, v40;
	[tilespmem:$0xE00] =	vst v45  }
0x62: {  	v54 =	vld [tilespmem:$0xF80];
	v51 =	vadd.f32 v42, v42;
	[tilespmem:$0xE10] =	vst v47  }
0x63: {  	v10 =	vld [tilespmem:$0xBA0];
	v53 =	vadd.f32 v44, v44;
	[tilespmem:$0xE20] =	vst v49  }
0x64: {  	v12 =	vld [tilespmem:$0xC00];
	v55 =	vadd.f32 v46, v46;
	[tilespmem:$0xE80] =	vst v51  }
0x65: {  	v14 =	vld [tilespmem:$0xC10];
	v57 =	vadd.f32 v48, v48;
	[tilespmem:$0xE90] =	vst v53  }
0x66: {  	v16 =	vld [tilespmem:$0xC20];
	v59 =	vadd.f32 v50, v50;
	[tilespmem:$0xEA0] =	vst v55  }
0x67: {  	v52 =	vld [tilespmem:$0xF20];
	v61 =	vadd.f32 v54, v54;
	[tilespmem:$0xF00] =	vst v57  }
0x68: {  	v19 =	vadd.f32 v10, v10;
	v56 =	vld [tilespmem:$0xF90];
	[tilespmem:$0xF10] =	vst v59  }
0x69: {  	v21 =	vadd.f32 v12, v12;
	v58 =	vld [tilespmem:$0xFA0];
	[tilespmem:$0xF80] =	vst v61  }
0x6a: {  	v23 =	vadd.f32 v14, v14;
	[tilespmem:$0xBA0] =	vst v19  }
0x6b: {  	v25 =	vadd.f32 v16, v16;
	[tilespmem:$0xC00] =	vst v21  }
0x6c: {  	v60 =	vadd.f32 v52, v52;
	[tilespmem:$0xC10] =	vst v23  }
0x6d: {  	[tilespmem:$0xC20] =	vst v25;
	v62 =	vadd.f32 v56, v56  }
0x6e: {  	[tilespmem:$0xF20] =	vst v60;
	v63 =	vadd.f32 v58, v58  }
0x6f: {  	s3 =	sadd.s32 s5, s3;
	[tilespmem:$0xF90] =	vst v62  }
0x70: {  	s3 =	sadd.s32 $0x400, s3;
	[tilespmem:$0xFA0] =	vst v63  }
0x71: {  	[hbm4b:s3+s2] =	stream.linear.scatter [tilespmem:s2], [sflag:$0x1], $0x1000, $0x38;
	[tilespmem:$0x1000] =	vst v63  }
0x72: {  	_ =	swait.ge [sflag:s31], $0x1000  }
0x73: {  	[sflag:s31] =	ssyncset.done $0x0  }
0x74: {  	[sflag:s31] =	ssyncadd.s32 $0xFFFFF000  }
0x75: {  	_ =	sfence.sel $0x180000  }
0x76: {  	[bflag:$0x0] =	sbarrier.arrive $0xFFFF  }
0x77: {  	p0 =	sne.s32 s1, $0x0;
	_ =	strace $0x90000047  }
0x78: {  	s0 =	sadd.s32 @!p0 $0x100000, s0;
	[bflag:$0x2] =	sbarrier.arrive $0xFFFF  }
0x79: {  	[sflag:s0] =	ssyncadd.tile.s32 @!p0 $0x1;
	_ =	shalt  }
.Lfunc_end2:
_tile_overlayer_lowered:
.L_overlay_start_2:
0x7a: {  	(tag) =	ssettag $0x2  }
0x7b: {  	s0 =	rddreg [dreg:$0x0];
	s2 =	stileid.u32  }
0x7c: {  	s1 =	rddreg [dreg:$0x1];
	p0 =	sne.s32 s2, $0x0  }
0x7d: {  	s3 =	rddreg [dreg:$0x2];
	[bflag:$0x3] =	sbarrier.arrive $0xFFFF;
	s2 =	simm.s32 @!p0 $0x1C01  }
0x7e: {  	[timem:s3], [sflag:s2] =	dma.local @!p0 [hbm:s0], s1  }
0x7f: {  	s0 =	simm.s32 @!p0 $0x1  }
0x80: {  	_ =	swait.ge @!p0 [sflag:s0], s1  }
0x81: {  	s1 =	ssub.s32 @!p0 $0x0, s1;
	[sflag:s0] =	ssyncset.done @!p0 $0x0  }
0x82: {  	[sflag:s0] =	ssyncadd.s32 @!p0 s1  }
0x83: {  	[bflag:$0x3] =	sbarrier.arrive $0xFFFF  }
0x84: {  	_ =	shalt  }

</sc_bundles>
